<compile_context>
chip_gen: v7x
topology: tpu7x:2x2x1
jax: 0.10.2.dev20260603
libtpu: 0.0.44.dev20260713+nightly
codegen_flags: <defaults>
</compile_context>

<pallas_src>
import functools

import jax
import jax.numpy as jnp
from jax import lax
from jax.experimental import pallas as pl
from jax.experimental.pallas import tpu as pltpu
from jax.experimental.pallas import tpu_sc as plsc

_NBUF = 4
_LOOK = 2


def _emb_kernel(x_hbm, wt_hbm, pt_hbm, out_hbm, idx_v, rows_v, pos_v,
                gsem, ssem):
    nc = plsc.get_sparse_core_info().num_cores
    c = lax.axis_index("c")
    s = lax.axis_index("s")
    wid = s * nc + c
    seq_per_w = idx_v.shape[0]
    seq = idx_v.shape[1]
    d = rows_v.shape[2]

    pltpu.sync_copy(x_hbm.at[pl.ds(wid * seq_per_w, seq_per_w)], idx_v)
    pltpu.sync_copy(pt_hbm, pos_v)

    def gather(j, b):
        return pltpu.make_async_copy(
            wt_hbm.at[idx_v.at[j]], rows_v.at[b], gsem.at[b])

    def scatter(j, b):
        return pltpu.make_async_copy(
            rows_v.at[b], out_hbm.at[pl.ds((wid * seq_per_w + j) * seq, seq)],
            ssem.at[b])

    for b in range(_LOOK):
        gather(b, b).start()

    def group(g, carry):
        for b in range(_NBUF):
            j = g * _NBUF + b
            b2 = (b + _LOOK) % _NBUF
            j2 = j + _LOOK

            @pl.when(j2 < seq_per_w)
            def _():
                @pl.when(j2 >= _NBUF)
                def _():
                    scatter(j2 - _NBUF, b2).wait()
                gather(j2, b2).start()

            gather(j, b).wait()

            def addrow(p, carry2):
                for t in range(d // 16):
                    plsc.addupdate(
                        rows_v.at[b, p, pl.ds(t * 16, 16)],
                        pos_v[p, pl.ds(t * 16, 16)],
                    )
                return carry2

            lax.fori_loop(0, seq, addrow, 0, unroll=4)

            scatter(j, b).start()
        return carry

    lax.fori_loop(0, seq_per_w // _NBUF, group, 0)

    for b in range(_NBUF):
        scatter(seq_per_w - _NBUF + b, b).wait()


def kernel(x, word_table, pos_table):
    batch, seq = x.shape
    vocab, d = word_table.shape
    x = x.astype(jnp.int32)

    info = plsc.get_sparse_core_info()
    nw = info.num_cores * info.num_subcores
    seq_per_w = batch // nw

    mesh = plsc.VectorSubcoreMesh(core_axis_name="c", subcore_axis_name="s")
    run = functools.partial(
        pl.kernel,
        mesh=mesh,
        out_type=jax.ShapeDtypeStruct((batch * seq, d), jnp.float32),
        scratch_types=[
            pltpu.VMEM((seq_per_w, seq), jnp.int32),
            pltpu.VMEM((_NBUF, seq, d), jnp.float32),
            pltpu.VMEM((seq, d), jnp.float32),
            pltpu.SemaphoreType.DMA((_NBUF,)),
            pltpu.SemaphoreType.DMA((_NBUF,)),
        ],
    )(_emb_kernel)

    out = run(x, word_table, pos_table)
    return out.reshape(batch, seq, d)

# --- scband reference (transcript-rebuilt; emitter-appended) ---
"""Pipeline reference for scband-token-and-position-embedding-3204045602984 (READ-ONLY COPY).

The authoritative reference and input builder live on the scoring server;
editing this copy changes nothing except your own understanding.
"""

import jax, jax.numpy as jnp
import numpy as np

VOCAB = 100000
EMBED = 128
MAXLEN = 128
BATCH = 4096
SEQ = 128

def setup_inputs(seed: int = 0) -> dict:
    key = jax.random.key(seed)
    k1, k2, k3 = jax.random.split(key, 3)
    x = jax.random.randint(k1, (BATCH, SEQ), 0, VOCAB, dtype=jnp.int64 if jax.config.jax_enable_x64 else jnp.int32)
    word_table = jax.random.normal(k2, (VOCAB, EMBED), dtype=jnp.float32)
    pos_table = jax.random.normal(k3, (MAXLEN, EMBED), dtype=jnp.float32)
    return {"x": x, "word_table": word_table, "pos_table": pos_table}

def reference(x, word_table, pos_table):
    N, seq_len = x.shape
    positions = jnp.broadcast_to(jnp.arange(seq_len), (N, seq_len))
    output1 = jnp.take(word_table, x, axis=0)
    output2 = jnp.take(pos_table, positions, axis=0)
    return output1 + output2

if __name__ == "__main__":
    import jax
    _d = setup_inputs()
    print(jax.jit(kernel)(*tuple(_d.values())))

</pallas_src>

<mosaic_0001>
#map = affine_map<(d0, d1) -> (0, 0)>
module attributes {stable_mosaic.version = 14 : i64} {
  func.func @_emb_kernel(%arg0: i32, %arg1: i32, %arg2: memref<4096x128xi32, #tpu.memory_space<hbm>>, %arg3: memref<100000x128xf32, #tpu.memory_space<hbm>>, %arg4: memref<128x128xf32, #tpu.memory_space<hbm>>, %arg5: memref<524288x128xf32, #tpu.memory_space<hbm>>, %arg6: memref<128x128xi32, #tpu.memory_space<vmem>>, %arg7: memref<4x128x128xf32, #tpu.memory_space<vmem>>, %arg8: memref<128x128xf32, #tpu.memory_space<vmem>>, %arg9: memref<4x!tpu.dma_semaphore, #tpu.memory_space<semaphore_mem>>, %arg10: memref<4x!tpu.dma_semaphore, #tpu.memory_space<semaphore_mem>>) attributes {dimension_semantics = [#tpu.dimension_semantics<core_parallel>, #tpu.dimension_semantics<subcore_parallel>], iteration_bounds = array<i64: 2, 16>, scalar_prefetch = 0 : i64, scratch_operands = 5 : i64, tpu.core_type = #tpu.core_type<sc_vector_subcore>, window_params = [{transform_indices = #map}, {transform_indices = #map}, {transform_indices = #map}, {transform_indices = #map}]} {
    %mul3A = arith.constant 2 : i32
    %mul3A_0 = arith.muli %arg1, %mul3A : i32
    %add3A = arith.addi %mul3A_0, %arg0 : i32
    %mul3A_1 = arith.constant 128 : i32
    %mul3A_2 = arith.muli %add3A, %mul3A_1 : i32
    "tpu.region"() ({
      %run_scoped3A = tpu.sem_alloc : memref<!tpu.dma_semaphore, #tpu.memory_space<semaphore_mem>>
      %dma_start3A_124 = arith.constant 0 : i32
      %dma_start3A_125 = tpu.memref_slice %arg2[%mul3A_2, %dma_start3A_124] : memref<4096x128xi32, #tpu.memory_space<hbm>> -> memref<128x128xi32, #tpu.memory_space<hbm>>
      %dma_start3A_126 = arith.constant 0 : i32
      %dma_start3A_127 = tpu.memref_slice %arg2[%mul3A_2, %dma_start3A_126] : memref<4096x128xi32, #tpu.memory_space<hbm>> -> memref<128x128xi32, #tpu.memory_space<hbm>>
      tpu.enqueue_dma source(%dma_start3A_127 : memref<128x128xi32, #tpu.memory_space<hbm>>) target(%arg6 : memref<128x128xi32, #tpu.memory_space<vmem>>) target_semaphore(%run_scoped3A : memref<!tpu.dma_semaphore, #tpu.memory_space<semaphore_mem>>)
      %dma_wait3A_128 = arith.constant 0 : i32
      %dma_wait3A_129 = tpu.memref_slice %arg2[%mul3A_2, %dma_wait3A_128] : memref<4096x128xi32, #tpu.memory_space<hbm>> -> memref<128x128xi32, #tpu.memory_space<hbm>>
      %dma_wait3A_130 = arith.constant 0 : i32
      %dma_wait3A_131 = tpu.memref_slice %arg2[%mul3A_2, %dma_wait3A_130] : memref<4096x128xi32, #tpu.memory_space<hbm>> -> memref<128x128xi32, #tpu.memory_space<hbm>>
      tpu.wait_dma2 semaphore(%run_scoped3A : memref<!tpu.dma_semaphore, #tpu.memory_space<semaphore_mem>>) src(%dma_wait3A_131 : memref<128x128xi32, #tpu.memory_space<hbm>>) dst(%arg6 : memref<128x128xi32, #tpu.memory_space<vmem>>)
      tpu.yield
    }) : () -> ()
    "tpu.region"() ({
      %run_scoped3A = tpu.sem_alloc : memref<!tpu.dma_semaphore, #tpu.memory_space<semaphore_mem>>
      tpu.enqueue_dma source(%arg4 : memref<128x128xf32, #tpu.memory_space<hbm>>) target(%arg8 : memref<128x128xf32, #tpu.memory_space<vmem>>) target_semaphore(%run_scoped3A : memref<!tpu.dma_semaphore, #tpu.memory_space<semaphore_mem>>)
      tpu.wait_dma2 semaphore(%run_scoped3A : memref<!tpu.dma_semaphore, #tpu.memory_space<semaphore_mem>>) src(%arg4 : memref<128x128xf32, #tpu.memory_space<hbm>>) dst(%arg8 : memref<128x128xf32, #tpu.memory_space<vmem>>)
      tpu.yield
    }) : () -> ()
    %dma_start3A = arith.constant 0 : i32
    %dma_start3A_3 = arith.constant 0 : i32
    %dma_start3A_4 = arith.constant 0 : i32
    %dma_start3A_5 = arith.constant 0 : i32
    %dma_start3A_6 = arith.constant 0 : i32
    %dma_start3A_7 = tpu.memref_slice %arg7[%dma_start3A_3, %dma_start3A_5, %dma_start3A_6] : memref<4x128x128xf32, #tpu.memory_space<vmem>> -> memref<1x128x128xf32, #tpu.memory_space<vmem>>
    %dma_start3A_8 = tpu.memref_squeeze %dma_start3A_7 : memref<1x128x128xf32, #tpu.memory_space<vmem>> -> memref<128x128xf32, #tpu.memory_space<vmem>>
    %dma_start3A_9 = arith.constant 0 : i32
    %dma_start3A_10 = tpu.memref_slice %arg6[%dma_start3A, %dma_start3A_9] : memref<128x128xi32, #tpu.memory_space<vmem>> -> memref<1x128xi32, #tpu.memory_space<vmem>>
    %dma_start3A_11 = tpu.memref_squeeze %dma_start3A_10 : memref<1x128xi32, #tpu.memory_space<vmem>> -> memref<128xi32, #tpu.memory_space<vmem>>
    %dma_start3A_12 = arith.constant 0 : i32
    %dma_start3A_13 = arith.constant 0 : i32
    %dma_start3A_14 = tpu.memref_slice %arg3[%dma_start3A_12, %dma_start3A_13] : memref<100000x128xf32, #tpu.memory_space<hbm>> -> memref<100000x128xf32, #tpu.memory_space<hbm>>
    %dma_start3A_15 = tpu.memref_slice %arg9[%dma_start3A_4] : memref<4x!tpu.dma_semaphore, #tpu.memory_space<semaphore_mem>> -> memref<1x!tpu.dma_semaphore, #tpu.memory_space<semaphore_mem>>
    %dma_start3A_16 = tpu.memref_squeeze %dma_start3A_15 : memref<1x!tpu.dma_semaphore, #tpu.memory_space<semaphore_mem>> -> memref<!tpu.dma_semaphore, #tpu.memory_space<semaphore_mem>>
    tpu.enqueue_indirect_dma source(%dma_start3A_14 : memref<100000x128xf32, #tpu.memory_space<hbm>>) target(%dma_start3A_8 : memref<128x128xf32, #tpu.memory_space<vmem>>) offsets(%dma_start3A_11 : memref<128xi32, #tpu.memory_space<vmem>>) semaphore(%dma_start3A_16 : memref<!tpu.dma_semaphore, #tpu.memory_space<semaphore_mem>>)
    %dma_start3A_17 = arith.constant 1 : i32
    %dma_start3A_18 = arith.constant 1 : i32
    %dma_start3A_19 = arith.constant 1 : i32
    %dma_start3A_20 = arith.constant 0 : i32
    %dma_start3A_21 = arith.constant 0 : i32
    %dma_start3A_22 = tpu.memref_slice %arg7[%dma_start3A_18, %dma_start3A_20, %dma_start3A_21] : memref<4x128x128xf32, #tpu.memory_space<vmem>> -> memref<1x128x128xf32, #tpu.memory_space<vmem>>
    %dma_start3A_23 = tpu.memref_squeeze %dma_start3A_22 : memref<1x128x128xf32, #tpu.memory_space<vmem>> -> memref<128x128xf32, #tpu.memory_space<vmem>>
    %dma_start3A_24 = arith.constant 0 : i32
    %dma_start3A_25 = tpu.memref_slice %arg6[%dma_start3A_17, %dma_start3A_24] : memref<128x128xi32, #tpu.memory_space<vmem>> -> memref<1x128xi32, #tpu.memory_space<vmem>>
    %dma_start3A_26 = tpu.memref_squeeze %dma_start3A_25 : memref<1x128xi32, #tpu.memory_space<vmem>> -> memref<128xi32, #tpu.memory_space<vmem>>
    %dma_start3A_27 = arith.constant 0 : i32
    %dma_start3A_28 = arith.constant 0 : i32
    %dma_start3A_29 = tpu.memref_slice %arg3[%dma_start3A_27, %dma_start3A_28] : memref<100000x128xf32, #tpu.memory_space<hbm>> -> memref<100000x128xf32, #tpu.memory_space<hbm>>
    %dma_start3A_30 = tpu.memref_slice %arg9[%dma_start3A_19] : memref<4x!tpu.dma_semaphore, #tpu.memory_space<semaphore_mem>> -> memref<1x!tpu.dma_semaphore, #tpu.memory_space<semaphore_mem>>
    %dma_start3A_31 = tpu.memref_squeeze %dma_start3A_30 : memref<1x!tpu.dma_semaphore, #tpu.memory_space<semaphore_mem>> -> memref<!tpu.dma_semaphore, #tpu.memory_space<semaphore_mem>>
    tpu.enqueue_indirect_dma source(%dma_start3A_29 : memref<100000x128xf32, #tpu.memory_space<hbm>>) target(%dma_start3A_23 : memref<128x128xf32, #tpu.memory_space<vmem>>) offsets(%dma_start3A_26 : memref<128xi32, #tpu.memory_space<vmem>>) semaphore(%dma_start3A_31 : memref<!tpu.dma_semaphore, #tpu.memory_space<semaphore_mem>>)
    %scan3A = arith.constant 0 : i32
    %scan3A_32 = arith.constant 0 : i32
    %scan3A_33 = arith.constant 32 : i32
    %scan3A_34 = arith.addi %scan3A_32, %scan3A_33 : i32
    %scan3A_35 = arith.constant 1 : i32
    scf.for %scan3A_124 = %scan3A_32 to %scan3A_34 step %scan3A_35  : i32 {
      %mul3A_125 = arith.constant 4 : i32
      %mul3A_126 = arith.muli %scan3A_124, %mul3A_125 : i32
      %add3A_127 = arith.constant 0 : i32
      %add3A_128 = arith.addi %mul3A_126, %add3A_127 : i32
      %add3A_129 = arith.constant 2 : i32
      %add3A_130 = arith.addi %add3A_128, %add3A_129 : i32
      %lt3A = arith.constant 128 : i32
      %lt3A_131 = arith.cmpi slt, %add3A_130, %lt3A : i32
      %convert_element_type3A = arith.extui %lt3A_131 : i1 to i32
      %cond3A = arith.constant 0 : i32
      %cond3A_132 = arith.cmpi ne, %convert_element_type3A, %cond3A : i32
      scf.if %cond3A_132 {
        %ge3A = arith.constant 4 : i32
        %ge3A_330 = arith.cmpi sge, %add3A_130, %ge3A : i32
        %convert_element_type3A_331 = arith.extui %ge3A_330 : i1 to i32
        %cond3A_332 = arith.constant 0 : i32
        %cond3A_333 = arith.cmpi ne, %convert_element_type3A_331, %cond3A_332 : i32
        scf.if %cond3A_333 {
          %sub3A = arith.constant 4 : i32
          %sub3A_348 = arith.subi %add3A_130, %sub3A : i32
          %mul3A_349 = arith.constant 128 : i32
          %mul3A_350 = arith.muli %add3A, %mul3A_349 : i32
          %add3A_351 = arith.addi %mul3A_350, %sub3A_348 : i32
          %mul3A_352 = arith.constant 128 : i32
          %mul3A_353 = arith.muli %add3A_351, %mul3A_352 : i32
          %dma_wait3A_354 = arith.constant 2 : i32
          %dma_wait3A_355 = arith.constant 2 : i32
          %dma_wait3A_356 = arith.constant 0 : i32
          %dma_wait3A_357 = arith.constant 0 : i32
          %dma_wait3A_358 = tpu.memref_slice %arg7[%dma_wait3A_354, %dma_wait3A_356, %dma_wait3A_357] : memref<4x128x128xf32, #tpu.memory_space<vmem>> -> memref<1x128x128xf32, #tpu.memory_space<vmem>>
          %dma_wait3A_359 = tpu.memref_squeeze %dma_wait3A_358 : memref<1x128x128xf32, #tpu.memory_space<vmem>> -> memref<128x128xf32, #tpu.memory_space<vmem>>
          %dma_wait3A_360 = arith.constant 0 : i32
          %dma_wait3A_361 = tpu.memref_slice %arg5[%mul3A_353, %dma_wait3A_360] : memref<524288x128xf32, #tpu.memory_space<hbm>> -> memref<128x128xf32, #tpu.memory_space<hbm>>
          %dma_wait3A_362 = tpu.memref_slice %arg10[%dma_wait3A_355] : memref<4x!tpu.dma_semaphore, #tpu.memory_space<semaphore_mem>> -> memref<1x!tpu.dma_semaphore, #tpu.memory_space<semaphore_mem>>
          %dma_wait3A_363 = tpu.memref_squeeze %dma_wait3A_362 : memref<1x!tpu.dma_semaphore, #tpu.memory_space<semaphore_mem>> -> memref<!tpu.dma_semaphore, #tpu.memory_space<semaphore_mem>>
          %dma_wait3A_364 = arith.constant 0 : i32
          %dma_wait3A_365 = tpu.memref_slice %arg5[%mul3A_353, %dma_wait3A_364] : memref<524288x128xf32, #tpu.memory_space<hbm>> -> memref<128x128xf32, #tpu.memory_space<hbm>>
          %dma_wait3A_366 = arith.constant 0 : i32
          %dma_wait3A_367 = arith.constant 0 : i32
          %dma_wait3A_368 = tpu.memref_slice %arg7[%dma_wait3A_354, %dma_wait3A_366, %dma_wait3A_367] : memref<4x128x128xf32, #tpu.memory_space<vmem>> -> memref<1x128x128xf32, #tpu.memory_space<vmem>>
          %dma_wait3A_369 = tpu.memref_squeeze %dma_wait3A_368 : memref<1x128x128xf32, #tpu.memory_space<vmem>> -> memref<128x128xf32, #tpu.memory_space<vmem>>
          tpu.wait_dma2 semaphore(%dma_wait3A_363 : memref<!tpu.dma_semaphore, #tpu.memory_space<semaphore_mem>>) src(%dma_wait3A_369 : memref<128x128xf32, #tpu.memory_space<vmem>>) dst(%dma_wait3A_365 : memref<128x128xf32, #tpu.memory_space<hbm>>)
        } else {
        }
        %dma_start3A_334 = arith.constant 2 : i32
        %dma_start3A_335 = arith.constant 2 : i32
        %dma_start3A_336 = arith.constant 0 : i32
        %dma_start3A_337 = arith.constant 0 : i32
        %dma_start3A_338 = tpu.memref_slice %arg7[%dma_start3A_334, %dma_start3A_336, %dma_start3A_337] : memref<4x128x128xf32, #tpu.memory_space<vmem>> -> memref<1x128x128xf32, #tpu.memory_space<vmem>>
        %dma_start3A_339 = tpu.memref_squeeze %dma_start3A_338 : memref<1x128x128xf32, #tpu.memory_space<vmem>> -> memref<128x128xf32, #tpu.memory_space<vmem>>
        %dma_start3A_340 = arith.constant 0 : i32
        %dma_start3A_341 = tpu.memref_slice %arg6[%add3A_130, %dma_start3A_340] : memref<128x128xi32, #tpu.memory_space<vmem>> -> memref<1x128xi32, #tpu.memory_space<vmem>>
        %dma_start3A_342 = tpu.memref_squeeze %dma_start3A_341 : memref<1x128xi32, #tpu.memory_space<vmem>> -> memref<128xi32, #tpu.memory_space<vmem>>
        %dma_start3A_343 = arith.constant 0 : i32
        %dma_start3A_344 = arith.constant 0 : i32
        %dma_start3A_345 = tpu.memref_slice %arg3[%dma_start3A_343, %dma_start3A_344] : memref<100000x128xf32, #tpu.memory_space<hbm>> -> memref<100000x128xf32, #tpu.memory_space<hbm>>
        %dma_start3A_346 = tpu.memref_slice %arg9[%dma_start3A_335] : memref<4x!tpu.dma_semaphore, #tpu.memory_space<semaphore_mem>> -> memref<1x!tpu.dma_semaphore, #tpu.memory_space<semaphore_mem>>
        %dma_start3A_347 = tpu.memref_squeeze %dma_start3A_346 : memref<1x!tpu.dma_semaphore, #tpu.memory_space<semaphore_mem>> -> memref<!tpu.dma_semaphore, #tpu.memory_space<semaphore_mem>>
        tpu.enqueue_indirect_dma source(%dma_start3A_345 : memref<100000x128xf32, #tpu.memory_space<hbm>>) target(%dma_start3A_339 : memref<128x128xf32, #tpu.memory_space<vmem>>) offsets(%dma_start3A_342 : memref<128xi32, #tpu.memory_space<vmem>>) semaphore(%dma_start3A_347 : memref<!tpu.dma_semaphore, #tpu.memory_space<semaphore_mem>>)
      } else {
      }
      %dma_wait3A_133 = arith.constant 0 : i32
      %dma_wait3A_134 = arith.constant 0 : i32
      %dma_wait3A_135 = arith.constant 0 : i32
      %dma_wait3A_136 = arith.constant 0 : i32
      %dma_wait3A_137 = tpu.memref_slice %arg7[%dma_wait3A_133, %dma_wait3A_135, %dma_wait3A_136] : memref<4x128x128xf32, #tpu.memory_space<vmem>> -> memref<1x128x128xf32, #tpu.memory_space<vmem>>
      %dma_wait3A_138 = tpu.memref_squeeze %dma_wait3A_137 : memref<1x128x128xf32, #tpu.memory_space<vmem>> -> memref<128x128xf32, #tpu.memory_space<vmem>>
      %dma_wait3A_139 = arith.constant 0 : i32
      %dma_wait3A_140 = tpu.memref_slice %arg6[%add3A_128, %dma_wait3A_139] : memref<128x128xi32, #tpu.memory_space<vmem>> -> memref<1x128xi32, #tpu.memory_space<vmem>>
      %dma_wait3A_141 = tpu.memref_squeeze %dma_wait3A_140 : memref<1x128xi32, #tpu.memory_space<vmem>> -> memref<128xi32, #tpu.memory_space<vmem>>
      %dma_wait3A_142 = arith.constant 0 : i32
      %dma_wait3A_143 = arith.constant 0 : i32
      %dma_wait3A_144 = tpu.memref_slice %arg3[%dma_wait3A_142, %dma_wait3A_143] : memref<100000x128xf32, #tpu.memory_space<hbm>> -> memref<100000x128xf32, #tpu.memory_space<hbm>>
      %dma_wait3A_145 = tpu.memref_slice %arg9[%dma_wait3A_134] : memref<4x!tpu.dma_semaphore, #tpu.memory_space<semaphore_mem>> -> memref<1x!tpu.dma_semaphore, #tpu.memory_space<semaphore_mem>>
      %dma_wait3A_146 = tpu.memref_squeeze %dma_wait3A_145 : memref<1x!tpu.dma_semaphore, #tpu.memory_space<semaphore_mem>> -> memref<!tpu.dma_semaphore, #tpu.memory_space<semaphore_mem>>
      tpu.wait_indirect_dma semaphore(%dma_wait3A_146 : memref<!tpu.dma_semaphore, #tpu.memory_space<semaphore_mem>>) src(%dma_wait3A_144 : memref<100000x128xf32, #tpu.memory_space<hbm>>) dst(%dma_wait3A_138 : memref<128x128xf32, #tpu.memory_space<vmem>>)
      %scan3A_147 = arith.constant 0 : i32
      %scan3A_148 = arith.constant 0 : i32
      %scan3A_149 = arith.constant 128 : i32
      %scan3A_150 = arith.addi %scan3A_148, %scan3A_149 : i32
      %scan3A_151 = arith.constant 4 : i32
      scf.for %scan3A_330 = %scan3A_148 to %scan3A_150 step %scan3A_151  : i32 {
        %get3A = arith.index_cast %scan3A_330 : i32 to index
        %get3A_331 = arith.constant 0 : index
        %get3A_332 = tpu.vector_load %arg8[%get3A, %get3A_331] {strides = array<i32>} : memref<128x128xf32, #tpu.memory_space<vmem>>, vector<1x16xf32>,
        %get3A_333 = vector.shape_cast %get3A_332 : vector<1x16xf32> to vector<16xf32>
        %swap3A = arith.constant 0 : i32
        %swap3A_334 = arith.index_cast %swap3A : i32 to index
        %swap3A_335 = arith.index_cast %scan3A_330 : i32 to index
        %swap3A_336 = arith.constant 0 : index
        %swap3A_337 = tpu.vector_load %arg7[%swap3A_334, %swap3A_335, %swap3A_336] {strides = array<i32>} : memref<4x128x128xf32, #tpu.memory_space<vmem>>, vector<1x1x16xf32>,
        %swap3A_338 = vector.shape_cast %swap3A_337 : vector<1x1x16xf32> to vector<16xf32>
        %swap3A_339 = vector.shape_cast %get3A_333 : vector<16xf32> to vector<1x1x16xf32>
        tpu.vector_store %arg7[%swap3A_334, %swap3A_335, %swap3A_336], %swap3A_339 {add = true, strides = array<i32>} : memref<4x128x128xf32, #tpu.memory_space<vmem>>, vector<1x1x16xf32>,
        %get3A_340 = arith.index_cast %scan3A_330 : i32 to index
        %get3A_341 = arith.constant 16 : index
        %get3A_342 = tpu.vector_load %arg8[%get3A_340, %get3A_341] {strides = array<i32>} : memref<128x128xf32, #tpu.memory_space<vmem>>, vector<1x16xf32>,
        %get3A_343 = vector.shape_cast %get3A_342 : vector<1x16xf32> to vector<16xf32>
        %swap3A_344 = arith.constant 0 : i32
        %swap3A_345 = arith.index_cast %swap3A_344 : i32 to index
        %swap3A_346 = arith.index_cast %scan3A_330 : i32 to index
        %swap3A_347 = arith.constant 16 : index
        %swap3A_348 = tpu.vector_load %arg7[%swap3A_345, %swap3A_346, %swap3A_347] {strides = array<i32>} : memref<4x128x128xf32, #tpu.memory_space<vmem>>, vector<1x1x16xf32>,
        %swap3A_349 = vector.shape_cast %swap3A_348 : vector<1x1x16xf32> to vector<16xf32>
        %swap3A_350 = vector.shape_cast %get3A_343 : vector<16xf32> to vector<1x1x16xf32>
        tpu.vector_store %arg7[%swap3A_345, %swap3A_346, %swap3A_347], %swap3A_350 {add = true, strides = array<i32>} : memref<4x128x128xf32, #tpu.memory_space<vmem>>, vector<1x1x16xf32>,
        %get3A_351 = arith.index_cast %scan3A_330 : i32 to index
        %get3A_352 = arith.constant 32 : index
        %get3A_353 = tpu.vector_load %arg8[%get3A_351, %get3A_352] {strides = array<i32>} : memref<128x128xf32, #tpu.memory_space<vmem>>, vector<1x16xf32>,
        %get3A_354 = vector.shape_cast %get3A_353 : vector<1x16xf32> to vector<16xf32>
        %swap3A_355 = arith.constant 0 : i32
        %swap3A_356 = arith.index_cast %swap3A_355 : i32 to index
        %swap3A_357 = arith.index_cast %scan3A_330 : i32 to index
        %swap3A_358 = arith.constant 32 : index
        %swap3A_359 = tpu.vector_load %arg7[%swap3A_356, %swap3A_357, %swap3A_358] {strides = array<i32>} : memref<4x128x128xf32, #tpu.memory_space<vmem>>, vector<1x1x16xf32>,
        %swap3A_360 = vector.shape_cast %swap3A_359 : vector<1x1x16xf32> to vector<16xf32>
        %swap3A_361 = vector.shape_cast %get3A_354 : vector<16xf32> to vector<1x1x16xf32>
        tpu.vector_store %arg7[%swap3A_356, %swap3A_357, %swap3A_358], %swap3A_361 {add = true, strides = array<i32>} : memref<4x128x128xf32, #tpu.memory_space<vmem>>, vector<1x1x16xf32>,
        %get3A_362 = arith.index_cast %scan3A_330 : i32 to index
        %get3A_363 = arith.constant 48 : index
        %get3A_364 = tpu.vector_load %arg8[%get3A_362, %get3A_363] {strides = array<i32>} : memref<128x128xf32, #tpu.memory_space<vmem>>, vector<1x16xf32>,
        %get3A_365 = vector.shape_cast %get3A_364 : vector<1x16xf32> to vector<16xf32>
        %swap3A_366 = arith.constant 0 : i32
        %swap3A_367 = arith.index_cast %swap3A_366 : i32 to index
        %swap3A_368 = arith.index_cast %scan3A_330 : i32 to index
        %swap3A_369 = arith.constant 48 : index
        %swap3A_370 = tpu.vector_load %arg7[%swap3A_367, %swap3A_368, %swap3A_369] {strides = array<i32>} : memref<4x128x128xf32, #tpu.memory_space<vmem>>, vector<1x1x16xf32>,
        %swap3A_371 = vector.shape_cast %swap3A_370 : vector<1x1x16xf32> to vector<16xf32>
        %swap3A_372 = vector.shape_cast %get3A_365 : vector<16xf32> to vector<1x1x16xf32>
        tpu.vector_store %arg7[%swap3A_367, %swap3A_368, %swap3A_369], %swap3A_372 {add = true, strides = array<i32>} : memref<4x128x128xf32, #tpu.memory_space<vmem>>, vector<1x1x16xf32>,
        %get3A_373 = arith.index_cast %scan3A_330 : i32 to index
        %get3A_374 = arith.constant 64 : index
        %get3A_375 = tpu.vector_load %arg8[%get3A_373, %get3A_374] {strides = array<i32>} : memref<128x128xf32, #tpu.memory_space<vmem>>, vector<1x16xf32>,
        %get3A_376 = vector.shape_cast %get3A_375 : vector<1x16xf32> to vector<16xf32>
        %swap3A_377 = arith.constant 0 : i32
        %swap3A_378 = arith.index_cast %swap3A_377 : i32 to index
        %swap3A_379 = arith.index_cast %scan3A_330 : i32 to index
        %swap3A_380 = arith.constant 64 : index
        %swap3A_381 = tpu.vector_load %arg7[%swap3A_378, %swap3A_379, %swap3A_380] {strides = array<i32>} : memref<4x128x128xf32, #tpu.memory_space<vmem>>, vector<1x1x16xf32>,
        %swap3A_382 = vector.shape_cast %swap3A_381 : vector<1x1x16xf32> to vector<16xf32>
        %swap3A_383 = vector.shape_cast %get3A_376 : vector<16xf32> to vector<1x1x16xf32>
        tpu.vector_store %arg7[%swap3A_378, %swap3A_379, %swap3A_380], %swap3A_383 {add = true, strides = array<i32>} : memref<4x128x128xf32, #tpu.memory_space<vmem>>, vector<1x1x16xf32>,
        %get3A_384 = arith.index_cast %scan3A_330 : i32 to index
        %get3A_385 = arith.constant 80 : index
        %get3A_386 = tpu.vector_load %arg8[%get3A_384, %get3A_385] {strides = array<i32>} : memref<128x128xf32, #tpu.memory_space<vmem>>, vector<1x16xf32>,
        %get3A_387 = vector.shape_cast %get3A_386 : vector<1x16xf32> to vector<16xf32>
        %swap3A_388 = arith.constant 0 : i32
        %swap3A_389 = arith.index_cast %swap3A_388 : i32 to index
        %swap3A_390 = arith.index_cast %scan3A_330 : i32 to index
        %swap3A_391 = arith.constant 80 : index
        %swap3A_392 = tpu.vector_load %arg7[%swap3A_389, %swap3A_390, %swap3A_391] {strides = array<i32>} : memref<4x128x128xf32, #tpu.memory_space<vmem>>, vector<1x1x16xf32>,
        %swap3A_393 = vector.shape_cast %swap3A_392 : vector<1x1x16xf32> to vector<16xf32>
        %swap3A_394 = vector.shape_cast %get3A_387 : vector<16xf32> to vector<1x1x16xf32>
        tpu.vector_store %arg7[%swap3A_389, %swap3A_390, %swap3A_391], %swap3A_394 {add = true, strides = array<i32>} : memref<4x128x128xf32, #tpu.memory_space<vmem>>, vector<1x1x16xf32>,
        %get3A_395 = arith.index_cast %scan3A_330 : i32 to index
        %get3A_396 = arith.constant 96 : index
        %get3A_397 = tpu.vector_load %arg8[%get3A_395, %get3A_396] {strides = array<i32>} : memref<128x128xf32, #tpu.memory_space<vmem>>, vector<1x16xf32>,
        %get3A_398 = vector.shape_cast %get3A_397 : vector<1x16xf32> to vector<16xf32>
        %swap3A_399 = arith.constant 0 : i32
        %swap3A_400 = arith.index_cast %swap3A_399 : i32 to index
        %swap3A_401 = arith.index_cast %scan3A_330 : i32 to index
        %swap3A_402 = arith.constant 96 : index
        %swap3A_403 = tpu.vector_load %arg7[%swap3A_400, %swap3A_401, %swap3A_402] {strides = array<i32>} : memref<4x128x128xf32, #tpu.memory_space<vmem>>, vector<1x1x16xf32>,
        %swap3A_404 = vector.shape_cast %swap3A_403 : vector<1x1x16xf32> to vector<16xf32>
        %swap3A_405 = vector.shape_cast %get3A_398 : vector<16xf32> to vector<1x1x16xf32>
        tpu.vector_store %arg7[%swap3A_400, %swap3A_401, %swap3A_402], %swap3A_405 {add = true, strides = array<i32>} : memref<4x128x128xf32, #tpu.memory_space<vmem>>, vector<1x1x16xf32>,
        %get3A_406 = arith.index_cast %scan3A_330 : i32 to index
        %get3A_407 = arith.constant 112 : index
        %get3A_408 = tpu.vector_load %arg8[%get3A_406, %get3A_407] {strides = array<i32>} : memref<128x128xf32, #tpu.memory_space<vmem>>, vector<1x16xf32>,
        %get3A_409 = vector.shape_cast %get3A_408 : vector<1x16xf32> to vector<16xf32>
        %swap3A_410 = arith.constant 0 : i32
        %swap3A_411 = arith.index_cast %swap3A_410 : i32 to index
        %swap3A_412 = arith.index_cast %scan3A_330 : i32 to index
        %swap3A_413 = arith.constant 112 : index
        %swap3A_414 = tpu.vector_load %arg7[%swap3A_411, %swap3A_412, %swap3A_413] {strides = array<i32>} : memref<4x128x128xf32, #tpu.memory_space<vmem>>, vector<1x1x16xf32>,
        %swap3A_415 = vector.shape_cast %swap3A_414 : vector<1x1x16xf32> to vector<16xf32>
        %swap3A_416 = vector.shape_cast %get3A_409 : vector<16xf32> to vector<1x1x16xf32>
        tpu.vector_store %arg7[%swap3A_411, %swap3A_412, %swap3A_413], %swap3A_416 {add = true, strides = array<i32>} : memref<4x128x128xf32, #tpu.memory_space<vmem>>, vector<1x1x16xf32>,
        %scan3A_417 = arith.constant 1 : i32
        %scan3A_418 = arith.addi %scan3A_330, %scan3A_417 : i32
        %get3A_419 = arith.index_cast %scan3A_418 : i32 to index
        %get3A_420 = arith.constant 0 : index
        %get3A_421 = tpu.vector_load %arg8[%get3A_419, %get3A_420] {strides = array<i32>} : memref<128x128xf32, #tpu.memory_space<vmem>>, vector<1x16xf32>,
        %get3A_422 = vector.shape_cast %get3A_421 : vector<1x16xf32> to vector<16xf32>
        %swap3A_423 = arith.constant 0 : i32
        %swap3A_424 = arith.index_cast %swap3A_423 : i32 to index
        %swap3A_425 = arith.index_cast %scan3A_418 : i32 to index
        %swap3A_426 = arith.constant 0 : index
        %swap3A_427 = tpu.vector_load %arg7[%swap3A_424, %swap3A_425, %swap3A_426] {strides = array<i32>} : memref<4x128x128xf32, #tpu.memory_space<vmem>>, vector<1x1x16xf32>,
        %swap3A_428 = vector.shape_cast %swap3A_427 : vector<1x1x16xf32> to vector<16xf32>
        %swap3A_429 = vector.shape_cast %get3A_422 : vector<16xf32> to vector<1x1x16xf32>
        tpu.vector_store %arg7[%swap3A_424, %swap3A_425, %swap3A_426], %swap3A_429 {add = true, strides = array<i32>} : memref<4x128x128xf32, #tpu.memory_space<vmem>>, vector<1x1x16xf32>,
        %get3A_430 = arith.index_cast %scan3A_418 : i32 to index
        %get3A_431 = arith.constant 16 : index
        %get3A_432 = tpu.vector_load %arg8[%get3A_430, %get3A_431] {strides = array<i32>} : memref<128x128xf32, #tpu.memory_space<vmem>>, vector<1x16xf32>,
        %get3A_433 = vector.shape_cast %get3A_432 : vector<1x16xf32> to vector<16xf32>
        %swap3A_434 = arith.constant 0 : i32
        %swap3A_435 = arith.index_cast %swap3A_434 : i32 to index
        %swap3A_436 = arith.index_cast %scan3A_418 : i32 to index
        %swap3A_437 = arith.constant 16 : index
        %swap3A_438 = tpu.vector_load %arg7[%swap3A_435, %swap3A_436, %swap3A_437] {strides = array<i32>} : memref<4x128x128xf32, #tpu.memory_space<vmem>>, vector<1x1x16xf32>,
        %swap3A_439 = vector.shape_cast %swap3A_438 : vector<1x1x16xf32> to vector<16xf32>
        %swap3A_440 = vector.shape_cast %get3A_433 : vector<16xf32> to vector<1x1x16xf32>
        tpu.vector_store %arg7[%swap3A_435, %swap3A_436, %swap3A_437], %swap3A_440 {add = true, strides = array<i32>} : memref<4x128x128xf32, #tpu.memory_space<vmem>>, vector<1x1x16xf32>,
        %get3A_441 = arith.index_cast %scan3A_418 : i32 to index
        %get3A_442 = arith.constant 32 : index
        %get3A_443 = tpu.vector_load %arg8[%get3A_441, %get3A_442] {strides = array<i32>} : memref<128x128xf32, #tpu.memory_space<vmem>>, vector<1x16xf32>,
        %get3A_444 = vector.shape_cast %get3A_443 : vector<1x16xf32> to vector<16xf32>
        %swap3A_445 = arith.constant 0 : i32
        %swap3A_446 = arith.index_cast %swap3A_445 : i32 to index
        %swap3A_447 = arith.index_cast %scan3A_418 : i32 to index
        %swap3A_448 = arith.constant 32 : index
        %swap3A_449 = tpu.vector_load %arg7[%swap3A_446, %swap3A_447, %swap3A_448] {strides = array<i32>} : memref<4x128x128xf32, #tpu.memory_space<vmem>>, vector<1x1x16xf32>,
        %swap3A_450 = vector.shape_cast %swap3A_449 : vector<1x1x16xf32> to vector<16xf32>
        %swap3A_451 = vector.shape_cast %get3A_444 : vector<16xf32> to vector<1x1x16xf32>
        tpu.vector_store %arg7[%swap3A_446, %swap3A_447, %swap3A_448], %swap3A_451 {add = true, strides = array<i32>} : memref<4x128x128xf32, #tpu.memory_space<vmem>>, vector<1x1x16xf32>,
        %get3A_452 = arith.index_cast %scan3A_418 : i32 to index
        %get3A_453 = arith.constant 48 : index
        %get3A_454 = tpu.vector_load %arg8[%get3A_452, %get3A_453] {strides = array<i32>} : memref<128x128xf32, #tpu.memory_space<vmem>>, vector<1x16xf32>,
        %get3A_455 = vector.shape_cast %get3A_454 : vector<1x16xf32> to vector<16xf32>
        %swap3A_456 = arith.constant 0 : i32
        %swap3A_457 = arith.index_cast %swap3A_456 : i32 to index
        %swap3A_458 = arith.index_cast %scan3A_418 : i32 to index
        %swap3A_459 = arith.constant 48 : index
        %swap3A_460 = tpu.vector_load %arg7[%swap3A_457, %swap3A_458, %swap3A_459] {strides = array<i32>} : memref<4x128x128xf32, #tpu.memory_space<vmem>>, vector<1x1x16xf32>,
        %swap3A_461 = vector.shape_cast %swap3A_460 : vector<1x1x16xf32> to vector<16xf32>
        %swap3A_462 = vector.shape_cast %get3A_455 : vector<16xf32> to vector<1x1x16xf32>
        tpu.vector_store %arg7[%swap3A_457, %swap3A_458, %swap3A_459], %swap3A_462 {add = true, strides = array<i32>} : memref<4x128x128xf32, #tpu.memory_space<vmem>>, vector<1x1x16xf32>,
        %get3A_463 = arith.index_cast %scan3A_418 : i32 to index
        %get3A_464 = arith.constant 64 : index
        %get3A_465 = tpu.vector_load %arg8[%get3A_463, %get3A_464] {strides = array<i32>} : memref<128x128xf32, #tpu.memory_space<vmem>>, vector<1x16xf32>,
        %get3A_466 = vector.shape_cast %get3A_465 : vector<1x16xf32> to vector<16xf32>
        %swap3A_467 = arith.constant 0 : i32
        %swap3A_468 = arith.index_cast %swap3A_467 : i32 to index
        %swap3A_469 = arith.index_cast %scan3A_418 : i32 to index
        %swap3A_470 = arith.constant 64 : index
        %swap3A_471 = tpu.vector_load %arg7[%swap3A_468, %swap3A_469, %swap3A_470] {strides = array<i32>} : memref<4x128x128xf32, #tpu.memory_space<vmem>>, vector<1x1x16xf32>,
        %swap3A_472 = vector.shape_cast %swap3A_471 : vector<1x1x16xf32> to vector<16xf32>
        %swap3A_473 = vector.shape_cast %get3A_466 : vector<16xf32> to vector<1x1x16xf32>
        tpu.vector_store %arg7[%swap3A_468, %swap3A_469, %swap3A_470], %swap3A_473 {add = true, strides = array<i32>} : memref<4x128x128xf32, #tpu.memory_space<vmem>>, vector<1x1x16xf32>,
        %get3A_474 = arith.index_cast %scan3A_418 : i32 to index
        %get3A_475 = arith.constant 80 : index
        %get3A_476 = tpu.vector_load %arg8[%get3A_474, %get3A_475] {strides = array<i32>} : memref<128x128xf32, #tpu.memory_space<vmem>>, vector<1x16xf32>,
        %get3A_477 = vector.shape_cast %get3A_476 : vector<1x16xf32> to vector<16xf32>
        %swap3A_478 = arith.constant 0 : i32
        %swap3A_479 = arith.index_cast %swap3A_478 : i32 to index
        %swap3A_480 = arith.index_cast %scan3A_418 : i32 to index
        %swap3A_481 = arith.constant 80 : index
        %swap3A_482 = tpu.vector_load %arg7[%swap3A_479, %swap3A_480, %swap3A_481] {strides = array<i32>} : memref<4x128x128xf32, #tpu.memory_space<vmem>>, vector<1x1x16xf32>,
        %swap3A_483 = vector.shape_cast %swap3A_482 : vector<1x1x16xf32> to vector<16xf32>
        %swap3A_484 = vector.shape_cast %get3A_477 : vector<16xf32> to vector<1x1x16xf32>
        tpu.vector_store %arg7[%swap3A_479, %swap3A_480, %swap3A_481], %swap3A_484 {add = true, strides = array<i32>} : memref<4x128x128xf32, #tpu.memory_space<vmem>>, vector<1x1x16xf32>,
        %get3A_485 = arith.index_cast %scan3A_418 : i32 to index
        %get3A_486 = arith.constant 96 : index
        %get3A_487 = tpu.vector_load %arg8[%get3A_485, %get3A_486] {strides = array<i32>} : memref<128x128xf32, #tpu.memory_space<vmem>>, vector<1x16xf32>,
        %get3A_488 = vector.shape_cast %get3A_487 : vector<1x16xf32> to vector<16xf32>
        %swap3A_489 = arith.constant 0 : i32
        %swap3A_490 = arith.index_cast %swap3A_489 : i32 to index
        %swap3A_491 = arith.index_cast %scan3A_418 : i32 to index
        %swap3A_492 = arith.constant 96 : index
        %swap3A_493 = tpu.vector_load %arg7[%swap3A_490, %swap3A_491, %swap3A_492] {strides = array<i32>} : memref<4x128x128xf32, #tpu.memory_space<vmem>>, vector<1x1x16xf32>,
        %swap3A_494 = vector.shape_cast %swap3A_493 : vector<1x1x16xf32> to vector<16xf32>
        %swap3A_495 = vector.shape_cast %get3A_488 : vector<16xf32> to vector<1x1x16xf32>
        tpu.vector_store %arg7[%swap3A_490, %swap3A_491, %swap3A_492], %swap3A_495 {add = true, strides = array<i32>} : memref<4x128x128xf32, #tpu.memory_space<vmem>>, vector<1x1x16xf32>,
        %get3A_496 = arith.index_cast %scan3A_418 : i32 to index
        %get3A_497 = arith.constant 112 : index
        %get3A_498 = tpu.vector_load %arg8[%get3A_496, %get3A_497] {strides = array<i32>} : memref<128x128xf32, #tpu.memory_space<vmem>>, vector<1x16xf32>,
        %get3A_499 = vector.shape_cast %get3A_498 : vector<1x16xf32> to vector<16xf32>
        %swap3A_500 = arith.constant 0 : i32
        %swap3A_501 = arith.index_cast %swap3A_500 : i32 to index
        %swap3A_502 = arith.index_cast %scan3A_418 : i32 to index
        %swap3A_503 = arith.constant 112 : index
        %swap3A_504 = tpu.vector_load %arg7[%swap3A_501, %swap3A_502, %swap3A_503] {strides = array<i32>} : memref<4x128x128xf32, #tpu.memory_space<vmem>>, vector<1x1x16xf32>,
        %swap3A_505 = vector.shape_cast %swap3A_504 : vector<1x1x16xf32> to vector<16xf32>
        %swap3A_506 = vector.shape_cast %get3A_499 : vector<16xf32> to vector<1x1x16xf32>
        tpu.vector_store %arg7[%swap3A_501, %swap3A_502, %swap3A_503], %swap3A_506 {add = true, strides = array<i32>} : memref<4x128x128xf32, #tpu.memory_space<vmem>>, vector<1x1x16xf32>,
        %scan3A_507 = arith.constant 2 : i32
        %scan3A_508 = arith.addi %scan3A_330, %scan3A_507 : i32
        %get3A_509 = arith.index_cast %scan3A_508 : i32 to index
        %get3A_510 = arith.constant 0 : index
        %get3A_511 = tpu.vector_load %arg8[%get3A_509, %get3A_510] {strides = array<i32>} : memref<128x128xf32, #tpu.memory_space<vmem>>, vector<1x16xf32>,
        %get3A_512 = vector.shape_cast %get3A_511 : vector<1x16xf32> to vector<16xf32>
        %swap3A_513 = arith.constant 0 : i32
        %swap3A_514 = arith.index_cast %swap3A_513 : i32 to index
        %swap3A_515 = arith.index_cast %scan3A_508 : i32 to index
        %swap3A_516 = arith.constant 0 : index
        %swap3A_517 = tpu.vector_load %arg7[%swap3A_514, %swap3A_515, %swap3A_516] {strides = array<i32>} : memref<4x128x128xf32, #tpu.memory_space<vmem>>, vector<1x1x16xf32>,
        %swap3A_518 = vector.shape_cast %swap3A_517 : vector<1x1x16xf32> to vector<16xf32>
        %swap3A_519 = vector.shape_cast %get3A_512 : vector<16xf32> to vector<1x1x16xf32>
        tpu.vector_store %arg7[%swap3A_514, %swap3A_515, %swap3A_516], %swap3A_519 {add = true, strides = array<i32>} : memref<4x128x128xf32, #tpu.memory_space<vmem>>, vector<1x1x16xf32>,
        %get3A_520 = arith.index_cast %scan3A_508 : i32 to index
        %get3A_521 = arith.constant 16 : index
        %get3A_522 = tpu.vector_load %arg8[%get3A_520, %get3A_521] {strides = array<i32>} : memref<128x128xf32, #tpu.memory_space<vmem>>, vector<1x16xf32>,
        %get3A_523 = vector.shape_cast %get3A_522 : vector<1x16xf32> to vector<16xf32>
        %swap3A_524 = arith.constant 0 : i32
        %swap3A_525 = arith.index_cast %swap3A_524 : i32 to index
        %swap3A_526 = arith.index_cast %scan3A_508 : i32 to index
        %swap3A_527 = arith.constant 16 : index
        %swap3A_528 = tpu.vector_load %arg7[%swap3A_525, %swap3A_526, %swap3A_527] {strides = array<i32>} : memref<4x128x128xf32, #tpu.memory_space<vmem>>, vector<1x1x16xf32>,
        %swap3A_529 = vector.shape_cast %swap3A_528 : vector<1x1x16xf32> to vector<16xf32>
        %swap3A_530 = vector.shape_cast %get3A_523 : vector<16xf32> to vector<1x1x16xf32>
        tpu.vector_store %arg7[%swap3A_525, %swap3A_526, %swap3A_527], %swap3A_530 {add = true, strides = array<i32>} : memref<4x128x128xf32, #tpu.memory_space<vmem>>, vector<1x1x16xf32>,
        %get3A_531 = arith.index_cast %scan3A_508 : i32 to index
        %get3A_532 = arith.constant 32 : index
        %get3A_533 = tpu.vector_load %arg8[%get3A_531, %get3A_532] {strides = array<i32>} : memref<128x128xf32, #tpu.memory_space<vmem>>, vector<1x16xf32>,
        %get3A_534 = vector.shape_cast %get3A_533 : vector<1x16xf32> to vector<16xf32>
        %swap3A_535 = arith.constant 0 : i32
        %swap3A_536 = arith.index_cast %swap3A_535 : i32 to index
        %swap3A_537 = arith.index_cast %scan3A_508 : i32 to index
        %swap3A_538 = arith.constant 32 : index
        %swap3A_539 = tpu.vector_load %arg7[%swap3A_536, %swap3A_537, %swap3A_538] {strides = array<i32>} : memref<4x128x128xf32, #tpu.memory_space<vmem>>, vector<1x1x16xf32>,
        %swap3A_540 = vector.shape_cast %swap3A_539 : vector<1x1x16xf32> to vector<16xf32>
        %swap3A_541 = vector.shape_cast %get3A_534 : vector<16xf32> to vector<1x1x16xf32>
        tpu.vector_store %arg7[%swap3A_536, %swap3A_537, %swap3A_538], %swap3A_541 {add = true, strides = array<i32>} : memref<4x128x128xf32, #tpu.memory_space<vmem>>, vector<1x1x16xf32>,
        %get3A_542 = arith.index_cast %scan3A_508 : i32 to index
        %get3A_543 = arith.constant 48 : index
        %get3A_544 = tpu.vector_load %arg8[%get3A_542, %get3A_543] {strides = array<i32>} : memref<128x128xf32, #tpu.memory_space<vmem>>, vector<1x16xf32>,
        %get3A_545 = vector.shape_cast %get3A_544 : vector<1x16xf32> to vector<16xf32>
        %swap3A_546 = arith.constant 0 : i32
        %swap3A_547 = arith.index_cast %swap3A_546 : i32 to index
        %swap3A_548 = arith.index_cast %scan3A_508 : i32 to index
        %swap3A_549 = arith.constant 48 : index
        %swap3A_550 = tpu.vector_load %arg7[%swap3A_547, %swap3A_548, %swap3A_549] {strides = array<i32>} : memref<4x128x128xf32, #tpu.memory_space<vmem>>, vector<1x1x16xf32>,
        %swap3A_551 = vector.shape_cast %swap3A_550 : vector<1x1x16xf32> to vector<16xf32>
        %swap3A_552 = vector.shape_cast %get3A_545 : vector<16xf32> to vector<1x1x16xf32>
        tpu.vector_store %arg7[%swap3A_547, %swap3A_548, %swap3A_549], %swap3A_552 {add = true, strides = array<i32>} : memref<4x128x128xf32, #tpu.memory_space<vmem>>, vector<1x1x16xf32>,
        %get3A_553 = arith.index_cast %scan3A_508 : i32 to index
        %get3A_554 = arith.constant 64 : index
        %get3A_555 = tpu.vector_load %arg8[%get3A_553, %get3A_554] {strides = array<i32>} : memref<128x128xf32, #tpu.memory_space<vmem>>, vector<1x16xf32>,
        %get3A_556 = vector.shape_cast %get3A_555 : vector<1x16xf32> to vector<16xf32>
        %swap3A_557 = arith.constant 0 : i32
        %swap3A_558 = arith.index_cast %swap3A_557 : i32 to index
        %swap3A_559 = arith.index_cast %scan3A_508 : i32 to index
        %swap3A_560 = arith.constant 64 : index
        %swap3A_561 = tpu.vector_load %arg7[%swap3A_558, %swap3A_559, %swap3A_560] {strides = array<i32>} : memref<4x128x128xf32, #tpu.memory_space<vmem>>, vector<1x1x16xf32>,
        %swap3A_562 = vector.shape_cast %swap3A_561 : vector<1x1x16xf32> to vector<16xf32>
        %swap3A_563 = vector.shape_cast %get3A_556 : vector<16xf32> to vector<1x1x16xf32>
        tpu.vector_store %arg7[%swap3A_558, %swap3A_559, %swap3A_560], %swap3A_563 {add = true, strides = array<i32>} : memref<4x128x128xf32, #tpu.memory_space<vmem>>, vector<1x1x16xf32>,
        %get3A_564 = arith.index_cast %scan3A_508 : i32 to index
        %get3A_565 = arith.constant 80 : index
        %get3A_566 = tpu.vector_load %arg8[%get3A_564, %get3A_565] {strides = array<i32>} : memref<128x128xf32, #tpu.memory_space<vmem>>, vector<1x16xf32>,
        %get3A_567 = vector.shape_cast %get3A_566 : vector<1x16xf32> to vector<16xf32>
        %swap3A_568 = arith.constant 0 : i32
        %swap3A_569 = arith.index_cast %swap3A_568 : i32 to index
        %swap3A_570 = arith.index_cast %scan3A_508 : i32 to index
        %swap3A_571 = arith.constant 80 : index
        %swap3A_572 = tpu.vector_load %arg7[%swap3A_569, %swap3A_570, %swap3A_571] {strides = array<i32>} : memref<4x128x128xf32, #tpu.memory_space<vmem>>, vector<1x1x16xf32>,
        %swap3A_573 = vector.shape_cast %swap3A_572 : vector<1x1x16xf32> to vector<16xf32>
        %swap3A_574 = vector.shape_cast %get3A_567 : vector<16xf32> to vector<1x1x16xf32>
        tpu.vector_store %arg7[%swap3A_569, %swap3A_570, %swap3A_571], %swap3A_574 {add = true, strides = array<i32>} : memref<4x128x128xf32, #tpu.memory_space<vmem>>, vector<1x1x16xf32>,
        %get3A_575 = arith.index_cast %scan3A_508 : i32 to index
        %get3A_576 = arith.constant 96 : index
        %get3A_577 = tpu.vector_load %arg8[%get3A_575, %get3A_576] {strides = array<i32>} : memref<128x128xf32, #tpu.memory_space<vmem>>, vector<1x16xf32>,
        %get3A_578 = vector.shape_cast %get3A_577 : vector<1x16xf32> to vector<16xf32>
        %swap3A_579 = arith.constant 0 : i32
        %swap3A_580 = arith.index_cast %swap3A_579 : i32 to index
        %swap3A_581 = arith.index_cast %scan3A_508 : i32 to index
        %swap3A_582 = arith.constant 96 : index
        %swap3A_583 = tpu.vector_load %arg7[%swap3A_580, %swap3A_581, %swap3A_582] {strides = array<i32>} : memref<4x128x128xf32, #tpu.memory_space<vmem>>, vector<1x1x16xf32>,
        %swap3A_584 = vector.shape_cast %swap3A_583 : vector<1x1x16xf32> to vector<16xf32>
        %swap3A_585 = vector.shape_cast %get3A_578 : vector<16xf32> to vector<1x1x16xf32>
        tpu.vector_store %arg7[%swap3A_580, %swap3A_581, %swap3A_582], %swap3A_585 {add = true, strides = array<i32>} : memref<4x128x128xf32, #tpu.memory_space<vmem>>, vector<1x1x16xf32>,
        %get3A_586 = arith.index_cast %scan3A_508 : i32 to index
        %get3A_587 = arith.constant 112 : index
        %get3A_588 = tpu.vector_load %arg8[%get3A_586, %get3A_587] {strides = array<i32>} : memref<128x128xf32, #tpu.memory_space<vmem>>, vector<1x16xf32>,
        %get3A_589 = vector.shape_cast %get3A_588 : vector<1x16xf32> to vector<16xf32>
        %swap3A_590 = arith.constant 0 : i32
        %swap3A_591 = arith.index_cast %swap3A_590 : i32 to index
        %swap3A_592 = arith.index_cast %scan3A_508 : i32 to index
        %swap3A_593 = arith.constant 112 : index
        %swap3A_594 = tpu.vector_load %arg7[%swap3A_591, %swap3A_592, %swap3A_593] {strides = array<i32>} : memref<4x128x128xf32, #tpu.memory_space<vmem>>, vector<1x1x16xf32>,
        %swap3A_595 = vector.shape_cast %swap3A_594 : vector<1x1x16xf32> to vector<16xf32>
        %swap3A_596 = vector.shape_cast %get3A_589 : vector<16xf32> to vector<1x1x16xf32>
        tpu.vector_store %arg7[%swap3A_591, %swap3A_592, %swap3A_593], %swap3A_596 {add = true, strides = array<i32>} : memref<4x128x128xf32, #tpu.memory_space<vmem>>, vector<1x1x16xf32>,
        %scan3A_597 = arith.constant 3 : i32
        %scan3A_598 = arith.addi %scan3A_330, %scan3A_597 : i32
        %get3A_599 = arith.index_cast %scan3A_598 : i32 to index
        %get3A_600 = arith.constant 0 : index
        %get3A_601 = tpu.vector_load %arg8[%get3A_599, %get3A_600] {strides = array<i32>} : memref<128x128xf32, #tpu.memory_space<vmem>>, vector<1x16xf32>,
        %get3A_602 = vector.shape_cast %get3A_601 : vector<1x16xf32> to vector<16xf32>
        %swap3A_603 = arith.constant 0 : i32
        %swap3A_604 = arith.index_cast %swap3A_603 : i32 to index
        %swap3A_605 = arith.index_cast %scan3A_598 : i32 to index
        %swap3A_606 = arith.constant 0 : index
        %swap3A_607 = tpu.vector_load %arg7[%swap3A_604, %swap3A_605, %swap3A_606] {strides = array<i32>} : memref<4x128x128xf32, #tpu.memory_space<vmem>>, vector<1x1x16xf32>,
        %swap3A_608 = vector.shape_cast %swap3A_607 : vector<1x1x16xf32> to vector<16xf32>
        %swap3A_609 = vector.shape_cast %get3A_602 : vector<16xf32> to vector<1x1x16xf32>
        tpu.vector_store %arg7[%swap3A_604, %swap3A_605, %swap3A_606], %swap3A_609 {add = true, strides = array<i32>} : memref<4x128x128xf32, #tpu.memory_space<vmem>>, vector<1x1x16xf32>,
        %get3A_610 = arith.index_cast %scan3A_598 : i32 to index
        %get3A_611 = arith.constant 16 : index
        %get3A_612 = tpu.vector_load %arg8[%get3A_610, %get3A_611] {strides = array<i32>} : memref<128x128xf32, #tpu.memory_space<vmem>>, vector<1x16xf32>,
        %get3A_613 = vector.shape_cast %get3A_612 : vector<1x16xf32> to vector<16xf32>
        %swap3A_614 = arith.constant 0 : i32
        %swap3A_615 = arith.index_cast %swap3A_614 : i32 to index
        %swap3A_616 = arith.index_cast %scan3A_598 : i32 to index
        %swap3A_617 = arith.constant 16 : index
        %swap3A_618 = tpu.vector_load %arg7[%swap3A_615, %swap3A_616, %swap3A_617] {strides = array<i32>} : memref<4x128x128xf32, #tpu.memory_space<vmem>>, vector<1x1x16xf32>,
        %swap3A_619 = vector.shape_cast %swap3A_618 : vector<1x1x16xf32> to vector<16xf32>
        %swap3A_620 = vector.shape_cast %get3A_613 : vector<16xf32> to vector<1x1x16xf32>
        tpu.vector_store %arg7[%swap3A_615, %swap3A_616, %swap3A_617], %swap3A_620 {add = true, strides = array<i32>} : memref<4x128x128xf32, #tpu.memory_space<vmem>>, vector<1x1x16xf32>,
        %get3A_621 = arith.index_cast %scan3A_598 : i32 to index
        %get3A_622 = arith.constant 32 : index
        %get3A_623 = tpu.vector_load %arg8[%get3A_621, %get3A_622] {strides = array<i32>} : memref<128x128xf32, #tpu.memory_space<vmem>>, vector<1x16xf32>,
        %get3A_624 = vector.shape_cast %get3A_623 : vector<1x16xf32> to vector<16xf32>
        %swap3A_625 = arith.constant 0 : i32
        %swap3A_626 = arith.index_cast %swap3A_625 : i32 to index
        %swap3A_627 = arith.index_cast %scan3A_598 : i32 to index
        %swap3A_628 = arith.constant 32 : index
        %swap3A_629 = tpu.vector_load %arg7[%swap3A_626, %swap3A_627, %swap3A_628] {strides = array<i32>} : memref<4x128x128xf32, #tpu.memory_space<vmem>>, vector<1x1x16xf32>,
        %swap3A_630 = vector.shape_cast %swap3A_629 : vector<1x1x16xf32> to vector<16xf32>
        %swap3A_631 = vector.shape_cast %get3A_624 : vector<16xf32> to vector<1x1x16xf32>
        tpu.vector_store %arg7[%swap3A_626, %swap3A_627, %swap3A_628], %swap3A_631 {add = true, strides = array<i32>} : memref<4x128x128xf32, #tpu.memory_space<vmem>>, vector<1x1x16xf32>,
        %get3A_632 = arith.index_cast %scan3A_598 : i32 to index
        %get3A_633 = arith.constant 48 : index
        %get3A_634 = tpu.vector_load %arg8[%get3A_632, %get3A_633] {strides = array<i32>} : memref<128x128xf32, #tpu.memory_space<vmem>>, vector<1x16xf32>,
        %get3A_635 = vector.shape_cast %get3A_634 : vector<1x16xf32> to vector<16xf32>
        %swap3A_636 = arith.constant 0 : i32
        %swap3A_637 = arith.index_cast %swap3A_636 : i32 to index
        %swap3A_638 = arith.index_cast %scan3A_598 : i32 to index
        %swap3A_639 = arith.constant 48 : index
        %swap3A_640 = tpu.vector_load %arg7[%swap3A_637, %swap3A_638, %swap3A_639] {strides = array<i32>} : memref<4x128x128xf32, #tpu.memory_space<vmem>>, vector<1x1x16xf32>,
        %swap3A_641 = vector.shape_cast %swap3A_640 : vector<1x1x16xf32> to vector<16xf32>
        %swap3A_642 = vector.shape_cast %get3A_635 : vector<16xf32> to vector<1x1x16xf32>
        tpu.vector_store %arg7[%swap3A_637, %swap3A_638, %swap3A_639], %swap3A_642 {add = true, strides = array<i32>} : memref<4x128x128xf32, #tpu.memory_space<vmem>>, vector<1x1x16xf32>,
        %get3A_643 = arith.index_cast %scan3A_598 : i32 to index
        %get3A_644 = arith.constant 64 : index
        %get3A_645 = tpu.vector_load %arg8[%get3A_643, %get3A_644] {strides = array<i32>} : memref<128x128xf32, #tpu.memory_space<vmem>>, vector<1x16xf32>,
        %get3A_646 = vector.shape_cast %get3A_645 : vector<1x16xf32> to vector<16xf32>
        %swap3A_647 = arith.constant 0 : i32
        %swap3A_648 = arith.index_cast %swap3A_647 : i32 to index
        %swap3A_649 = arith.index_cast %scan3A_598 : i32 to index
        %swap3A_650 = arith.constant 64 : index
        %swap3A_651 = tpu.vector_load %arg7[%swap3A_648, %swap3A_649, %swap3A_650] {strides = array<i32>} : memref<4x128x128xf32, #tpu.memory_space<vmem>>, vector<1x1x16xf32>,
        %swap3A_652 = vector.shape_cast %swap3A_651 : vector<1x1x16xf32> to vector<16xf32>
        %swap3A_653 = vector.shape_cast %get3A_646 : vector<16xf32> to vector<1x1x16xf32>
        tpu.vector_store %arg7[%swap3A_648, %swap3A_649, %swap3A_650], %swap3A_653 {add = true, strides = array<i32>} : memref<4x128x128xf32, #tpu.memory_space<vmem>>, vector<1x1x16xf32>,
        %get3A_654 = arith.index_cast %scan3A_598 : i32 to index
        %get3A_655 = arith.constant 80 : index
        %get3A_656 = tpu.vector_load %arg8[%get3A_654, %get3A_655] {strides = array<i32>} : memref<128x128xf32, #tpu.memory_space<vmem>>, vector<1x16xf32>,
        %get3A_657 = vector.shape_cast %get3A_656 : vector<1x16xf32> to vector<16xf32>
        %swap3A_658 = arith.constant 0 : i32
        %swap3A_659 = arith.index_cast %swap3A_658 : i32 to index
        %swap3A_660 = arith.index_cast %scan3A_598 : i32 to index
        %swap3A_661 = arith.constant 80 : index
        %swap3A_662 = tpu.vector_load %arg7[%swap3A_659, %swap3A_660, %swap3A_661] {strides = array<i32>} : memref<4x128x128xf32, #tpu.memory_space<vmem>>, vector<1x1x16xf32>,
        %swap3A_663 = vector.shape_cast %swap3A_662 : vector<1x1x16xf32> to vector<16xf32>
        %swap3A_664 = vector.shape_cast %get3A_657 : vector<16xf32> to vector<1x1x16xf32>
        tpu.vector_store %arg7[%swap3A_659, %swap3A_660, %swap3A_661], %swap3A_664 {add = true, strides = array<i32>} : memref<4x128x128xf32, #tpu.memory_space<vmem>>, vector<1x1x16xf32>,
        %get3A_665 = arith.index_cast %scan3A_598 : i32 to index
        %get3A_666 = arith.constant 96 : index
        %get3A_667 = tpu.vector_load %arg8[%get3A_665, %get3A_666] {strides = array<i32>} : memref<128x128xf32, #tpu.memory_space<vmem>>, vector<1x16xf32>,
        %get3A_668 = vector.shape_cast %get3A_667 : vector<1x16xf32> to vector<16xf32>
        %swap3A_669 = arith.constant 0 : i32
        %swap3A_670 = arith.index_cast %swap3A_669 : i32 to index
        %swap3A_671 = arith.index_cast %scan3A_598 : i32 to index
        %swap3A_672 = arith.constant 96 : index
        %swap3A_673 = tpu.vector_load %arg7[%swap3A_670, %swap3A_671, %swap3A_672] {strides = array<i32>} : memref<4x128x128xf32, #tpu.memory_space<vmem>>, vector<1x1x16xf32>,
        %swap3A_674 = vector.shape_cast %swap3A_673 : vector<1x1x16xf32> to vector<16xf32>
        %swap3A_675 = vector.shape_cast %get3A_668 : vector<16xf32> to vector<1x1x16xf32>
        tpu.vector_store %arg7[%swap3A_670, %swap3A_671, %swap3A_672], %swap3A_675 {add = true, strides = array<i32>} : memref<4x128x128xf32, #tpu.memory_space<vmem>>, vector<1x1x16xf32>,
        %get3A_676 = arith.index_cast %scan3A_598 : i32 to index
        %get3A_677 = arith.constant 112 : index
        %get3A_678 = tpu.vector_load %arg8[%get3A_676, %get3A_677] {strides = array<i32>} : memref<128x128xf32, #tpu.memory_space<vmem>>, vector<1x16xf32>,
        %get3A_679 = vector.shape_cast %get3A_678 : vector<1x16xf32> to vector<16xf32>
        %swap3A_680 = arith.constant 0 : i32
        %swap3A_681 = arith.index_cast %swap3A_680 : i32 to index
        %swap3A_682 = arith.index_cast %scan3A_598 : i32 to index
        %swap3A_683 = arith.constant 112 : index
        %swap3A_684 = tpu.vector_load %arg7[%swap3A_681, %swap3A_682, %swap3A_683] {strides = array<i32>} : memref<4x128x128xf32, #tpu.memory_space<vmem>>, vector<1x1x16xf32>,
        %swap3A_685 = vector.shape_cast %swap3A_684 : vector<1x1x16xf32> to vector<16xf32>
        %swap3A_686 = vector.shape_cast %get3A_679 : vector<16xf32> to vector<1x1x16xf32>
        tpu.vector_store %arg7[%swap3A_681, %swap3A_682, %swap3A_683], %swap3A_686 {add = true, strides = array<i32>} : memref<4x128x128xf32, #tpu.memory_space<vmem>>, vector<1x1x16xf32>,
      }
      %scan3A_152 = arith.constant 128 : i32
      %mul3A_153 = arith.constant 128 : i32
      %mul3A_154 = arith.muli %add3A, %mul3A_153 : i32
      %add3A_155 = arith.addi %mul3A_154, %add3A_128 : i32
      %mul3A_156 = arith.constant 128 : i32
      %mul3A_157 = arith.muli %add3A_155, %mul3A_156 : i32
      %dma_start3A_158 = arith.constant 0 : i32
      %dma_start3A_159 = arith.constant 0 : i32
      %dma_start3A_160 = arith.constant 0 : i32
      %dma_start3A_161 = arith.constant 0 : i32
      %dma_start3A_162 = tpu.memref_slice %arg7[%dma_start3A_158, %dma_start3A_160, %dma_start3A_161] : memref<4x128x128xf32, #tpu.memory_space<vmem>> -> memref<1x128x128xf32, #tpu.memory_space<vmem>>
      %dma_start3A_163 = tpu.memref_squeeze %dma_start3A_162 : memref<1x128x128xf32, #tpu.memory_space<vmem>> -> memref<128x128xf32, #tpu.memory_space<vmem>>
      %dma_start3A_164 = arith.constant 0 : i32
      %dma_start3A_165 = tpu.memref_slice %arg5[%mul3A_157, %dma_start3A_164] : memref<524288x128xf32, #tpu.memory_space<hbm>> -> memref<128x128xf32, #tpu.memory_space<hbm>>
      %dma_start3A_166 = tpu.memref_slice %arg10[%dma_start3A_159] : memref<4x!tpu.dma_semaphore, #tpu.memory_space<semaphore_mem>> -> memref<1x!tpu.dma_semaphore, #tpu.memory_space<semaphore_mem>>
      %dma_start3A_167 = tpu.memref_squeeze %dma_start3A_166 : memref<1x!tpu.dma_semaphore, #tpu.memory_space<semaphore_mem>> -> memref<!tpu.dma_semaphore, #tpu.memory_space<semaphore_mem>>
      %dma_start3A_168 = arith.constant 0 : i32
      %dma_start3A_169 = tpu.memref_slice %arg5[%mul3A_157, %dma_start3A_168] : memref<524288x128xf32, #tpu.memory_space<hbm>> -> memref<128x128xf32, #tpu.memory_space<hbm>>
      %dma_start3A_170 = arith.constant 0 : i32
      %dma_start3A_171 = arith.constant 0 : i32
      %dma_start3A_172 = tpu.memref_slice %arg7[%dma_start3A_158, %dma_start3A_170, %dma_start3A_171] : memref<4x128x128xf32, #tpu.memory_space<vmem>> -> memref<1x128x128xf32, #tpu.memory_space<vmem>>
      %dma_start3A_173 = tpu.memref_squeeze %dma_start3A_172 : memref<1x128x128xf32, #tpu.memory_space<vmem>> -> memref<128x128xf32, #tpu.memory_space<vmem>>
      tpu.enqueue_dma source(%dma_start3A_173 : memref<128x128xf32, #tpu.memory_space<vmem>>) target(%dma_start3A_169 : memref<128x128xf32, #tpu.memory_space<hbm>>) target_semaphore(%dma_start3A_167 : memref<!tpu.dma_semaphore, #tpu.memory_space<semaphore_mem>>)
      %mul3A_174 = arith.constant 4 : i32
      %mul3A_175 = arith.muli %scan3A_124, %mul3A_174 : i32
      %add3A_176 = arith.constant 1 : i32
      %add3A_177 = arith.addi %mul3A_175, %add3A_176 : i32
      %add3A_178 = arith.constant 2 : i32
      %add3A_179 = arith.addi %add3A_177, %add3A_178 : i32
      %lt3A_180 = arith.constant 128 : i32
      %lt3A_181 = arith.cmpi slt, %add3A_179, %lt3A_180 : i32
      %convert_element_type3A_182 = arith.extui %lt3A_181 : i1 to i32
      %cond3A_183 = arith.constant 0 : i32
      %cond3A_184 = arith.cmpi ne, %convert_element_type3A_182, %cond3A_183 : i32
      scf.if %cond3A_184 {
        %ge3A = arith.constant 4 : i32
        %ge3A_330 = arith.cmpi sge, %add3A_179, %ge3A : i32
        %convert_element_type3A_331 = arith.extui %ge3A_330 : i1 to i32
        %cond3A_332 = arith.constant 0 : i32
        %cond3A_333 = arith.cmpi ne, %convert_element_type3A_331, %cond3A_332 : i32
        scf.if %cond3A_333 {
          %sub3A = arith.constant 4 : i32
          %sub3A_348 = arith.subi %add3A_179, %sub3A : i32
          %mul3A_349 = arith.constant 128 : i32
          %mul3A_350 = arith.muli %add3A, %mul3A_349 : i32
          %add3A_351 = arith.addi %mul3A_350, %sub3A_348 : i32
          %mul3A_352 = arith.constant 128 : i32
          %mul3A_353 = arith.muli %add3A_351, %mul3A_352 : i32
          %dma_wait3A_354 = arith.constant 3 : i32
          %dma_wait3A_355 = arith.constant 3 : i32
          %dma_wait3A_356 = arith.constant 0 : i32
          %dma_wait3A_357 = arith.constant 0 : i32
          %dma_wait3A_358 = tpu.memref_slice %arg7[%dma_wait3A_354, %dma_wait3A_356, %dma_wait3A_357] : memref<4x128x128xf32, #tpu.memory_space<vmem>> -> memref<1x128x128xf32, #tpu.memory_space<vmem>>
          %dma_wait3A_359 = tpu.memref_squeeze %dma_wait3A_358 : memref<1x128x128xf32, #tpu.memory_space<vmem>> -> memref<128x128xf32, #tpu.memory_space<vmem>>
          %dma_wait3A_360 = arith.constant 0 : i32
          %dma_wait3A_361 = tpu.memref_slice %arg5[%mul3A_353, %dma_wait3A_360] : memref<524288x128xf32, #tpu.memory_space<hbm>> -> memref<128x128xf32, #tpu.memory_space<hbm>>
          %dma_wait3A_362 = tpu.memref_slice %arg10[%dma_wait3A_355] : memref<4x!tpu.dma_semaphore, #tpu.memory_space<semaphore_mem>> -> memref<1x!tpu.dma_semaphore, #tpu.memory_space<semaphore_mem>>
          %dma_wait3A_363 = tpu.memref_squeeze %dma_wait3A_362 : memref<1x!tpu.dma_semaphore, #tpu.memory_space<semaphore_mem>> -> memref<!tpu.dma_semaphore, #tpu.memory_space<semaphore_mem>>
          %dma_wait3A_364 = arith.constant 0 : i32
          %dma_wait3A_365 = tpu.memref_slice %arg5[%mul3A_353, %dma_wait3A_364] : memref<524288x128xf32, #tpu.memory_space<hbm>> -> memref<128x128xf32, #tpu.memory_space<hbm>>
          %dma_wait3A_366 = arith.constant 0 : i32
          %dma_wait3A_367 = arith.constant 0 : i32
          %dma_wait3A_368 = tpu.memref_slice %arg7[%dma_wait3A_354, %dma_wait3A_366, %dma_wait3A_367] : memref<4x128x128xf32, #tpu.memory_space<vmem>> -> memref<1x128x128xf32, #tpu.memory_space<vmem>>
          %dma_wait3A_369 = tpu.memref_squeeze %dma_wait3A_368 : memref<1x128x128xf32, #tpu.memory_space<vmem>> -> memref<128x128xf32, #tpu.memory_space<vmem>>
          tpu.wait_dma2 semaphore(%dma_wait3A_363 : memref<!tpu.dma_semaphore, #tpu.memory_space<semaphore_mem>>) src(%dma_wait3A_369 : memref<128x128xf32, #tpu.memory_space<vmem>>) dst(%dma_wait3A_365 : memref<128x128xf32, #tpu.memory_space<hbm>>)
        } else {
        }
        %dma_start3A_334 = arith.constant 3 : i32
        %dma_start3A_335 = arith.constant 3 : i32
        %dma_start3A_336 = arith.constant 0 : i32
        %dma_start3A_337 = arith.constant 0 : i32
        %dma_start3A_338 = tpu.memref_slice %arg7[%dma_start3A_334, %dma_start3A_336, %dma_start3A_337] : memref<4x128x128xf32, #tpu.memory_space<vmem>> -> memref<1x128x128xf32, #tpu.memory_space<vmem>>
        %dma_start3A_339 = tpu.memref_squeeze %dma_start3A_338 : memref<1x128x128xf32, #tpu.memory_space<vmem>> -> memref<128x128xf32, #tpu.memory_space<vmem>>
        %dma_start3A_340 = arith.constant 0 : i32
        %dma_start3A_341 = tpu.memref_slice %arg6[%add3A_179, %dma_start3A_340] : memref<128x128xi32, #tpu.memory_space<vmem>> -> memref<1x128xi32, #tpu.memory_space<vmem>>
        %dma_start3A_342 = tpu.memref_squeeze %dma_start3A_341 : memref<1x128xi32, #tpu.memory_space<vmem>> -> memref<128xi32, #tpu.memory_space<vmem>>
        %dma_start3A_343 = arith.constant 0 : i32
        %dma_start3A_344 = arith.constant 0 : i32
        %dma_start3A_345 = tpu.memref_slice %arg3[%dma_start3A_343, %dma_start3A_344] : memref<100000x128xf32, #tpu.memory_space<hbm>> -> memref<100000x128xf32, #tpu.memory_space<hbm>>
        %dma_start3A_346 = tpu.memref_slice %arg9[%dma_start3A_335] : memref<4x!tpu.dma_semaphore, #tpu.memory_space<semaphore_mem>> -> memref<1x!tpu.dma_semaphore, #tpu.memory_space<semaphore_mem>>
        %dma_start3A_347 = tpu.memref_squeeze %dma_start3A_346 : memref<1x!tpu.dma_semaphore, #tpu.memory_space<semaphore_mem>> -> memref<!tpu.dma_semaphore, #tpu.memory_space<semaphore_mem>>
        tpu.enqueue_indirect_dma source(%dma_start3A_345 : memref<100000x128xf32, #tpu.memory_space<hbm>>) target(%dma_start3A_339 : memref<128x128xf32, #tpu.memory_space<vmem>>) offsets(%dma_start3A_342 : memref<128xi32, #tpu.memory_space<vmem>>) semaphore(%dma_start3A_347 : memref<!tpu.dma_semaphore, #tpu.memory_space<semaphore_mem>>)
      } else {
      }
      %dma_wait3A_185 = arith.constant 1 : i32
      %dma_wait3A_186 = arith.constant 1 : i32
      %dma_wait3A_187 = arith.constant 0 : i32
      %dma_wait3A_188 = arith.constant 0 : i32
      %dma_wait3A_189 = tpu.memref_slice %arg7[%dma_wait3A_185, %dma_wait3A_187, %dma_wait3A_188] : memref<4x128x128xf32, #tpu.memory_space<vmem>> -> memref<1x128x128xf32, #tpu.memory_space<vmem>>
      %dma_wait3A_190 = tpu.memref_squeeze %dma_wait3A_189 : memref<1x128x128xf32, #tpu.memory_space<vmem>> -> memref<128x128xf32, #tpu.memory_space<vmem>>
      %dma_wait3A_191 = arith.constant 0 : i32
      %dma_wait3A_192 = tpu.memref_slice %arg6[%add3A_177, %dma_wait3A_191] : memref<128x128xi32, #tpu.memory_space<vmem>> -> memref<1x128xi32, #tpu.memory_space<vmem>>
      %dma_wait3A_193 = tpu.memref_squeeze %dma_wait3A_192 : memref<1x128xi32, #tpu.memory_space<vmem>> -> memref<128xi32, #tpu.memory_space<vmem>>
      %dma_wait3A_194 = arith.constant 0 : i32
      %dma_wait3A_195 = arith.constant 0 : i32
      %dma_wait3A_196 = tpu.memref_slice %arg3[%dma_wait3A_194, %dma_wait3A_195] : memref<100000x128xf32, #tpu.memory_space<hbm>> -> memref<100000x128xf32, #tpu.memory_space<hbm>>
      %dma_wait3A_197 = tpu.memref_slice %arg9[%dma_wait3A_186] : memref<4x!tpu.dma_semaphore, #tpu.memory_space<semaphore_mem>> -> memref<1x!tpu.dma_semaphore, #tpu.memory_space<semaphore_mem>>
      %dma_wait3A_198 = tpu.memref_squeeze %dma_wait3A_197 : memref<1x!tpu.dma_semaphore, #tpu.memory_space<semaphore_mem>> -> memref<!tpu.dma_semaphore, #tpu.memory_space<semaphore_mem>>
      tpu.wait_indirect_dma semaphore(%dma_wait3A_198 : memref<!tpu.dma_semaphore, #tpu.memory_space<semaphore_mem>>) src(%dma_wait3A_196 : memref<100000x128xf32, #tpu.memory_space<hbm>>) dst(%dma_wait3A_190 : memref<128x128xf32, #tpu.memory_space<vmem>>)
      %scan3A_199 = arith.constant 0 : i32
      %scan3A_200 = arith.constant 0 : i32
      %scan3A_201 = arith.constant 128 : i32
      %scan3A_202 = arith.addi %scan3A_200, %scan3A_201 : i32
      %scan3A_203 = arith.constant 4 : i32
      scf.for %scan3A_330 = %scan3A_200 to %scan3A_202 step %scan3A_203  : i32 {
        %get3A = arith.index_cast %scan3A_330 : i32 to index
        %get3A_331 = arith.constant 0 : index
        %get3A_332 = tpu.vector_load %arg8[%get3A, %get3A_331] {strides = array<i32>} : memref<128x128xf32, #tpu.memory_space<vmem>>, vector<1x16xf32>,
        %get3A_333 = vector.shape_cast %get3A_332 : vector<1x16xf32> to vector<16xf32>
        %swap3A = arith.constant 1 : i32
        %swap3A_334 = arith.index_cast %swap3A : i32 to index
        %swap3A_335 = arith.index_cast %scan3A_330 : i32 to index
        %swap3A_336 = arith.constant 0 : index
        %swap3A_337 = tpu.vector_load %arg7[%swap3A_334, %swap3A_335, %swap3A_336] {strides = array<i32>} : memref<4x128x128xf32, #tpu.memory_space<vmem>>, vector<1x1x16xf32>,
        %swap3A_338 = vector.shape_cast %swap3A_337 : vector<1x1x16xf32> to vector<16xf32>
        %swap3A_339 = vector.shape_cast %get3A_333 : vector<16xf32> to vector<1x1x16xf32>
        tpu.vector_store %arg7[%swap3A_334, %swap3A_335, %swap3A_336], %swap3A_339 {add = true, strides = array<i32>} : memref<4x128x128xf32, #tpu.memory_space<vmem>>, vector<1x1x16xf32>,
        %get3A_340 = arith.index_cast %scan3A_330 : i32 to index
        %get3A_341 = arith.constant 16 : index
        %get3A_342 = tpu.vector_load %arg8[%get3A_340, %get3A_341] {strides = array<i32>} : memref<128x128xf32, #tpu.memory_space<vmem>>, vector<1x16xf32>,
        %get3A_343 = vector.shape_cast %get3A_342 : vector<1x16xf32> to vector<16xf32>
        %swap3A_344 = arith.constant 1 : i32
        %swap3A_345 = arith.index_cast %swap3A_344 : i32 to index
        %swap3A_346 = arith.index_cast %scan3A_330 : i32 to index
        %swap3A_347 = arith.constant 16 : index
        %swap3A_348 = tpu.vector_load %arg7[%swap3A_345, %swap3A_346, %swap3A_347] {strides = array<i32>} : memref<4x128x128xf32, #tpu.memory_space<vmem>>, vector<1x1x16xf32>,
        %swap3A_349 = vector.shape_cast %swap3A_348 : vector<1x1x16xf32> to vector<16xf32>
        %swap3A_350 = vector.shape_cast %get3A_343 : vector<16xf32> to vector<1x1x16xf32>
        tpu.vector_store %arg7[%swap3A_345, %swap3A_346, %swap3A_347], %swap3A_350 {add = true, strides = array<i32>} : memref<4x128x128xf32, #tpu.memory_space<vmem>>, vector<1x1x16xf32>,
        %get3A_351 = arith.index_cast %scan3A_330 : i32 to index
        %get3A_352 = arith.constant 32 : index
        %get3A_353 = tpu.vector_load %arg8[%get3A_351, %get3A_352] {strides = array<i32>} : memref<128x128xf32, #tpu.memory_space<vmem>>, vector<1x16xf32>,
        %get3A_354 = vector.shape_cast %get3A_353 : vector<1x16xf32> to vector<16xf32>
        %swap3A_355 = arith.constant 1 : i32
        %swap3A_356 = arith.index_cast %swap3A_355 : i32 to index
        %swap3A_357 = arith.index_cast %scan3A_330 : i32 to index
        %swap3A_358 = arith.constant 32 : index
        %swap3A_359 = tpu.vector_load %arg7[%swap3A_356, %swap3A_357, %swap3A_358] {strides = array<i32>} : memref<4x128x128xf32, #tpu.memory_space<vmem>>, vector<1x1x16xf32>,
        %swap3A_360 = vector.shape_cast %swap3A_359 : vector<1x1x16xf32> to vector<16xf32>
        %swap3A_361 = vector.shape_cast %get3A_354 : vector<16xf32> to vector<1x1x16xf32>
        tpu.vector_store %arg7[%swap3A_356, %swap3A_357, %swap3A_358], %swap3A_361 {add = true, strides = array<i32>} : memref<4x128x128xf32, #tpu.memory_space<vmem>>, vector<1x1x16xf32>,
        %get3A_362 = arith.index_cast %scan3A_330 : i32 to index
        %get3A_363 = arith.constant 48 : index
        %get3A_364 = tpu.vector_load %arg8[%get3A_362, %get3A_363] {strides = array<i32>} : memref<128x128xf32, #tpu.memory_space<vmem>>, vector<1x16xf32>,
        %get3A_365 = vector.shape_cast %get3A_364 : vector<1x16xf32> to vector<16xf32>
        %swap3A_366 = arith.constant 1 : i32
        %swap3A_367 = arith.index_cast %swap3A_366 : i32 to index
        %swap3A_368 = arith.index_cast %scan3A_330 : i32 to index
        %swap3A_369 = arith.constant 48 : index
        %swap3A_370 = tpu.vector_load %arg7[%swap3A_367, %swap3A_368, %swap3A_369] {strides = array<i32>} : memref<4x128x128xf32, #tpu.memory_space<vmem>>, vector<1x1x16xf32>,
        %swap3A_371 = vector.shape_cast %swap3A_370 : vector<1x1x16xf32> to vector<16xf32>
        %swap3A_372 = vector.shape_cast %get3A_365 : vector<16xf32> to vector<1x1x16xf32>
        tpu.vector_store %arg7[%swap3A_367, %swap3A_368, %swap3A_369], %swap3A_372 {add = true, strides = array<i32>} : memref<4x128x128xf32, #tpu.memory_space<vmem>>, vector<1x1x16xf32>,
        %get3A_373 = arith.index_cast %scan3A_330 : i32 to index
        %get3A_374 = arith.constant 64 : index
        %get3A_375 = tpu.vector_load %arg8[%get3A_373, %get3A_374] {strides = array<i32>} : memref<128x128xf32, #tpu.memory_space<vmem>>, vector<1x16xf32>,
        %get3A_376 = vector.shape_cast %get3A_375 : vector<1x16xf32> to vector<16xf32>
        %swap3A_377 = arith.constant 1 : i32
        %swap3A_378 = arith.index_cast %swap3A_377 : i32 to index
        %swap3A_379 = arith.index_cast %scan3A_330 : i32 to index
        %swap3A_380 = arith.constant 64 : index
        %swap3A_381 = tpu.vector_load %arg7[%swap3A_378, %swap3A_379, %swap3A_380] {strides = array<i32>} : memref<4x128x128xf32, #tpu.memory_space<vmem>>, vector<1x1x16xf32>,
        %swap3A_382 = vector.shape_cast %swap3A_381 : vector<1x1x16xf32> to vector<16xf32>
        %swap3A_383 = vector.shape_cast %get3A_376 : vector<16xf32> to vector<1x1x16xf32>
        tpu.vector_store %arg7[%swap3A_378, %swap3A_379, %swap3A_380], %swap3A_383 {add = true, strides = array<i32>} : memref<4x128x128xf32, #tpu.memory_space<vmem>>, vector<1x1x16xf32>,
        %get3A_384 = arith.index_cast %scan3A_330 : i32 to index
        %get3A_385 = arith.constant 80 : index
        %get3A_386 = tpu.vector_load %arg8[%get3A_384, %get3A_385] {strides = array<i32>} : memref<128x128xf32, #tpu.memory_space<vmem>>, vector<1x16xf32>,
        %get3A_387 = vector.shape_cast %get3A_386 : vector<1x16xf32> to vector<16xf32>
        %swap3A_388 = arith.constant 1 : i32
        %swap3A_389 = arith.index_cast %swap3A_388 : i32 to index
        %swap3A_390 = arith.index_cast %scan3A_330 : i32 to index
        %swap3A_391 = arith.constant 80 : index
        %swap3A_392 = tpu.vector_load %arg7[%swap3A_389, %swap3A_390, %swap3A_391] {strides = array<i32>} : memref<4x128x128xf32, #tpu.memory_space<vmem>>, vector<1x1x16xf32>,
        %swap3A_393 = vector.shape_cast %swap3A_392 : vector<1x1x16xf32> to vector<16xf32>
        %swap3A_394 = vector.shape_cast %get3A_387 : vector<16xf32> to vector<1x1x16xf32>
        tpu.vector_store %arg7[%swap3A_389, %swap3A_390, %swap3A_391], %swap3A_394 {add = true, strides = array<i32>} : memref<4x128x128xf32, #tpu.memory_space<vmem>>, vector<1x1x16xf32>,
        %get3A_395 = arith.index_cast %scan3A_330 : i32 to index
        %get3A_396 = arith.constant 96 : index
        %get3A_397 = tpu.vector_load %arg8[%get3A_395, %get3A_396] {strides = array<i32>} : memref<128x128xf32, #tpu.memory_space<vmem>>, vector<1x16xf32>,
        %get3A_398 = vector.shape_cast %get3A_397 : vector<1x16xf32> to vector<16xf32>
        %swap3A_399 = arith.constant 1 : i32
        %swap3A_400 = arith.index_cast %swap3A_399 : i32 to index
        %swap3A_401 = arith.index_cast %scan3A_330 : i32 to index
        %swap3A_402 = arith.constant 96 : index
        %swap3A_403 = tpu.vector_load %arg7[%swap3A_400, %swap3A_401, %swap3A_402] {strides = array<i32>} : memref<4x128x128xf32, #tpu.memory_space<vmem>>, vector<1x1x16xf32>,
        %swap3A_404 = vector.shape_cast %swap3A_403 : vector<1x1x16xf32> to vector<16xf32>
        %swap3A_405 = vector.shape_cast %get3A_398 : vector<16xf32> to vector<1x1x16xf32>
        tpu.vector_store %arg7[%swap3A_400, %swap3A_401, %swap3A_402], %swap3A_405 {add = true, strides = array<i32>} : memref<4x128x128xf32, #tpu.memory_space<vmem>>, vector<1x1x16xf32>,
        %get3A_406 = arith.index_cast %scan3A_330 : i32 to index
        %get3A_407 = arith.constant 112 : index
        %get3A_408 = tpu.vector_load %arg8[%get3A_406, %get3A_407] {strides = array<i32>} : memref<128x128xf32, #tpu.memory_space<vmem>>, vector<1x16xf32>,
        %get3A_409 = vector.shape_cast %get3A_408 : vector<1x16xf32> to vector<16xf32>
        %swap3A_410 = arith.constant 1 : i32
        %swap3A_411 = arith.index_cast %swap3A_410 : i32 to index
        %swap3A_412 = arith.index_cast %scan3A_330 : i32 to index
        %swap3A_413 = arith.constant 112 : index
        %swap3A_414 = tpu.vector_load %arg7[%swap3A_411, %swap3A_412, %swap3A_413] {strides = array<i32>} : memref<4x128x128xf32, #tpu.memory_space<vmem>>, vector<1x1x16xf32>,
        %swap3A_415 = vector.shape_cast %swap3A_414 : vector<1x1x16xf32> to vector<16xf32>
        %swap3A_416 = vector.shape_cast %get3A_409 : vector<16xf32> to vector<1x1x16xf32>
        tpu.vector_store %arg7[%swap3A_411, %swap3A_412, %swap3A_413], %swap3A_416 {add = true, strides = array<i32>} : memref<4x128x128xf32, #tpu.memory_space<vmem>>, vector<1x1x16xf32>,
        %scan3A_417 = arith.constant 1 : i32
        %scan3A_418 = arith.addi %scan3A_330, %scan3A_417 : i32
        %get3A_419 = arith.index_cast %scan3A_418 : i32 to index
        %get3A_420 = arith.constant 0 : index
        %get3A_421 = tpu.vector_load %arg8[%get3A_419, %get3A_420] {strides = array<i32>} : memref<128x128xf32, #tpu.memory_space<vmem>>, vector<1x16xf32>,
        %get3A_422 = vector.shape_cast %get3A_421 : vector<1x16xf32> to vector<16xf32>
        %swap3A_423 = arith.constant 1 : i32
        %swap3A_424 = arith.index_cast %swap3A_423 : i32 to index
        %swap3A_425 = arith.index_cast %scan3A_418 : i32 to index
        %swap3A_426 = arith.constant 0 : index
        %swap3A_427 = tpu.vector_load %arg7[%swap3A_424, %swap3A_425, %swap3A_426] {strides = array<i32>} : memref<4x128x128xf32, #tpu.memory_space<vmem>>, vector<1x1x16xf32>,
        %swap3A_428 = vector.shape_cast %swap3A_427 : vector<1x1x16xf32> to vector<16xf32>
        %swap3A_429 = vector.shape_cast %get3A_422 : vector<16xf32> to vector<1x1x16xf32>
        tpu.vector_store %arg7[%swap3A_424, %swap3A_425, %swap3A_426], %swap3A_429 {add = true, strides = array<i32>} : memref<4x128x128xf32, #tpu.memory_space<vmem>>, vector<1x1x16xf32>,
        %get3A_430 = arith.index_cast %scan3A_418 : i32 to index
        %get3A_431 = arith.constant 16 : index
        %get3A_432 = tpu.vector_load %arg8[%get3A_430, %get3A_431] {strides = array<i32>} : memref<128x128xf32, #tpu.memory_space<vmem>>, vector<1x16xf32>,
        %get3A_433 = vector.shape_cast %get3A_432 : vector<1x16xf32> to vector<16xf32>
        %swap3A_434 = arith.constant 1 : i32
        %swap3A_435 = arith.index_cast %swap3A_434 : i32 to index
        %swap3A_436 = arith.index_cast %scan3A_418 : i32 to index
        %swap3A_437 = arith.constant 16 : index
        %swap3A_438 = tpu.vector_load %arg7[%swap3A_435, %swap3A_436, %swap3A_437] {strides = array<i32>} : memref<4x128x128xf32, #tpu.memory_space<vmem>>, vector<1x1x16xf32>,
        %swap3A_439 = vector.shape_cast %swap3A_438 : vector<1x1x16xf32> to vector<16xf32>
        %swap3A_440 = vector.shape_cast %get3A_433 : vector<16xf32> to vector<1x1x16xf32>
        tpu.vector_store %arg7[%swap3A_435, %swap3A_436, %swap3A_437], %swap3A_440 {add = true, strides = array<i32>} : memref<4x128x128xf32, #tpu.memory_space<vmem>>, vector<1x1x16xf32>,
        %get3A_441 = arith.index_cast %scan3A_418 : i32 to index
        %get3A_442 = arith.constant 32 : index
        %get3A_443 = tpu.vector_load %arg8[%get3A_441, %get3A_442] {strides = array<i32>} : memref<128x128xf32, #tpu.memory_space<vmem>>, vector<1x16xf32>,
        %get3A_444 = vector.shape_cast %get3A_443 : vector<1x16xf32> to vector<16xf32>
        %swap3A_445 = arith.constant 1 : i32
        %swap3A_446 = arith.index_cast %swap3A_445 : i32 to index
        %swap3A_447 = arith.index_cast %scan3A_418 : i32 to index
        %swap3A_448 = arith.constant 32 : index
        %swap3A_449 = tpu.vector_load %arg7[%swap3A_446, %swap3A_447, %swap3A_448] {strides = array<i32>} : memref<4x128x128xf32, #tpu.memory_space<vmem>>, vector<1x1x16xf32>,
        %swap3A_450 = vector.shape_cast %swap3A_449 : vector<1x1x16xf32> to vector<16xf32>
        %swap3A_451 = vector.shape_cast %get3A_444 : vector<16xf32> to vector<1x1x16xf32>
        tpu.vector_store %arg7[%swap3A_446, %swap3A_447, %swap3A_448], %swap3A_451 {add = true, strides = array<i32>} : memref<4x128x128xf32, #tpu.memory_space<vmem>>, vector<1x1x16xf32>,
        %get3A_452 = arith.index_cast %scan3A_418 : i32 to index
        %get3A_453 = arith.constant 48 : index
        %get3A_454 = tpu.vector_load %arg8[%get3A_452, %get3A_453] {strides = array<i32>} : memref<128x128xf32, #tpu.memory_space<vmem>>, vector<1x16xf32>,
        %get3A_455 = vector.shape_cast %get3A_454 : vector<1x16xf32> to vector<16xf32>
        %swap3A_456 = arith.constant 1 : i32
        %swap3A_457 = arith.index_cast %swap3A_456 : i32 to index
        %swap3A_458 = arith.index_cast %scan3A_418 : i32 to index
        %swap3A_459 = arith.constant 48 : index
        %swap3A_460 = tpu.vector_load %arg7[%swap3A_457, %swap3A_458, %swap3A_459] {strides = array<i32>} : memref<4x128x128xf32, #tpu.memory_space<vmem>>, vector<1x1x16xf32>,
        %swap3A_461 = vector.shape_cast %swap3A_460 : vector<1x1x16xf32> to vector<16xf32>
        %swap3A_462 = vector.shape_cast %get3A_455 : vector<16xf32> to vector<1x1x16xf32>
        tpu.vector_store %arg7[%swap3A_457, %swap3A_458, %swap3A_459], %swap3A_462 {add = true, strides = array<i32>} : memref<4x128x128xf32, #tpu.memory_space<vmem>>, vector<1x1x16xf32>,
        %get3A_463 = arith.index_cast %scan3A_418 : i32 to index
        %get3A_464 = arith.constant 64 : index
        %get3A_465 = tpu.vector_load %arg8[%get3A_463, %get3A_464] {strides = array<i32>} : memref<128x128xf32, #tpu.memory_space<vmem>>, vector<1x16xf32>,
        %get3A_466 = vector.shape_cast %get3A_465 : vector<1x16xf32> to vector<16xf32>
        %swap3A_467 = arith.constant 1 : i32
        %swap3A_468 = arith.index_cast %swap3A_467 : i32 to index
        %swap3A_469 = arith.index_cast %scan3A_418 : i32 to index
        %swap3A_470 = arith.constant 64 : index
        %swap3A_471 = tpu.vector_load %arg7[%swap3A_468, %swap3A_469, %swap3A_470] {strides = array<i32>} : memref<4x128x128xf32, #tpu.memory_space<vmem>>, vector<1x1x16xf32>,
        %swap3A_472 = vector.shape_cast %swap3A_471 : vector<1x1x16xf32> to vector<16xf32>
        %swap3A_473 = vector.shape_cast %get3A_466 : vector<16xf32> to vector<1x1x16xf32>
        tpu.vector_store %arg7[%swap3A_468, %swap3A_469, %swap3A_470], %swap3A_473 {add = true, strides = array<i32>} : memref<4x128x128xf32, #tpu.memory_space<vmem>>, vector<1x1x16xf32>,
        %get3A_474 = arith.index_cast %scan3A_418 : i32 to index
        %get3A_475 = arith.constant 80 : index
        %get3A_476 = tpu.vector_load %arg8[%get3A_474, %get3A_475] {strides = array<i32>} : memref<128x128xf32, #tpu.memory_space<vmem>>, vector<1x16xf32>,
        %get3A_477 = vector.shape_cast %get3A_476 : vector<1x16xf32> to vector<16xf32>
        %swap3A_478 = arith.constant 1 : i32
        %swap3A_479 = arith.index_cast %swap3A_478 : i32 to index
        %swap3A_480 = arith.index_cast %scan3A_418 : i32 to index
        %swap3A_481 = arith.constant 80 : index
        %swap3A_482 = tpu.vector_load %arg7[%swap3A_479, %swap3A_480, %swap3A_481] {strides = array<i32>} : memref<4x128x128xf32, #tpu.memory_space<vmem>>, vector<1x1x16xf32>,
        %swap3A_483 = vector.shape_cast %swap3A_482 : vector<1x1x16xf32> to vector<16xf32>
        %swap3A_484 = vector.shape_cast %get3A_477 : vector<16xf32> to vector<1x1x16xf32>
        tpu.vector_store %arg7[%swap3A_479, %swap3A_480, %swap3A_481], %swap3A_484 {add = true, strides = array<i32>} : memref<4x128x128xf32, #tpu.memory_space<vmem>>, vector<1x1x16xf32>,
        %get3A_485 = arith.index_cast %scan3A_418 : i32 to index
        %get3A_486 = arith.constant 96 : index
        %get3A_487 = tpu.vector_load %arg8[%get3A_485, %get3A_486] {strides = array<i32>} : memref<128x128xf32, #tpu.memory_space<vmem>>, vector<1x16xf32>,
        %get3A_488 = vector.shape_cast %get3A_487 : vector<1x16xf32> to vector<16xf32>
        %swap3A_489 = arith.constant 1 : i32
        %swap3A_490 = arith.index_cast %swap3A_489 : i32 to index
        %swap3A_491 = arith.index_cast %scan3A_418 : i32 to index
        %swap3A_492 = arith.constant 96 : index
        %swap3A_493 = tpu.vector_load %arg7[%swap3A_490, %swap3A_491, %swap3A_492] {strides = array<i32>} : memref<4x128x128xf32, #tpu.memory_space<vmem>>, vector<1x1x16xf32>,
        %swap3A_494 = vector.shape_cast %swap3A_493 : vector<1x1x16xf32> to vector<16xf32>
        %swap3A_495 = vector.shape_cast %get3A_488 : vector<16xf32> to vector<1x1x16xf32>
        tpu.vector_store %arg7[%swap3A_490, %swap3A_491, %swap3A_492], %swap3A_495 {add = true, strides = array<i32>} : memref<4x128x128xf32, #tpu.memory_space<vmem>>, vector<1x1x16xf32>,
        %get3A_496 = arith.index_cast %scan3A_418 : i32 to index
        %get3A_497 = arith.constant 112 : index
        %get3A_498 = tpu.vector_load %arg8[%get3A_496, %get3A_497] {strides = array<i32>} : memref<128x128xf32, #tpu.memory_space<vmem>>, vector<1x16xf32>,
        %get3A_499 = vector.shape_cast %get3A_498 : vector<1x16xf32> to vector<16xf32>
        %swap3A_500 = arith.constant 1 : i32
        %swap3A_501 = arith.index_cast %swap3A_500 : i32 to index
        %swap3A_502 = arith.index_cast %scan3A_418 : i32 to index
        %swap3A_503 = arith.constant 112 : index
        %swap3A_504 = tpu.vector_load %arg7[%swap3A_501, %swap3A_502, %swap3A_503] {strides = array<i32>} : memref<4x128x128xf32, #tpu.memory_space<vmem>>, vector<1x1x16xf32>,
        %swap3A_505 = vector.shape_cast %swap3A_504 : vector<1x1x16xf32> to vector<16xf32>
        %swap3A_506 = vector.shape_cast %get3A_499 : vector<16xf32> to vector<1x1x16xf32>
        tpu.vector_store %arg7[%swap3A_501, %swap3A_502, %swap3A_503], %swap3A_506 {add = true, strides = array<i32>} : memref<4x128x128xf32, #tpu.memory_space<vmem>>, vector<1x1x16xf32>,
        %scan3A_507 = arith.constant 2 : i32
        %scan3A_508 = arith.addi %scan3A_330, %scan3A_507 : i32
        %get3A_509 = arith.index_cast %scan3A_508 : i32 to index
        %get3A_510 = arith.constant 0 : index
        %get3A_511 = tpu.vector_load %arg8[%get3A_509, %get3A_510] {strides = array<i32>} : memref<128x128xf32, #tpu.memory_space<vmem>>, vector<1x16xf32>,
        %get3A_512 = vector.shape_cast %get3A_511 : vector<1x16xf32> to vector<16xf32>
        %swap3A_513 = arith.constant 1 : i32
        %swap3A_514 = arith.index_cast %swap3A_513 : i32 to index
        %swap3A_515 = arith.index_cast %scan3A_508 : i32 to index
        %swap3A_516 = arith.constant 0 : index
        %swap3A_517 = tpu.vector_load %arg7[%swap3A_514, %swap3A_515, %swap3A_516] {strides = array<i32>} : memref<4x128x128xf32, #tpu.memory_space<vmem>>, vector<1x1x16xf32>,
        %swap3A_518 = vector.shape_cast %swap3A_517 : vector<1x1x16xf32> to vector<16xf32>
        %swap3A_519 = vector.shape_cast %get3A_512 : vector<16xf32> to vector<1x1x16xf32>
        tpu.vector_store %arg7[%swap3A_514, %swap3A_515, %swap3A_516], %swap3A_519 {add = true, strides = array<i32>} : memref<4x128x128xf32, #tpu.memory_space<vmem>>, vector<1x1x16xf32>,
        %get3A_520 = arith.index_cast %scan3A_508 : i32 to index
        %get3A_521 = arith.constant 16 : index
        %get3A_522 = tpu.vector_load %arg8[%get3A_520, %get3A_521] {strides = array<i32>} : memref<128x128xf32, #tpu.memory_space<vmem>>, vector<1x16xf32>,
        %get3A_523 = vector.shape_cast %get3A_522 : vector<1x16xf32> to vector<16xf32>
        %swap3A_524 = arith.constant 1 : i32
        %swap3A_525 = arith.index_cast %swap3A_524 : i32 to index
        %swap3A_526 = arith.index_cast %scan3A_508 : i32 to index
        %swap3A_527 = arith.constant 16 : index
        %swap3A_528 = tpu.vector_load %arg7[%swap3A_525, %swap3A_526, %swap3A_527] {strides = array<i32>} : memref<4x128x128xf32, #tpu.memory_space<vmem>>, vector<1x1x16xf32>,
        %swap3A_529 = vector.shape_cast %swap3A_528 : vector<1x1x16xf32> to vector<16xf32>
        %swap3A_530 = vector.shape_cast %get3A_523 : vector<16xf32> to vector<1x1x16xf32>
        tpu.vector_store %arg7[%swap3A_525, %swap3A_526, %swap3A_527], %swap3A_530 {add = true, strides = array<i32>} : memref<4x128x128xf32, #tpu.memory_space<vmem>>, vector<1x1x16xf32>,
        %get3A_531 = arith.index_cast %scan3A_508 : i32 to index
        %get3A_532 = arith.constant 32 : index
        %get3A_533 = tpu.vector_load %arg8[%get3A_531, %get3A_532] {strides = array<i32>} : memref<128x128xf32, #tpu.memory_space<vmem>>, vector<1x16xf32>,
        %get3A_534 = vector.shape_cast %get3A_533 : vector<1x16xf32> to vector<16xf32>
        %swap3A_535 = arith.constant 1 : i32
        %swap3A_536 = arith.index_cast %swap3A_535 : i32 to index
        %swap3A_537 = arith.index_cast %scan3A_508 : i32 to index
        %swap3A_538 = arith.constant 32 : index
        %swap3A_539 = tpu.vector_load %arg7[%swap3A_536, %swap3A_537, %swap3A_538] {strides = array<i32>} : memref<4x128x128xf32, #tpu.memory_space<vmem>>, vector<1x1x16xf32>,
        %swap3A_540 = vector.shape_cast %swap3A_539 : vector<1x1x16xf32> to vector<16xf32>
        %swap3A_541 = vector.shape_cast %get3A_534 : vector<16xf32> to vector<1x1x16xf32>
        tpu.vector_store %arg7[%swap3A_536, %swap3A_537, %swap3A_538], %swap3A_541 {add = true, strides = array<i32>} : memref<4x128x128xf32, #tpu.memory_space<vmem>>, vector<1x1x16xf32>,
        %get3A_542 = arith.index_cast %scan3A_508 : i32 to index
        %get3A_543 = arith.constant 48 : index
        %get3A_544 = tpu.vector_load %arg8[%get3A_542, %get3A_543] {strides = array<i32>} : memref<128x128xf32, #tpu.memory_space<vmem>>, vector<1x16xf32>,
        %get3A_545 = vector.shape_cast %get3A_544 : vector<1x16xf32> to vector<16xf32>
        %swap3A_546 = arith.constant 1 : i32
        %swap3A_547 = arith.index_cast %swap3A_546 : i32 to index
        %swap3A_548 = arith.index_cast %scan3A_508 : i32 to index
        %swap3A_549 = arith.constant 48 : index
        %swap3A_550 = tpu.vector_load %arg7[%swap3A_547, %swap3A_548, %swap3A_549] {strides = array<i32>} : memref<4x128x128xf32, #tpu.memory_space<vmem>>, vector<1x1x16xf32>,
        %swap3A_551 = vector.shape_cast %swap3A_550 : vector<1x1x16xf32> to vector<16xf32>
        %swap3A_552 = vector.shape_cast %get3A_545 : vector<16xf32> to vector<1x1x16xf32>
        tpu.vector_store %arg7[%swap3A_547, %swap3A_548, %swap3A_549], %swap3A_552 {add = true, strides = array<i32>} : memref<4x128x128xf32, #tpu.memory_space<vmem>>, vector<1x1x16xf32>,
        %get3A_553 = arith.index_cast %scan3A_508 : i32 to index
        %get3A_554 = arith.constant 64 : index
        %get3A_555 = tpu.vector_load %arg8[%get3A_553, %get3A_554] {strides = array<i32>} : memref<128x128xf32, #tpu.memory_space<vmem>>, vector<1x16xf32>,
        %get3A_556 = vector.shape_cast %get3A_555 : vector<1x16xf32> to vector<16xf32>
        %swap3A_557 = arith.constant 1 : i32
        %swap3A_558 = arith.index_cast %swap3A_557 : i32 to index
        %swap3A_559 = arith.index_cast %scan3A_508 : i32 to index
        %swap3A_560 = arith.constant 64 : index
        %swap3A_561 = tpu.vector_load %arg7[%swap3A_558, %swap3A_559, %swap3A_560] {strides = array<i32>} : memref<4x128x128xf32, #tpu.memory_space<vmem>>, vector<1x1x16xf32>,
        %swap3A_562 = vector.shape_cast %swap3A_561 : vector<1x1x16xf32> to vector<16xf32>
        %swap3A_563 = vector.shape_cast %get3A_556 : vector<16xf32> to vector<1x1x16xf32>
        tpu.vector_store %arg7[%swap3A_558, %swap3A_559, %swap3A_560], %swap3A_563 {add = true, strides = array<i32>} : memref<4x128x128xf32, #tpu.memory_space<vmem>>, vector<1x1x16xf32>,
        %get3A_564 = arith.index_cast %scan3A_508 : i32 to index
        %get3A_565 = arith.constant 80 : index
        %get3A_566 = tpu.vector_load %arg8[%get3A_564, %get3A_565] {strides = array<i32>} : memref<128x128xf32, #tpu.memory_space<vmem>>, vector<1x16xf32>,
        %get3A_567 = vector.shape_cast %get3A_566 : vector<1x16xf32> to vector<16xf32>
        %swap3A_568 = arith.constant 1 : i32
        %swap3A_569 = arith.index_cast %swap3A_568 : i32 to index
        %swap3A_570 = arith.index_cast %scan3A_508 : i32 to index
        %swap3A_571 = arith.constant 80 : index
        %swap3A_572 = tpu.vector_load %arg7[%swap3A_569, %swap3A_570, %swap3A_571] {strides = array<i32>} : memref<4x128x128xf32, #tpu.memory_space<vmem>>, vector<1x1x16xf32>,
        %swap3A_573 = vector.shape_cast %swap3A_572 : vector<1x1x16xf32> to vector<16xf32>
        %swap3A_574 = vector.shape_cast %get3A_567 : vector<16xf32> to vector<1x1x16xf32>
        tpu.vector_store %arg7[%swap3A_569, %swap3A_570, %swap3A_571], %swap3A_574 {add = true, strides = array<i32>} : memref<4x128x128xf32, #tpu.memory_space<vmem>>, vector<1x1x16xf32>,
        %get3A_575 = arith.index_cast %scan3A_508 : i32 to index
        %get3A_576 = arith.constant 96 : index
        %get3A_577 = tpu.vector_load %arg8[%get3A_575, %get3A_576] {strides = array<i32>} : memref<128x128xf32, #tpu.memory_space<vmem>>, vector<1x16xf32>,
        %get3A_578 = vector.shape_cast %get3A_577 : vector<1x16xf32> to vector<16xf32>
        %swap3A_579 = arith.constant 1 : i32
        %swap3A_580 = arith.index_cast %swap3A_579 : i32 to index
        %swap3A_581 = arith.index_cast %scan3A_508 : i32 to index
        %swap3A_582 = arith.constant 96 : index
        %swap3A_583 = tpu.vector_load %arg7[%swap3A_580, %swap3A_581, %swap3A_582] {strides = array<i32>} : memref<4x128x128xf32, #tpu.memory_space<vmem>>, vector<1x1x16xf32>,
        %swap3A_584 = vector.shape_cast %swap3A_583 : vector<1x1x16xf32> to vector<16xf32>
        %swap3A_585 = vector.shape_cast %get3A_578 : vector<16xf32> to vector<1x1x16xf32>
        tpu.vector_store %arg7[%swap3A_580, %swap3A_581, %swap3A_582], %swap3A_585 {add = true, strides = array<i32>} : memref<4x128x128xf32, #tpu.memory_space<vmem>>, vector<1x1x16xf32>,
        %get3A_586 = arith.index_cast %scan3A_508 : i32 to index
        %get3A_587 = arith.constant 112 : index
        %get3A_588 = tpu.vector_load %arg8[%get3A_586, %get3A_587] {strides = array<i32>} : memref<128x128xf32, #tpu.memory_space<vmem>>, vector<1x16xf32>,
        %get3A_589 = vector.shape_cast %get3A_588 : vector<1x16xf32> to vector<16xf32>
        %swap3A_590 = arith.constant 1 : i32
        %swap3A_591 = arith.index_cast %swap3A_590 : i32 to index
        %swap3A_592 = arith.index_cast %scan3A_508 : i32 to index
        %swap3A_593 = arith.constant 112 : index
        %swap3A_594 = tpu.vector_load %arg7[%swap3A_591, %swap3A_592, %swap3A_593] {strides = array<i32>} : memref<4x128x128xf32, #tpu.memory_space<vmem>>, vector<1x1x16xf32>,
        %swap3A_595 = vector.shape_cast %swap3A_594 : vector<1x1x16xf32> to vector<16xf32>
        %swap3A_596 = vector.shape_cast %get3A_589 : vector<16xf32> to vector<1x1x16xf32>
        tpu.vector_store %arg7[%swap3A_591, %swap3A_592, %swap3A_593], %swap3A_596 {add = true, strides = array<i32>} : memref<4x128x128xf32, #tpu.memory_space<vmem>>, vector<1x1x16xf32>,
        %scan3A_597 = arith.constant 3 : i32
        %scan3A_598 = arith.addi %scan3A_330, %scan3A_597 : i32
        %get3A_599 = arith.index_cast %scan3A_598 : i32 to index
        %get3A_600 = arith.constant 0 : index
        %get3A_601 = tpu.vector_load %arg8[%get3A_599, %get3A_600] {strides = array<i32>} : memref<128x128xf32, #tpu.memory_space<vmem>>, vector<1x16xf32>,
        %get3A_602 = vector.shape_cast %get3A_601 : vector<1x16xf32> to vector<16xf32>
        %swap3A_603 = arith.constant 1 : i32
        %swap3A_604 = arith.index_cast %swap3A_603 : i32 to index
        %swap3A_605 = arith.index_cast %scan3A_598 : i32 to index
        %swap3A_606 = arith.constant 0 : index
        %swap3A_607 = tpu.vector_load %arg7[%swap3A_604, %swap3A_605, %swap3A_606] {strides = array<i32>} : memref<4x128x128xf32, #tpu.memory_space<vmem>>, vector<1x1x16xf32>,
        %swap3A_608 = vector.shape_cast %swap3A_607 : vector<1x1x16xf32> to vector<16xf32>
        %swap3A_609 = vector.shape_cast %get3A_602 : vector<16xf32> to vector<1x1x16xf32>
        tpu.vector_store %arg7[%swap3A_604, %swap3A_605, %swap3A_606], %swap3A_609 {add = true, strides = array<i32>} : memref<4x128x128xf32, #tpu.memory_space<vmem>>, vector<1x1x16xf32>,
        %get3A_610 = arith.index_cast %scan3A_598 : i32 to index
        %get3A_611 = arith.constant 16 : index
        %get3A_612 = tpu.vector_load %arg8[%get3A_610, %get3A_611] {strides = array<i32>} : memref<128x128xf32, #tpu.memory_space<vmem>>, vector<1x16xf32>,
        %get3A_613 = vector.shape_cast %get3A_612 : vector<1x16xf32> to vector<16xf32>
        %swap3A_614 = arith.constant 1 : i32
        %swap3A_615 = arith.index_cast %swap3A_614 : i32 to index
        %swap3A_616 = arith.index_cast %scan3A_598 : i32 to index
        %swap3A_617 = arith.constant 16 : index
        %swap3A_618 = tpu.vector_load %arg7[%swap3A_615, %swap3A_616, %swap3A_617] {strides = array<i32>} : memref<4x128x128xf32, #tpu.memory_space<vmem>>, vector<1x1x16xf32>,
        %swap3A_619 = vector.shape_cast %swap3A_618 : vector<1x1x16xf32> to vector<16xf32>
        %swap3A_620 = vector.shape_cast %get3A_613 : vector<16xf32> to vector<1x1x16xf32>
        tpu.vector_store %arg7[%swap3A_615, %swap3A_616, %swap3A_617], %swap3A_620 {add = true, strides = array<i32>} : memref<4x128x128xf32, #tpu.memory_space<vmem>>, vector<1x1x16xf32>,
        %get3A_621 = arith.index_cast %scan3A_598 : i32 to index
        %get3A_622 = arith.constant 32 : index
        %get3A_623 = tpu.vector_load %arg8[%get3A_621, %get3A_622] {strides = array<i32>} : memref<128x128xf32, #tpu.memory_space<vmem>>, vector<1x16xf32>,
        %get3A_624 = vector.shape_cast %get3A_623 : vector<1x16xf32> to vector<16xf32>
        %swap3A_625 = arith.constant 1 : i32
        %swap3A_626 = arith.index_cast %swap3A_625 : i32 to index
        %swap3A_627 = arith.index_cast %scan3A_598 : i32 to index
        %swap3A_628 = arith.constant 32 : index
        %swap3A_629 = tpu.vector_load %arg7[%swap3A_626, %swap3A_627, %swap3A_628] {strides = array<i32>} : memref<4x128x128xf32, #tpu.memory_space<vmem>>, vector<1x1x16xf32>,
        %swap3A_630 = vector.shape_cast %swap3A_629 : vector<1x1x16xf32> to vector<16xf32>
        %swap3A_631 = vector.shape_cast %get3A_624 : vector<16xf32> to vector<1x1x16xf32>
        tpu.vector_store %arg7[%swap3A_626, %swap3A_627, %swap3A_628], %swap3A_631 {add = true, strides = array<i32>} : memref<4x128x128xf32, #tpu.memory_space<vmem>>, vector<1x1x16xf32>,
        %get3A_632 = arith.index_cast %scan3A_598 : i32 to index
        %get3A_633 = arith.constant 48 : index
        %get3A_634 = tpu.vector_load %arg8[%get3A_632, %get3A_633] {strides = array<i32>} : memref<128x128xf32, #tpu.memory_space<vmem>>, vector<1x16xf32>,
        %get3A_635 = vector.shape_cast %get3A_634 : vector<1x16xf32> to vector<16xf32>
        %swap3A_636 = arith.constant 1 : i32
        %swap3A_637 = arith.index_cast %swap3A_636 : i32 to index
        %swap3A_638 = arith.index_cast %scan3A_598 : i32 to index
        %swap3A_639 = arith.constant 48 : index
        %swap3A_640 = tpu.vector_load %arg7[%swap3A_637, %swap3A_638, %swap3A_639] {strides = array<i32>} : memref<4x128x128xf32, #tpu.memory_space<vmem>>, vector<1x1x16xf32>,
        %swap3A_641 = vector.shape_cast %swap3A_640 : vector<1x1x16xf32> to vector<16xf32>
        %swap3A_642 = vector.shape_cast %get3A_635 : vector<16xf32> to vector<1x1x16xf32>
        tpu.vector_store %arg7[%swap3A_637, %swap3A_638, %swap3A_639], %swap3A_642 {add = true, strides = array<i32>} : memref<4x128x128xf32, #tpu.memory_space<vmem>>, vector<1x1x16xf32>,
        %get3A_643 = arith.index_cast %scan3A_598 : i32 to index
        %get3A_644 = arith.constant 64 : index
        %get3A_645 = tpu.vector_load %arg8[%get3A_643, %get3A_644] {strides = array<i32>} : memref<128x128xf32, #tpu.memory_space<vmem>>, vector<1x16xf32>,
        %get3A_646 = vector.shape_cast %get3A_645 : vector<1x16xf32> to vector<16xf32>
        %swap3A_647 = arith.constant 1 : i32
        %swap3A_648 = arith.index_cast %swap3A_647 : i32 to index
        %swap3A_649 = arith.index_cast %scan3A_598 : i32 to index
        %swap3A_650 = arith.constant 64 : index
        %swap3A_651 = tpu.vector_load %arg7[%swap3A_648, %swap3A_649, %swap3A_650] {strides = array<i32>} : memref<4x128x128xf32, #tpu.memory_space<vmem>>, vector<1x1x16xf32>,
        %swap3A_652 = vector.shape_cast %swap3A_651 : vector<1x1x16xf32> to vector<16xf32>
        %swap3A_653 = vector.shape_cast %get3A_646 : vector<16xf32> to vector<1x1x16xf32>
        tpu.vector_store %arg7[%swap3A_648, %swap3A_649, %swap3A_650], %swap3A_653 {add = true, strides = array<i32>} : memref<4x128x128xf32, #tpu.memory_space<vmem>>, vector<1x1x16xf32>,
        %get3A_654 = arith.index_cast %scan3A_598 : i32 to index
        %get3A_655 = arith.constant 80 : index
        %get3A_656 = tpu.vector_load %arg8[%get3A_654, %get3A_655] {strides = array<i32>} : memref<128x128xf32, #tpu.memory_space<vmem>>, vector<1x16xf32>,
        %get3A_657 = vector.shape_cast %get3A_656 : vector<1x16xf32> to vector<16xf32>
        %swap3A_658 = arith.constant 1 : i32
        %swap3A_659 = arith.index_cast %swap3A_658 : i32 to index
        %swap3A_660 = arith.index_cast %scan3A_598 : i32 to index
        %swap3A_661 = arith.constant 80 : index
        %swap3A_662 = tpu.vector_load %arg7[%swap3A_659, %swap3A_660, %swap3A_661] {strides = array<i32>} : memref<4x128x128xf32, #tpu.memory_space<vmem>>, vector<1x1x16xf32>,
        %swap3A_663 = vector.shape_cast %swap3A_662 : vector<1x1x16xf32> to vector<16xf32>
        %swap3A_664 = vector.shape_cast %get3A_657 : vector<16xf32> to vector<1x1x16xf32>
        tpu.vector_store %arg7[%swap3A_659, %swap3A_660, %swap3A_661], %swap3A_664 {add = true, strides = array<i32>} : memref<4x128x128xf32, #tpu.memory_space<vmem>>, vector<1x1x16xf32>,
        %get3A_665 = arith.index_cast %scan3A_598 : i32 to index
        %get3A_666 = arith.constant 96 : index
        %get3A_667 = tpu.vector_load %arg8[%get3A_665, %get3A_666] {strides = array<i32>} : memref<128x128xf32, #tpu.memory_space<vmem>>, vector<1x16xf32>,
        %get3A_668 = vector.shape_cast %get3A_667 : vector<1x16xf32> to vector<16xf32>
        %swap3A_669 = arith.constant 1 : i32
        %swap3A_670 = arith.index_cast %swap3A_669 : i32 to index
        %swap3A_671 = arith.index_cast %scan3A_598 : i32 to index
        %swap3A_672 = arith.constant 96 : index
        %swap3A_673 = tpu.vector_load %arg7[%swap3A_670, %swap3A_671, %swap3A_672] {strides = array<i32>} : memref<4x128x128xf32, #tpu.memory_space<vmem>>, vector<1x1x16xf32>,
        %swap3A_674 = vector.shape_cast %swap3A_673 : vector<1x1x16xf32> to vector<16xf32>
        %swap3A_675 = vector.shape_cast %get3A_668 : vector<16xf32> to vector<1x1x16xf32>
        tpu.vector_store %arg7[%swap3A_670, %swap3A_671, %swap3A_672], %swap3A_675 {add = true, strides = array<i32>} : memref<4x128x128xf32, #tpu.memory_space<vmem>>, vector<1x1x16xf32>,
        %get3A_676 = arith.index_cast %scan3A_598 : i32 to index
        %get3A_677 = arith.constant 112 : index
        %get3A_678 = tpu.vector_load %arg8[%get3A_676, %get3A_677] {strides = array<i32>} : memref<128x128xf32, #tpu.memory_space<vmem>>, vector<1x16xf32>,
        %get3A_679 = vector.shape_cast %get3A_678 : vector<1x16xf32> to vector<16xf32>
        %swap3A_680 = arith.constant 1 : i32
        %swap3A_681 = arith.index_cast %swap3A_680 : i32 to index
        %swap3A_682 = arith.index_cast %scan3A_598 : i32 to index
        %swap3A_683 = arith.constant 112 : index
        %swap3A_684 = tpu.vector_load %arg7[%swap3A_681, %swap3A_682, %swap3A_683] {strides = array<i32>} : memref<4x128x128xf32, #tpu.memory_space<vmem>>, vector<1x1x16xf32>,
        %swap3A_685 = vector.shape_cast %swap3A_684 : vector<1x1x16xf32> to vector<16xf32>
        %swap3A_686 = vector.shape_cast %get3A_679 : vector<16xf32> to vector<1x1x16xf32>
        tpu.vector_store %arg7[%swap3A_681, %swap3A_682, %swap3A_683], %swap3A_686 {add = true, strides = array<i32>} : memref<4x128x128xf32, #tpu.memory_space<vmem>>, vector<1x1x16xf32>,
      }
      %scan3A_204 = arith.constant 128 : i32
      %mul3A_205 = arith.constant 128 : i32
      %mul3A_206 = arith.muli %add3A, %mul3A_205 : i32
      %add3A_207 = arith.addi %mul3A_206, %add3A_177 : i32
      %mul3A_208 = arith.constant 128 : i32
      %mul3A_209 = arith.muli %add3A_207, %mul3A_208 : i32
      %dma_start3A_210 = arith.constant 1 : i32
      %dma_start3A_211 = arith.constant 1 : i32
      %dma_start3A_212 = arith.constant 0 : i32
      %dma_start3A_213 = arith.constant 0 : i32
      %dma_start3A_214 = tpu.memref_slice %arg7[%dma_start3A_210, %dma_start3A_212, %dma_start3A_213] : memref<4x128x128xf32, #tpu.memory_space<vmem>> -> memref<1x128x128xf32, #tpu.memory_space<vmem>>
      %dma_start3A_215 = tpu.memref_squeeze %dma_start3A_214 : memref<1x128x128xf32, #tpu.memory_space<vmem>> -> memref<128x128xf32, #tpu.memory_space<vmem>>
      %dma_start3A_216 = arith.constant 0 : i32
      %dma_start3A_217 = tpu.memref_slice %arg5[%mul3A_209, %dma_start3A_216] : memref<524288x128xf32, #tpu.memory_space<hbm>> -> memref<128x128xf32, #tpu.memory_space<hbm>>
      %dma_start3A_218 = tpu.memref_slice %arg10[%dma_start3A_211] : memref<4x!tpu.dma_semaphore, #tpu.memory_space<semaphore_mem>> -> memref<1x!tpu.dma_semaphore, #tpu.memory_space<semaphore_mem>>
      %dma_start3A_219 = tpu.memref_squeeze %dma_start3A_218 : memref<1x!tpu.dma_semaphore, #tpu.memory_space<semaphore_mem>> -> memref<!tpu.dma_semaphore, #tpu.memory_space<semaphore_mem>>
      %dma_start3A_220 = arith.constant 0 : i32
      %dma_start3A_221 = tpu.memref_slice %arg5[%mul3A_209, %dma_start3A_220] : memref<524288x128xf32, #tpu.memory_space<hbm>> -> memref<128x128xf32, #tpu.memory_space<hbm>>
      %dma_start3A_222 = arith.constant 0 : i32
      %dma_start3A_223 = arith.constant 0 : i32
      %dma_start3A_224 = tpu.memref_slice %arg7[%dma_start3A_210, %dma_start3A_222, %dma_start3A_223] : memref<4x128x128xf32, #tpu.memory_space<vmem>> -> memref<1x128x128xf32, #tpu.memory_space<vmem>>
      %dma_start3A_225 = tpu.memref_squeeze %dma_start3A_224 : memref<1x128x128xf32, #tpu.memory_space<vmem>> -> memref<128x128xf32, #tpu.memory_space<vmem>>
      tpu.enqueue_dma source(%dma_start3A_225 : memref<128x128xf32, #tpu.memory_space<vmem>>) target(%dma_start3A_221 : memref<128x128xf32, #tpu.memory_space<hbm>>) target_semaphore(%dma_start3A_219 : memref<!tpu.dma_semaphore, #tpu.memory_space<semaphore_mem>>)
      %mul3A_226 = arith.constant 4 : i32
      %mul3A_227 = arith.muli %scan3A_124, %mul3A_226 : i32
      %add3A_228 = arith.constant 2 : i32
      %add3A_229 = arith.addi %mul3A_227, %add3A_228 : i32
      %add3A_230 = arith.constant 2 : i32
      %add3A_231 = arith.addi %add3A_229, %add3A_230 : i32
      %lt3A_232 = arith.constant 128 : i32
      %lt3A_233 = arith.cmpi slt, %add3A_231, %lt3A_232 : i32
      %convert_element_type3A_234 = arith.extui %lt3A_233 : i1 to i32
      %cond3A_235 = arith.constant 0 : i32
      %cond3A_236 = arith.cmpi ne, %convert_element_type3A_234, %cond3A_235 : i32
      scf.if %cond3A_236 {
        %ge3A = arith.constant 4 : i32
        %ge3A_330 = arith.cmpi sge, %add3A_231, %ge3A : i32
        %convert_element_type3A_331 = arith.extui %ge3A_330 : i1 to i32
        %cond3A_332 = arith.constant 0 : i32
        %cond3A_333 = arith.cmpi ne, %convert_element_type3A_331, %cond3A_332 : i32
        scf.if %cond3A_333 {
          %sub3A = arith.constant 4 : i32
          %sub3A_348 = arith.subi %add3A_231, %sub3A : i32
          %mul3A_349 = arith.constant 128 : i32
          %mul3A_350 = arith.muli %add3A, %mul3A_349 : i32
          %add3A_351 = arith.addi %mul3A_350, %sub3A_348 : i32
          %mul3A_352 = arith.constant 128 : i32
          %mul3A_353 = arith.muli %add3A_351, %mul3A_352 : i32
          %dma_wait3A_354 = arith.constant 0 : i32
          %dma_wait3A_355 = arith.constant 0 : i32
          %dma_wait3A_356 = arith.constant 0 : i32
          %dma_wait3A_357 = arith.constant 0 : i32
          %dma_wait3A_358 = tpu.memref_slice %arg7[%dma_wait3A_354, %dma_wait3A_356, %dma_wait3A_357] : memref<4x128x128xf32, #tpu.memory_space<vmem>> -> memref<1x128x128xf32, #tpu.memory_space<vmem>>
          %dma_wait3A_359 = tpu.memref_squeeze %dma_wait3A_358 : memref<1x128x128xf32, #tpu.memory_space<vmem>> -> memref<128x128xf32, #tpu.memory_space<vmem>>
          %dma_wait3A_360 = arith.constant 0 : i32
          %dma_wait3A_361 = tpu.memref_slice %arg5[%mul3A_353, %dma_wait3A_360] : memref<524288x128xf32, #tpu.memory_space<hbm>> -> memref<128x128xf32, #tpu.memory_space<hbm>>
          %dma_wait3A_362 = tpu.memref_slice %arg10[%dma_wait3A_355] : memref<4x!tpu.dma_semaphore, #tpu.memory_space<semaphore_mem>> -> memref<1x!tpu.dma_semaphore, #tpu.memory_space<semaphore_mem>>
          %dma_wait3A_363 = tpu.memref_squeeze %dma_wait3A_362 : memref<1x!tpu.dma_semaphore, #tpu.memory_space<semaphore_mem>> -> memref<!tpu.dma_semaphore, #tpu.memory_space<semaphore_mem>>
          %dma_wait3A_364 = arith.constant 0 : i32
          %dma_wait3A_365 = tpu.memref_slice %arg5[%mul3A_353, %dma_wait3A_364] : memref<524288x128xf32, #tpu.memory_space<hbm>> -> memref<128x128xf32, #tpu.memory_space<hbm>>
          %dma_wait3A_366 = arith.constant 0 : i32
          %dma_wait3A_367 = arith.constant 0 : i32
          %dma_wait3A_368 = tpu.memref_slice %arg7[%dma_wait3A_354, %dma_wait3A_366, %dma_wait3A_367] : memref<4x128x128xf32, #tpu.memory_space<vmem>> -> memref<1x128x128xf32, #tpu.memory_space<vmem>>
          %dma_wait3A_369 = tpu.memref_squeeze %dma_wait3A_368 : memref<1x128x128xf32, #tpu.memory_space<vmem>> -> memref<128x128xf32, #tpu.memory_space<vmem>>
          tpu.wait_dma2 semaphore(%dma_wait3A_363 : memref<!tpu.dma_semaphore, #tpu.memory_space<semaphore_mem>>) src(%dma_wait3A_369 : memref<128x128xf32, #tpu.memory_space<vmem>>) dst(%dma_wait3A_365 : memref<128x128xf32, #tpu.memory_space<hbm>>)
        } else {
        }
        %dma_start3A_334 = arith.constant 0 : i32
        %dma_start3A_335 = arith.constant 0 : i32
        %dma_start3A_336 = arith.constant 0 : i32
        %dma_start3A_337 = arith.constant 0 : i32
        %dma_start3A_338 = tpu.memref_slice %arg7[%dma_start3A_334, %dma_start3A_336, %dma_start3A_337] : memref<4x128x128xf32, #tpu.memory_space<vmem>> -> memref<1x128x128xf32, #tpu.memory_space<vmem>>
        %dma_start3A_339 = tpu.memref_squeeze %dma_start3A_338 : memref<1x128x128xf32, #tpu.memory_space<vmem>> -> memref<128x128xf32, #tpu.memory_space<vmem>>
        %dma_start3A_340 = arith.constant 0 : i32
        %dma_start3A_341 = tpu.memref_slice %arg6[%add3A_231, %dma_start3A_340] : memref<128x128xi32, #tpu.memory_space<vmem>> -> memref<1x128xi32, #tpu.memory_space<vmem>>
        %dma_start3A_342 = tpu.memref_squeeze %dma_start3A_341 : memref<1x128xi32, #tpu.memory_space<vmem>> -> memref<128xi32, #tpu.memory_space<vmem>>
        %dma_start3A_343 = arith.constant 0 : i32
        %dma_start3A_344 = arith.constant 0 : i32
        %dma_start3A_345 = tpu.memref_slice %arg3[%dma_start3A_343, %dma_start3A_344] : memref<100000x128xf32, #tpu.memory_space<hbm>> -> memref<100000x128xf32, #tpu.memory_space<hbm>>
        %dma_start3A_346 = tpu.memref_slice %arg9[%dma_start3A_335] : memref<4x!tpu.dma_semaphore, #tpu.memory_space<semaphore_mem>> -> memref<1x!tpu.dma_semaphore, #tpu.memory_space<semaphore_mem>>
        %dma_start3A_347 = tpu.memref_squeeze %dma_start3A_346 : memref<1x!tpu.dma_semaphore, #tpu.memory_space<semaphore_mem>> -> memref<!tpu.dma_semaphore, #tpu.memory_space<semaphore_mem>>
        tpu.enqueue_indirect_dma source(%dma_start3A_345 : memref<100000x128xf32, #tpu.memory_space<hbm>>) target(%dma_start3A_339 : memref<128x128xf32, #tpu.memory_space<vmem>>) offsets(%dma_start3A_342 : memref<128xi32, #tpu.memory_space<vmem>>) semaphore(%dma_start3A_347 : memref<!tpu.dma_semaphore, #tpu.memory_space<semaphore_mem>>)
      } else {
      }
      %dma_wait3A_237 = arith.constant 2 : i32
      %dma_wait3A_238 = arith.constant 2 : i32
      %dma_wait3A_239 = arith.constant 0 : i32
      %dma_wait3A_240 = arith.constant 0 : i32
      %dma_wait3A_241 = tpu.memref_slice %arg7[%dma_wait3A_237, %dma_wait3A_239, %dma_wait3A_240] : memref<4x128x128xf32, #tpu.memory_space<vmem>> -> memref<1x128x128xf32, #tpu.memory_space<vmem>>
      %dma_wait3A_242 = tpu.memref_squeeze %dma_wait3A_241 : memref<1x128x128xf32, #tpu.memory_space<vmem>> -> memref<128x128xf32, #tpu.memory_space<vmem>>
      %dma_wait3A_243 = arith.constant 0 : i32
      %dma_wait3A_244 = tpu.memref_slice %arg6[%add3A_229, %dma_wait3A_243] : memref<128x128xi32, #tpu.memory_space<vmem>> -> memref<1x128xi32, #tpu.memory_space<vmem>>
      %dma_wait3A_245 = tpu.memref_squeeze %dma_wait3A_244 : memref<1x128xi32, #tpu.memory_space<vmem>> -> memref<128xi32, #tpu.memory_space<vmem>>
      %dma_wait3A_246 = arith.constant 0 : i32
      %dma_wait3A_247 = arith.constant 0 : i32
      %dma_wait3A_248 = tpu.memref_slice %arg3[%dma_wait3A_246, %dma_wait3A_247] : memref<100000x128xf32, #tpu.memory_space<hbm>> -> memref<100000x128xf32, #tpu.memory_space<hbm>>
      %dma_wait3A_249 = tpu.memref_slice %arg9[%dma_wait3A_238] : memref<4x!tpu.dma_semaphore, #tpu.memory_space<semaphore_mem>> -> memref<1x!tpu.dma_semaphore, #tpu.memory_space<semaphore_mem>>
      %dma_wait3A_250 = tpu.memref_squeeze %dma_wait3A_249 : memref<1x!tpu.dma_semaphore, #tpu.memory_space<semaphore_mem>> -> memref<!tpu.dma_semaphore, #tpu.memory_space<semaphore_mem>>
      tpu.wait_indirect_dma semaphore(%dma_wait3A_250 : memref<!tpu.dma_semaphore, #tpu.memory_space<semaphore_mem>>) src(%dma_wait3A_248 : memref<100000x128xf32, #tpu.memory_space<hbm>>) dst(%dma_wait3A_242 : memref<128x128xf32, #tpu.memory_space<vmem>>)
      %scan3A_251 = arith.constant 0 : i32
      %scan3A_252 = arith.constant 0 : i32
      %scan3A_253 = arith.constant 128 : i32
      %scan3A_254 = arith.addi %scan3A_252, %scan3A_253 : i32
      %scan3A_255 = arith.constant 4 : i32
      scf.for %scan3A_330 = %scan3A_252 to %scan3A_254 step %scan3A_255  : i32 {
        %get3A = arith.index_cast %scan3A_330 : i32 to index
        %get3A_331 = arith.constant 0 : index
        %get3A_332 = tpu.vector_load %arg8[%get3A, %get3A_331] {strides = array<i32>} : memref<128x128xf32, #tpu.memory_space<vmem>>, vector<1x16xf32>,
        %get3A_333 = vector.shape_cast %get3A_332 : vector<1x16xf32> to vector<16xf32>
        %swap3A = arith.constant 2 : i32
        %swap3A_334 = arith.index_cast %swap3A : i32 to index
        %swap3A_335 = arith.index_cast %scan3A_330 : i32 to index
        %swap3A_336 = arith.constant 0 : index
        %swap3A_337 = tpu.vector_load %arg7[%swap3A_334, %swap3A_335, %swap3A_336] {strides = array<i32>} : memref<4x128x128xf32, #tpu.memory_space<vmem>>, vector<1x1x16xf32>,
        %swap3A_338 = vector.shape_cast %swap3A_337 : vector<1x1x16xf32> to vector<16xf32>
        %swap3A_339 = vector.shape_cast %get3A_333 : vector<16xf32> to vector<1x1x16xf32>
        tpu.vector_store %arg7[%swap3A_334, %swap3A_335, %swap3A_336], %swap3A_339 {add = true, strides = array<i32>} : memref<4x128x128xf32, #tpu.memory_space<vmem>>, vector<1x1x16xf32>,
        %get3A_340 = arith.index_cast %scan3A_330 : i32 to index
        %get3A_341 = arith.constant 16 : index
        %get3A_342 = tpu.vector_load %arg8[%get3A_340, %get3A_341] {strides = array<i32>} : memref<128x128xf32, #tpu.memory_space<vmem>>, vector<1x16xf32>,
        %get3A_343 = vector.shape_cast %get3A_342 : vector<1x16xf32> to vector<16xf32>
        %swap3A_344 = arith.constant 2 : i32
        %swap3A_345 = arith.index_cast %swap3A_344 : i32 to index
        %swap3A_346 = arith.index_cast %scan3A_330 : i32 to index
        %swap3A_347 = arith.constant 16 : index
        %swap3A_348 = tpu.vector_load %arg7[%swap3A_345, %swap3A_346, %swap3A_347] {strides = array<i32>} : memref<4x128x128xf32, #tpu.memory_space<vmem>>, vector<1x1x16xf32>,
        %swap3A_349 = vector.shape_cast %swap3A_348 : vector<1x1x16xf32> to vector<16xf32>
        %swap3A_350 = vector.shape_cast %get3A_343 : vector<16xf32> to vector<1x1x16xf32>
        tpu.vector_store %arg7[%swap3A_345, %swap3A_346, %swap3A_347], %swap3A_350 {add = true, strides = array<i32>} : memref<4x128x128xf32, #tpu.memory_space<vmem>>, vector<1x1x16xf32>,
        %get3A_351 = arith.index_cast %scan3A_330 : i32 to index
        %get3A_352 = arith.constant 32 : index
        %get3A_353 = tpu.vector_load %arg8[%get3A_351, %get3A_352] {strides = array<i32>} : memref<128x128xf32, #tpu.memory_space<vmem>>, vector<1x16xf32>,
        %get3A_354 = vector.shape_cast %get3A_353 : vector<1x16xf32> to vector<16xf32>
        %swap3A_355 = arith.constant 2 : i32
        %swap3A_356 = arith.index_cast %swap3A_355 : i32 to index
        %swap3A_357 = arith.index_cast %scan3A_330 : i32 to index
        %swap3A_358 = arith.constant 32 : index
        %swap3A_359 = tpu.vector_load %arg7[%swap3A_356, %swap3A_357, %swap3A_358] {strides = array<i32>} : memref<4x128x128xf32, #tpu.memory_space<vmem>>, vector<1x1x16xf32>,
        %swap3A_360 = vector.shape_cast %swap3A_359 : vector<1x1x16xf32> to vector<16xf32>
        %swap3A_361 = vector.shape_cast %get3A_354 : vector<16xf32> to vector<1x1x16xf32>
        tpu.vector_store %arg7[%swap3A_356, %swap3A_357, %swap3A_358], %swap3A_361 {add = true, strides = array<i32>} : memref<4x128x128xf32, #tpu.memory_space<vmem>>, vector<1x1x16xf32>,
        %get3A_362 = arith.index_cast %scan3A_330 : i32 to index
        %get3A_363 = arith.constant 48 : index
        %get3A_364 = tpu.vector_load %arg8[%get3A_362, %get3A_363] {strides = array<i32>} : memref<128x128xf32, #tpu.memory_space<vmem>>, vector<1x16xf32>,
        %get3A_365 = vector.shape_cast %get3A_364 : vector<1x16xf32> to vector<16xf32>
        %swap3A_366 = arith.constant 2 : i32
        %swap3A_367 = arith.index_cast %swap3A_366 : i32 to index
        %swap3A_368 = arith.index_cast %scan3A_330 : i32 to index
        %swap3A_369 = arith.constant 48 : index
        %swap3A_370 = tpu.vector_load %arg7[%swap3A_367, %swap3A_368, %swap3A_369] {strides = array<i32>} : memref<4x128x128xf32, #tpu.memory_space<vmem>>, vector<1x1x16xf32>,
        %swap3A_371 = vector.shape_cast %swap3A_370 : vector<1x1x16xf32> to vector<16xf32>
        %swap3A_372 = vector.shape_cast %get3A_365 : vector<16xf32> to vector<1x1x16xf32>
        tpu.vector_store %arg7[%swap3A_367, %swap3A_368, %swap3A_369], %swap3A_372 {add = true, strides = array<i32>} : memref<4x128x128xf32, #tpu.memory_space<vmem>>, vector<1x1x16xf32>,
        %get3A_373 = arith.index_cast %scan3A_330 : i32 to index
        %get3A_374 = arith.constant 64 : index
        %get3A_375 = tpu.vector_load %arg8[%get3A_373, %get3A_374] {strides = array<i32>} : memref<128x128xf32, #tpu.memory_space<vmem>>, vector<1x16xf32>,
        %get3A_376 = vector.shape_cast %get3A_375 : vector<1x16xf32> to vector<16xf32>
        %swap3A_377 = arith.constant 2 : i32
        %swap3A_378 = arith.index_cast %swap3A_377 : i32 to index
        %swap3A_379 = arith.index_cast %scan3A_330 : i32 to index
        %swap3A_380 = arith.constant 64 : index
        %swap3A_381 = tpu.vector_load %arg7[%swap3A_378, %swap3A_379, %swap3A_380] {strides = array<i32>} : memref<4x128x128xf32, #tpu.memory_space<vmem>>, vector<1x1x16xf32>,
        %swap3A_382 = vector.shape_cast %swap3A_381 : vector<1x1x16xf32> to vector<16xf32>
        %swap3A_383 = vector.shape_cast %get3A_376 : vector<16xf32> to vector<1x1x16xf32>
        tpu.vector_store %arg7[%swap3A_378, %swap3A_379, %swap3A_380], %swap3A_383 {add = true, strides = array<i32>} : memref<4x128x128xf32, #tpu.memory_space<vmem>>, vector<1x1x16xf32>,
        %get3A_384 = arith.index_cast %scan3A_330 : i32 to index
        %get3A_385 = arith.constant 80 : index
        %get3A_386 = tpu.vector_load %arg8[%get3A_384, %get3A_385] {strides = array<i32>} : memref<128x128xf32, #tpu.memory_space<vmem>>, vector<1x16xf32>,
        %get3A_387 = vector.shape_cast %get3A_386 : vector<1x16xf32> to vector<16xf32>
        %swap3A_388 = arith.constant 2 : i32
        %swap3A_389 = arith.index_cast %swap3A_388 : i32 to index
        %swap3A_390 = arith.index_cast %scan3A_330 : i32 to index
        %swap3A_391 = arith.constant 80 : index
        %swap3A_392 = tpu.vector_load %arg7[%swap3A_389, %swap3A_390, %swap3A_391] {strides = array<i32>} : memref<4x128x128xf32, #tpu.memory_space<vmem>>, vector<1x1x16xf32>,
        %swap3A_393 = vector.shape_cast %swap3A_392 : vector<1x1x16xf32> to vector<16xf32>
        %swap3A_394 = vector.shape_cast %get3A_387 : vector<16xf32> to vector<1x1x16xf32>
        tpu.vector_store %arg7[%swap3A_389, %swap3A_390, %swap3A_391], %swap3A_394 {add = true, strides = array<i32>} : memref<4x128x128xf32, #tpu.memory_space<vmem>>, vector<1x1x16xf32>,
        %get3A_395 = arith.index_cast %scan3A_330 : i32 to index
        %get3A_396 = arith.constant 96 : index
        %get3A_397 = tpu.vector_load %arg8[%get3A_395, %get3A_396] {strides = array<i32>} : memref<128x128xf32, #tpu.memory_space<vmem>>, vector<1x16xf32>,
        %get3A_398 = vector.shape_cast %get3A_397 : vector<1x16xf32> to vector<16xf32>
        %swap3A_399 = arith.constant 2 : i32
        %swap3A_400 = arith.index_cast %swap3A_399 : i32 to index
        %swap3A_401 = arith.index_cast %scan3A_330 : i32 to index
        %swap3A_402 = arith.constant 96 : index
        %swap3A_403 = tpu.vector_load %arg7[%swap3A_400, %swap3A_401, %swap3A_402] {strides = array<i32>} : memref<4x128x128xf32, #tpu.memory_space<vmem>>, vector<1x1x16xf32>,
        %swap3A_404 = vector.shape_cast %swap3A_403 : vector<1x1x16xf32> to vector<16xf32>
        %swap3A_405 = vector.shape_cast %get3A_398 : vector<16xf32> to vector<1x1x16xf32>
        tpu.vector_store %arg7[%swap3A_400, %swap3A_401, %swap3A_402], %swap3A_405 {add = true, strides = array<i32>} : memref<4x128x128xf32, #tpu.memory_space<vmem>>, vector<1x1x16xf32>,
        %get3A_406 = arith.index_cast %scan3A_330 : i32 to index
        %get3A_407 = arith.constant 112 : index
        %get3A_408 = tpu.vector_load %arg8[%get3A_406, %get3A_407] {strides = array<i32>} : memref<128x128xf32, #tpu.memory_space<vmem>>, vector<1x16xf32>,
        %get3A_409 = vector.shape_cast %get3A_408 : vector<1x16xf32> to vector<16xf32>
        %swap3A_410 = arith.constant 2 : i32
        %swap3A_411 = arith.index_cast %swap3A_410 : i32 to index
        %swap3A_412 = arith.index_cast %scan3A_330 : i32 to index
        %swap3A_413 = arith.constant 112 : index
        %swap3A_414 = tpu.vector_load %arg7[%swap3A_411, %swap3A_412, %swap3A_413] {strides = array<i32>} : memref<4x128x128xf32, #tpu.memory_space<vmem>>, vector<1x1x16xf32>,
        %swap3A_415 = vector.shape_cast %swap3A_414 : vector<1x1x16xf32> to vector<16xf32>
        %swap3A_416 = vector.shape_cast %get3A_409 : vector<16xf32> to vector<1x1x16xf32>
        tpu.vector_store %arg7[%swap3A_411, %swap3A_412, %swap3A_413], %swap3A_416 {add = true, strides = array<i32>} : memref<4x128x128xf32, #tpu.memory_space<vmem>>, vector<1x1x16xf32>,
        %scan3A_417 = arith.constant 1 : i32
        %scan3A_418 = arith.addi %scan3A_330, %scan3A_417 : i32
        %get3A_419 = arith.index_cast %scan3A_418 : i32 to index
        %get3A_420 = arith.constant 0 : index
        %get3A_421 = tpu.vector_load %arg8[%get3A_419, %get3A_420] {strides = array<i32>} : memref<128x128xf32, #tpu.memory_space<vmem>>, vector<1x16xf32>,
        %get3A_422 = vector.shape_cast %get3A_421 : vector<1x16xf32> to vector<16xf32>
        %swap3A_423 = arith.constant 2 : i32
        %swap3A_424 = arith.index_cast %swap3A_423 : i32 to index
        %swap3A_425 = arith.index_cast %scan3A_418 : i32 to index
        %swap3A_426 = arith.constant 0 : index
        %swap3A_427 = tpu.vector_load %arg7[%swap3A_424, %swap3A_425, %swap3A_426] {strides = array<i32>} : memref<4x128x128xf32, #tpu.memory_space<vmem>>, vector<1x1x16xf32>,
        %swap3A_428 = vector.shape_cast %swap3A_427 : vector<1x1x16xf32> to vector<16xf32>
        %swap3A_429 = vector.shape_cast %get3A_422 : vector<16xf32> to vector<1x1x16xf32>
        tpu.vector_store %arg7[%swap3A_424, %swap3A_425, %swap3A_426], %swap3A_429 {add = true, strides = array<i32>} : memref<4x128x128xf32, #tpu.memory_space<vmem>>, vector<1x1x16xf32>,
        %get3A_430 = arith.index_cast %scan3A_418 : i32 to index
        %get3A_431 = arith.constant 16 : index
        %get3A_432 = tpu.vector_load %arg8[%get3A_430, %get3A_431] {strides = array<i32>} : memref<128x128xf32, #tpu.memory_space<vmem>>, vector<1x16xf32>,
        %get3A_433 = vector.shape_cast %get3A_432 : vector<1x16xf32> to vector<16xf32>
        %swap3A_434 = arith.constant 2 : i32
        %swap3A_435 = arith.index_cast %swap3A_434 : i32 to index
        %swap3A_436 = arith.index_cast %scan3A_418 : i32 to index
        %swap3A_437 = arith.constant 16 : index
        %swap3A_438 = tpu.vector_load %arg7[%swap3A_435, %swap3A_436, %swap3A_437] {strides = array<i32>} : memref<4x128x128xf32, #tpu.memory_space<vmem>>, vector<1x1x16xf32>,
        %swap3A_439 = vector.shape_cast %swap3A_438 : vector<1x1x16xf32> to vector<16xf32>
        %swap3A_440 = vector.shape_cast %get3A_433 : vector<16xf32> to vector<1x1x16xf32>
        tpu.vector_store %arg7[%swap3A_435, %swap3A_436, %swap3A_437], %swap3A_440 {add = true, strides = array<i32>} : memref<4x128x128xf32, #tpu.memory_space<vmem>>, vector<1x1x16xf32>,
        %get3A_441 = arith.index_cast %scan3A_418 : i32 to index
        %get3A_442 = arith.constant 32 : index
        %get3A_443 = tpu.vector_load %arg8[%get3A_441, %get3A_442] {strides = array<i32>} : memref<128x128xf32, #tpu.memory_space<vmem>>, vector<1x16xf32>,
        %get3A_444 = vector.shape_cast %get3A_443 : vector<1x16xf32> to vector<16xf32>
        %swap3A_445 = arith.constant 2 : i32
        %swap3A_446 = arith.index_cast %swap3A_445 : i32 to index
        %swap3A_447 = arith.index_cast %scan3A_418 : i32 to index
        %swap3A_448 = arith.constant 32 : index
        %swap3A_449 = tpu.vector_load %arg7[%swap3A_446, %swap3A_447, %swap3A_448] {strides = array<i32>} : memref<4x128x128xf32, #tpu.memory_space<vmem>>, vector<1x1x16xf32>,
        %swap3A_450 = vector.shape_cast %swap3A_449 : vector<1x1x16xf32> to vector<16xf32>
        %swap3A_451 = vector.shape_cast %get3A_444 : vector<16xf32> to vector<1x1x16xf32>
        tpu.vector_store %arg7[%swap3A_446, %swap3A_447, %swap3A_448], %swap3A_451 {add = true, strides = array<i32>} : memref<4x128x128xf32, #tpu.memory_space<vmem>>, vector<1x1x16xf32>,
        %get3A_452 = arith.index_cast %scan3A_418 : i32 to index
        %get3A_453 = arith.constant 48 : index
        %get3A_454 = tpu.vector_load %arg8[%get3A_452, %get3A_453] {strides = array<i32>} : memref<128x128xf32, #tpu.memory_space<vmem>>, vector<1x16xf32>,
        %get3A_455 = vector.shape_cast %get3A_454 : vector<1x16xf32> to vector<16xf32>
        %swap3A_456 = arith.constant 2 : i32
        %swap3A_457 = arith.index_cast %swap3A_456 : i32 to index
        %swap3A_458 = arith.index_cast %scan3A_418 : i32 to index
        %swap3A_459 = arith.constant 48 : index
        %swap3A_460 = tpu.vector_load %arg7[%swap3A_457, %swap3A_458, %swap3A_459] {strides = array<i32>} : memref<4x128x128xf32, #tpu.memory_space<vmem>>, vector<1x1x16xf32>,
        %swap3A_461 = vector.shape_cast %swap3A_460 : vector<1x1x16xf32> to vector<16xf32>
        %swap3A_462 = vector.shape_cast %get3A_455 : vector<16xf32> to vector<1x1x16xf32>
        tpu.vector_store %arg7[%swap3A_457, %swap3A_458, %swap3A_459], %swap3A_462 {add = true, strides = array<i32>} : memref<4x128x128xf32, #tpu.memory_space<vmem>>, vector<1x1x16xf32>,
        %get3A_463 = arith.index_cast %scan3A_418 : i32 to index
        %get3A_464 = arith.constant 64 : index
        %get3A_465 = tpu.vector_load %arg8[%get3A_463, %get3A_464] {strides = array<i32>} : memref<128x128xf32, #tpu.memory_space<vmem>>, vector<1x16xf32>,
        %get3A_466 = vector.shape_cast %get3A_465 : vector<1x16xf32> to vector<16xf32>
        %swap3A_467 = arith.constant 2 : i32
        %swap3A_468 = arith.index_cast %swap3A_467 : i32 to index
        %swap3A_469 = arith.index_cast %scan3A_418 : i32 to index
        %swap3A_470 = arith.constant 64 : index
        %swap3A_471 = tpu.vector_load %arg7[%swap3A_468, %swap3A_469, %swap3A_470] {strides = array<i32>} : memref<4x128x128xf32, #tpu.memory_space<vmem>>, vector<1x1x16xf32>,
        %swap3A_472 = vector.shape_cast %swap3A_471 : vector<1x1x16xf32> to vector<16xf32>
        %swap3A_473 = vector.shape_cast %get3A_466 : vector<16xf32> to vector<1x1x16xf32>
        tpu.vector_store %arg7[%swap3A_468, %swap3A_469, %swap3A_470], %swap3A_473 {add = true, strides = array<i32>} : memref<4x128x128xf32, #tpu.memory_space<vmem>>, vector<1x1x16xf32>,
        %get3A_474 = arith.index_cast %scan3A_418 : i32 to index
        %get3A_475 = arith.constant 80 : index
        %get3A_476 = tpu.vector_load %arg8[%get3A_474, %get3A_475] {strides = array<i32>} : memref<128x128xf32, #tpu.memory_space<vmem>>, vector<1x16xf32>,
        %get3A_477 = vector.shape_cast %get3A_476 : vector<1x16xf32> to vector<16xf32>
        %swap3A_478 = arith.constant 2 : i32
        %swap3A_479 = arith.index_cast %swap3A_478 : i32 to index
        %swap3A_480 = arith.index_cast %scan3A_418 : i32 to index
        %swap3A_481 = arith.constant 80 : index
        %swap3A_482 = tpu.vector_load %arg7[%swap3A_479, %swap3A_480, %swap3A_481] {strides = array<i32>} : memref<4x128x128xf32, #tpu.memory_space<vmem>>, vector<1x1x16xf32>,
        %swap3A_483 = vector.shape_cast %swap3A_482 : vector<1x1x16xf32> to vector<16xf32>
        %swap3A_484 = vector.shape_cast %get3A_477 : vector<16xf32> to vector<1x1x16xf32>
        tpu.vector_store %arg7[%swap3A_479, %swap3A_480, %swap3A_481], %swap3A_484 {add = true, strides = array<i32>} : memref<4x128x128xf32, #tpu.memory_space<vmem>>, vector<1x1x16xf32>,
        %get3A_485 = arith.index_cast %scan3A_418 : i32 to index
        %get3A_486 = arith.constant 96 : index
        %get3A_487 = tpu.vector_load %arg8[%get3A_485, %get3A_486] {strides = array<i32>} : memref<128x128xf32, #tpu.memory_space<vmem>>, vector<1x16xf32>,
        %get3A_488 = vector.shape_cast %get3A_487 : vector<1x16xf32> to vector<16xf32>
        %swap3A_489 = arith.constant 2 : i32
        %swap3A_490 = arith.index_cast %swap3A_489 : i32 to index
        %swap3A_491 = arith.index_cast %scan3A_418 : i32 to index
        %swap3A_492 = arith.constant 96 : index
        %swap3A_493 = tpu.vector_load %arg7[%swap3A_490, %swap3A_491, %swap3A_492] {strides = array<i32>} : memref<4x128x128xf32, #tpu.memory_space<vmem>>, vector<1x1x16xf32>,
        %swap3A_494 = vector.shape_cast %swap3A_493 : vector<1x1x16xf32> to vector<16xf32>
        %swap3A_495 = vector.shape_cast %get3A_488 : vector<16xf32> to vector<1x1x16xf32>
        tpu.vector_store %arg7[%swap3A_490, %swap3A_491, %swap3A_492], %swap3A_495 {add = true, strides = array<i32>} : memref<4x128x128xf32, #tpu.memory_space<vmem>>, vector<1x1x16xf32>,
        %get3A_496 = arith.index_cast %scan3A_418 : i32 to index
        %get3A_497 = arith.constant 112 : index
        %get3A_498 = tpu.vector_load %arg8[%get3A_496, %get3A_497] {strides = array<i32>} : memref<128x128xf32, #tpu.memory_space<vmem>>, vector<1x16xf32>,
        %get3A_499 = vector.shape_cast %get3A_498 : vector<1x16xf32> to vector<16xf32>
        %swap3A_500 = arith.constant 2 : i32
        %swap3A_501 = arith.index_cast %swap3A_500 : i32 to index
        %swap3A_502 = arith.index_cast %scan3A_418 : i32 to index
        %swap3A_503 = arith.constant 112 : index
        %swap3A_504 = tpu.vector_load %arg7[%swap3A_501, %swap3A_502, %swap3A_503] {strides = array<i32>} : memref<4x128x128xf32, #tpu.memory_space<vmem>>, vector<1x1x16xf32>,
        %swap3A_505 = vector.shape_cast %swap3A_504 : vector<1x1x16xf32> to vector<16xf32>
        %swap3A_506 = vector.shape_cast %get3A_499 : vector<16xf32> to vector<1x1x16xf32>
        tpu.vector_store %arg7[%swap3A_501, %swap3A_502, %swap3A_503], %swap3A_506 {add = true, strides = array<i32>} : memref<4x128x128xf32, #tpu.memory_space<vmem>>, vector<1x1x16xf32>,
        %scan3A_507 = arith.constant 2 : i32
        %scan3A_508 = arith.addi %scan3A_330, %scan3A_507 : i32
        %get3A_509 = arith.index_cast %scan3A_508 : i32 to index
        %get3A_510 = arith.constant 0 : index
        %get3A_511 = tpu.vector_load %arg8[%get3A_509, %get3A_510] {strides = array<i32>} : memref<128x128xf32, #tpu.memory_space<vmem>>, vector<1x16xf32>,
        %get3A_512 = vector.shape_cast %get3A_511 : vector<1x16xf32> to vector<16xf32>
        %swap3A_513 = arith.constant 2 : i32
        %swap3A_514 = arith.index_cast %swap3A_513 : i32 to index
        %swap3A_515 = arith.index_cast %scan3A_508 : i32 to index
        %swap3A_516 = arith.constant 0 : index
        %swap3A_517 = tpu.vector_load %arg7[%swap3A_514, %swap3A_515, %swap3A_516] {strides = array<i32>} : memref<4x128x128xf32, #tpu.memory_space<vmem>>, vector<1x1x16xf32>,
        %swap3A_518 = vector.shape_cast %swap3A_517 : vector<1x1x16xf32> to vector<16xf32>
        %swap3A_519 = vector.shape_cast %get3A_512 : vector<16xf32> to vector<1x1x16xf32>
        tpu.vector_store %arg7[%swap3A_514, %swap3A_515, %swap3A_516], %swap3A_519 {add = true, strides = array<i32>} : memref<4x128x128xf32, #tpu.memory_space<vmem>>, vector<1x1x16xf32>,
        %get3A_520 = arith.index_cast %scan3A_508 : i32 to index
        %get3A_521 = arith.constant 16 : index
        %get3A_522 = tpu.vector_load %arg8[%get3A_520, %get3A_521] {strides = array<i32>} : memref<128x128xf32, #tpu.memory_space<vmem>>, vector<1x16xf32>,
        %get3A_523 = vector.shape_cast %get3A_522 : vector<1x16xf32> to vector<16xf32>
        %swap3A_524 = arith.constant 2 : i32
        %swap3A_525 = arith.index_cast %swap3A_524 : i32 to index
        %swap3A_526 = arith.index_cast %scan3A_508 : i32 to index
        %swap3A_527 = arith.constant 16 : index
        %swap3A_528 = tpu.vector_load %arg7[%swap3A_525, %swap3A_526, %swap3A_527] {strides = array<i32>} : memref<4x128x128xf32, #tpu.memory_space<vmem>>, vector<1x1x16xf32>,
        %swap3A_529 = vector.shape_cast %swap3A_528 : vector<1x1x16xf32> to vector<16xf32>
        %swap3A_530 = vector.shape_cast %get3A_523 : vector<16xf32> to vector<1x1x16xf32>
        tpu.vector_store %arg7[%swap3A_525, %swap3A_526, %swap3A_527], %swap3A_530 {add = true, strides = array<i32>} : memref<4x128x128xf32, #tpu.memory_space<vmem>>, vector<1x1x16xf32>,
        %get3A_531 = arith.index_cast %scan3A_508 : i32 to index
        %get3A_532 = arith.constant 32 : index
        %get3A_533 = tpu.vector_load %arg8[%get3A_531, %get3A_532] {strides = array<i32>} : memref<128x128xf32, #tpu.memory_space<vmem>>, vector<1x16xf32>,
        %get3A_534 = vector.shape_cast %get3A_533 : vector<1x16xf32> to vector<16xf32>
        %swap3A_535 = arith.constant 2 : i32
        %swap3A_536 = arith.index_cast %swap3A_535 : i32 to index
        %swap3A_537 = arith.index_cast %scan3A_508 : i32 to index
        %swap3A_538 = arith.constant 32 : index
        %swap3A_539 = tpu.vector_load %arg7[%swap3A_536, %swap3A_537, %swap3A_538] {strides = array<i32>} : memref<4x128x128xf32, #tpu.memory_space<vmem>>, vector<1x1x16xf32>,
        %swap3A_540 = vector.shape_cast %swap3A_539 : vector<1x1x16xf32> to vector<16xf32>
        %swap3A_541 = vector.shape_cast %get3A_534 : vector<16xf32> to vector<1x1x16xf32>
        tpu.vector_store %arg7[%swap3A_536, %swap3A_537, %swap3A_538], %swap3A_541 {add = true, strides = array<i32>} : memref<4x128x128xf32, #tpu.memory_space<vmem>>, vector<1x1x16xf32>,
        %get3A_542 = arith.index_cast %scan3A_508 : i32 to index
        %get3A_543 = arith.constant 48 : index
        %get3A_544 = tpu.vector_load %arg8[%get3A_542, %get3A_543] {strides = array<i32>} : memref<128x128xf32, #tpu.memory_space<vmem>>, vector<1x16xf32>,
        %get3A_545 = vector.shape_cast %get3A_544 : vector<1x16xf32> to vector<16xf32>
        %swap3A_546 = arith.constant 2 : i32
        %swap3A_547 = arith.index_cast %swap3A_546 : i32 to index
        %swap3A_548 = arith.index_cast %scan3A_508 : i32 to index
        %swap3A_549 = arith.constant 48 : index
        %swap3A_550 = tpu.vector_load %arg7[%swap3A_547, %swap3A_548, %swap3A_549] {strides = array<i32>} : memref<4x128x128xf32, #tpu.memory_space<vmem>>, vector<1x1x16xf32>,
        %swap3A_551 = vector.shape_cast %swap3A_550 : vector<1x1x16xf32> to vector<16xf32>
        %swap3A_552 = vector.shape_cast %get3A_545 : vector<16xf32> to vector<1x1x16xf32>
        tpu.vector_store %arg7[%swap3A_547, %swap3A_548, %swap3A_549], %swap3A_552 {add = true, strides = array<i32>} : memref<4x128x128xf32, #tpu.memory_space<vmem>>, vector<1x1x16xf32>,
        %get3A_553 = arith.index_cast %scan3A_508 : i32 to index
        %get3A_554 = arith.constant 64 : index
        %get3A_555 = tpu.vector_load %arg8[%get3A_553, %get3A_554] {strides = array<i32>} : memref<128x128xf32, #tpu.memory_space<vmem>>, vector<1x16xf32>,
        %get3A_556 = vector.shape_cast %get3A_555 : vector<1x16xf32> to vector<16xf32>
        %swap3A_557 = arith.constant 2 : i32
        %swap3A_558 = arith.index_cast %swap3A_557 : i32 to index
        %swap3A_559 = arith.index_cast %scan3A_508 : i32 to index
        %swap3A_560 = arith.constant 64 : index
        %swap3A_561 = tpu.vector_load %arg7[%swap3A_558, %swap3A_559, %swap3A_560] {strides = array<i32>} : memref<4x128x128xf32, #tpu.memory_space<vmem>>, vector<1x1x16xf32>,
        %swap3A_562 = vector.shape_cast %swap3A_561 : vector<1x1x16xf32> to vector<16xf32>
        %swap3A_563 = vector.shape_cast %get3A_556 : vector<16xf32> to vector<1x1x16xf32>
        tpu.vector_store %arg7[%swap3A_558, %swap3A_559, %swap3A_560], %swap3A_563 {add = true, strides = array<i32>} : memref<4x128x128xf32, #tpu.memory_space<vmem>>, vector<1x1x16xf32>,
        %get3A_564 = arith.index_cast %scan3A_508 : i32 to index
        %get3A_565 = arith.constant 80 : index
        %get3A_566 = tpu.vector_load %arg8[%get3A_564, %get3A_565] {strides = array<i32>} : memref<128x128xf32, #tpu.memory_space<vmem>>, vector<1x16xf32>,
        %get3A_567 = vector.shape_cast %get3A_566 : vector<1x16xf32> to vector<16xf32>
        %swap3A_568 = arith.constant 2 : i32
        %swap3A_569 = arith.index_cast %swap3A_568 : i32 to index
        %swap3A_570 = arith.index_cast %scan3A_508 : i32 to index
        %swap3A_571 = arith.constant 80 : index
        %swap3A_572 = tpu.vector_load %arg7[%swap3A_569, %swap3A_570, %swap3A_571] {strides = array<i32>} : memref<4x128x128xf32, #tpu.memory_space<vmem>>, vector<1x1x16xf32>,
        %swap3A_573 = vector.shape_cast %swap3A_572 : vector<1x1x16xf32> to vector<16xf32>
        %swap3A_574 = vector.shape_cast %get3A_567 : vector<16xf32> to vector<1x1x16xf32>
        tpu.vector_store %arg7[%swap3A_569, %swap3A_570, %swap3A_571], %swap3A_574 {add = true, strides = array<i32>} : memref<4x128x128xf32, #tpu.memory_space<vmem>>, vector<1x1x16xf32>,
        %get3A_575 = arith.index_cast %scan3A_508 : i32 to index
        %get3A_576 = arith.constant 96 : index
        %get3A_577 = tpu.vector_load %arg8[%get3A_575, %get3A_576] {strides = array<i32>} : memref<128x128xf32, #tpu.memory_space<vmem>>, vector<1x16xf32>,
        %get3A_578 = vector.shape_cast %get3A_577 : vector<1x16xf32> to vector<16xf32>
        %swap3A_579 = arith.constant 2 : i32
        %swap3A_580 = arith.index_cast %swap3A_579 : i32 to index
        %swap3A_581 = arith.index_cast %scan3A_508 : i32 to index
        %swap3A_582 = arith.constant 96 : index
        %swap3A_583 = tpu.vector_load %arg7[%swap3A_580, %swap3A_581, %swap3A_582] {strides = array<i32>} : memref<4x128x128xf32, #tpu.memory_space<vmem>>, vector<1x1x16xf32>,
        %swap3A_584 = vector.shape_cast %swap3A_583 : vector<1x1x16xf32> to vector<16xf32>
        %swap3A_585 = vector.shape_cast %get3A_578 : vector<16xf32> to vector<1x1x16xf32>
        tpu.vector_store %arg7[%swap3A_580, %swap3A_581, %swap3A_582], %swap3A_585 {add = true, strides = array<i32>} : memref<4x128x128xf32, #tpu.memory_space<vmem>>, vector<1x1x16xf32>,
        %get3A_586 = arith.index_cast %scan3A_508 : i32 to index
        %get3A_587 = arith.constant 112 : index
        %get3A_588 = tpu.vector_load %arg8[%get3A_586, %get3A_587] {strides = array<i32>} : memref<128x128xf32, #tpu.memory_space<vmem>>, vector<1x16xf32>,
        %get3A_589 = vector.shape_cast %get3A_588 : vector<1x16xf32> to vector<16xf32>
        %swap3A_590 = arith.constant 2 : i32
        %swap3A_591 = arith.index_cast %swap3A_590 : i32 to index
        %swap3A_592 = arith.index_cast %scan3A_508 : i32 to index
        %swap3A_593 = arith.constant 112 : index
        %swap3A_594 = tpu.vector_load %arg7[%swap3A_591, %swap3A_592, %swap3A_593] {strides = array<i32>} : memref<4x128x128xf32, #tpu.memory_space<vmem>>, vector<1x1x16xf32>,
        %swap3A_595 = vector.shape_cast %swap3A_594 : vector<1x1x16xf32> to vector<16xf32>
        %swap3A_596 = vector.shape_cast %get3A_589 : vector<16xf32> to vector<1x1x16xf32>
        tpu.vector_store %arg7[%swap3A_591, %swap3A_592, %swap3A_593], %swap3A_596 {add = true, strides = array<i32>} : memref<4x128x128xf32, #tpu.memory_space<vmem>>, vector<1x1x16xf32>,
        %scan3A_597 = arith.constant 3 : i32
        %scan3A_598 = arith.addi %scan3A_330, %scan3A_597 : i32
        %get3A_599 = arith.index_cast %scan3A_598 : i32 to index
        %get3A_600 = arith.constant 0 : index
        %get3A_601 = tpu.vector_load %arg8[%get3A_599, %get3A_600] {strides = array<i32>} : memref<128x128xf32, #tpu.memory_space<vmem>>, vector<1x16xf32>,
        %get3A_602 = vector.shape_cast %get3A_601 : vector<1x16xf32> to vector<16xf32>
        %swap3A_603 = arith.constant 2 : i32
        %swap3A_604 = arith.index_cast %swap3A_603 : i32 to index
        %swap3A_605 = arith.index_cast %scan3A_598 : i32 to index
        %swap3A_606 = arith.constant 0 : index
        %swap3A_607 = tpu.vector_load %arg7[%swap3A_604, %swap3A_605, %swap3A_606] {strides = array<i32>} : memref<4x128x128xf32, #tpu.memory_space<vmem>>, vector<1x1x16xf32>,
        %swap3A_608 = vector.shape_cast %swap3A_607 : vector<1x1x16xf32> to vector<16xf32>
        %swap3A_609 = vector.shape_cast %get3A_602 : vector<16xf32> to vector<1x1x16xf32>
        tpu.vector_store %arg7[%swap3A_604, %swap3A_605, %swap3A_606], %swap3A_609 {add = true, strides = array<i32>} : memref<4x128x128xf32, #tpu.memory_space<vmem>>, vector<1x1x16xf32>,
        %get3A_610 = arith.index_cast %scan3A_598 : i32 to index
        %get3A_611 = arith.constant 16 : index
        %get3A_612 = tpu.vector_load %arg8[%get3A_610, %get3A_611] {strides = array<i32>} : memref<128x128xf32, #tpu.memory_space<vmem>>, vector<1x16xf32>,
        %get3A_613 = vector.shape_cast %get3A_612 : vector<1x16xf32> to vector<16xf32>
        %swap3A_614 = arith.constant 2 : i32
        %swap3A_615 = arith.index_cast %swap3A_614 : i32 to index
        %swap3A_616 = arith.index_cast %scan3A_598 : i32 to index
        %swap3A_617 = arith.constant 16 : index
        %swap3A_618 = tpu.vector_load %arg7[%swap3A_615, %swap3A_616, %swap3A_617] {strides = array<i32>} : memref<4x128x128xf32, #tpu.memory_space<vmem>>, vector<1x1x16xf32>,
        %swap3A_619 = vector.shape_cast %swap3A_618 : vector<1x1x16xf32> to vector<16xf32>
        %swap3A_620 = vector.shape_cast %get3A_613 : vector<16xf32> to vector<1x1x16xf32>
        tpu.vector_store %arg7[%swap3A_615, %swap3A_616, %swap3A_617], %swap3A_620 {add = true, strides = array<i32>} : memref<4x128x128xf32, #tpu.memory_space<vmem>>, vector<1x1x16xf32>,
        %get3A_621 = arith.index_cast %scan3A_598 : i32 to index
        %get3A_622 = arith.constant 32 : index
        %get3A_623 = tpu.vector_load %arg8[%get3A_621, %get3A_622] {strides = array<i32>} : memref<128x128xf32, #tpu.memory_space<vmem>>, vector<1x16xf32>,
        %get3A_624 = vector.shape_cast %get3A_623 : vector<1x16xf32> to vector<16xf32>
        %swap3A_625 = arith.constant 2 : i32
        %swap3A_626 = arith.index_cast %swap3A_625 : i32 to index
        %swap3A_627 = arith.index_cast %scan3A_598 : i32 to index
        %swap3A_628 = arith.constant 32 : index
        %swap3A_629 = tpu.vector_load %arg7[%swap3A_626, %swap3A_627, %swap3A_628] {strides = array<i32>} : memref<4x128x128xf32, #tpu.memory_space<vmem>>, vector<1x1x16xf32>,
        %swap3A_630 = vector.shape_cast %swap3A_629 : vector<1x1x16xf32> to vector<16xf32>
        %swap3A_631 = vector.shape_cast %get3A_624 : vector<16xf32> to vector<1x1x16xf32>
        tpu.vector_store %arg7[%swap3A_626, %swap3A_627, %swap3A_628], %swap3A_631 {add = true, strides = array<i32>} : memref<4x128x128xf32, #tpu.memory_space<vmem>>, vector<1x1x16xf32>,
        %get3A_632 = arith.index_cast %scan3A_598 : i32 to index
        %get3A_633 = arith.constant 48 : index
        %get3A_634 = tpu.vector_load %arg8[%get3A_632, %get3A_633] {strides = array<i32>} : memref<128x128xf32, #tpu.memory_space<vmem>>, vector<1x16xf32>,
        %get3A_635 = vector.shape_cast %get3A_634 : vector<1x16xf32> to vector<16xf32>
        %swap3A_636 = arith.constant 2 : i32
        %swap3A_637 = arith.index_cast %swap3A_636 : i32 to index
        %swap3A_638 = arith.index_cast %scan3A_598 : i32 to index
        %swap3A_639 = arith.constant 48 : index
        %swap3A_640 = tpu.vector_load %arg7[%swap3A_637, %swap3A_638, %swap3A_639] {strides = array<i32>} : memref<4x128x128xf32, #tpu.memory_space<vmem>>, vector<1x1x16xf32>,
        %swap3A_641 = vector.shape_cast %swap3A_640 : vector<1x1x16xf32> to vector<16xf32>
        %swap3A_642 = vector.shape_cast %get3A_635 : vector<16xf32> to vector<1x1x16xf32>
        tpu.vector_store %arg7[%swap3A_637, %swap3A_638, %swap3A_639], %swap3A_642 {add = true, strides = array<i32>} : memref<4x128x128xf32, #tpu.memory_space<vmem>>, vector<1x1x16xf32>,
        %get3A_643 = arith.index_cast %scan3A_598 : i32 to index
        %get3A_644 = arith.constant 64 : index
        %get3A_645 = tpu.vector_load %arg8[%get3A_643, %get3A_644] {strides = array<i32>} : memref<128x128xf32, #tpu.memory_space<vmem>>, vector<1x16xf32>,
        %get3A_646 = vector.shape_cast %get3A_645 : vector<1x16xf32> to vector<16xf32>
        %swap3A_647 = arith.constant 2 : i32
        %swap3A_648 = arith.index_cast %swap3A_647 : i32 to index
        %swap3A_649 = arith.index_cast %scan3A_598 : i32 to index
        %swap3A_650 = arith.constant 64 : index
        %swap3A_651 = tpu.vector_load %arg7[%swap3A_648, %swap3A_649, %swap3A_650] {strides = array<i32>} : memref<4x128x128xf32, #tpu.memory_space<vmem>>, vector<1x1x16xf32>,
        %swap3A_652 = vector.shape_cast %swap3A_651 : vector<1x1x16xf32> to vector<16xf32>
        %swap3A_653 = vector.shape_cast %get3A_646 : vector<16xf32> to vector<1x1x16xf32>
        tpu.vector_store %arg7[%swap3A_648, %swap3A_649, %swap3A_650], %swap3A_653 {add = true, strides = array<i32>} : memref<4x128x128xf32, #tpu.memory_space<vmem>>, vector<1x1x16xf32>,
        %get3A_654 = arith.index_cast %scan3A_598 : i32 to index
        %get3A_655 = arith.constant 80 : index
        %get3A_656 = tpu.vector_load %arg8[%get3A_654, %get3A_655] {strides = array<i32>} : memref<128x128xf32, #tpu.memory_space<vmem>>, vector<1x16xf32>,
        %get3A_657 = vector.shape_cast %get3A_656 : vector<1x16xf32> to vector<16xf32>
        %swap3A_658 = arith.constant 2 : i32
        %swap3A_659 = arith.index_cast %swap3A_658 : i32 to index
        %swap3A_660 = arith.index_cast %scan3A_598 : i32 to index
        %swap3A_661 = arith.constant 80 : index
        %swap3A_662 = tpu.vector_load %arg7[%swap3A_659, %swap3A_660, %swap3A_661] {strides = array<i32>} : memref<4x128x128xf32, #tpu.memory_space<vmem>>, vector<1x1x16xf32>,
        %swap3A_663 = vector.shape_cast %swap3A_662 : vector<1x1x16xf32> to vector<16xf32>
        %swap3A_664 = vector.shape_cast %get3A_657 : vector<16xf32> to vector<1x1x16xf32>
        tpu.vector_store %arg7[%swap3A_659, %swap3A_660, %swap3A_661], %swap3A_664 {add = true, strides = array<i32>} : memref<4x128x128xf32, #tpu.memory_space<vmem>>, vector<1x1x16xf32>,
        %get3A_665 = arith.index_cast %scan3A_598 : i32 to index
        %get3A_666 = arith.constant 96 : index
        %get3A_667 = tpu.vector_load %arg8[%get3A_665, %get3A_666] {strides = array<i32>} : memref<128x128xf32, #tpu.memory_space<vmem>>, vector<1x16xf32>,
        %get3A_668 = vector.shape_cast %get3A_667 : vector<1x16xf32> to vector<16xf32>
        %swap3A_669 = arith.constant 2 : i32
        %swap3A_670 = arith.index_cast %swap3A_669 : i32 to index
        %swap3A_671 = arith.index_cast %scan3A_598 : i32 to index
        %swap3A_672 = arith.constant 96 : index
        %swap3A_673 = tpu.vector_load %arg7[%swap3A_670, %swap3A_671, %swap3A_672] {strides = array<i32>} : memref<4x128x128xf32, #tpu.memory_space<vmem>>, vector<1x1x16xf32>,
        %swap3A_674 = vector.shape_cast %swap3A_673 : vector<1x1x16xf32> to vector<16xf32>
        %swap3A_675 = vector.shape_cast %get3A_668 : vector<16xf32> to vector<1x1x16xf32>
        tpu.vector_store %arg7[%swap3A_670, %swap3A_671, %swap3A_672], %swap3A_675 {add = true, strides = array<i32>} : memref<4x128x128xf32, #tpu.memory_space<vmem>>, vector<1x1x16xf32>,
        %get3A_676 = arith.index_cast %scan3A_598 : i32 to index
        %get3A_677 = arith.constant 112 : index
        %get3A_678 = tpu.vector_load %arg8[%get3A_676, %get3A_677] {strides = array<i32>} : memref<128x128xf32, #tpu.memory_space<vmem>>, vector<1x16xf32>,
        %get3A_679 = vector.shape_cast %get3A_678 : vector<1x16xf32> to vector<16xf32>
        %swap3A_680 = arith.constant 2 : i32
        %swap3A_681 = arith.index_cast %swap3A_680 : i32 to index
        %swap3A_682 = arith.index_cast %scan3A_598 : i32 to index
        %swap3A_683 = arith.constant 112 : index
        %swap3A_684 = tpu.vector_load %arg7[%swap3A_681, %swap3A_682, %swap3A_683] {strides = array<i32>} : memref<4x128x128xf32, #tpu.memory_space<vmem>>, vector<1x1x16xf32>,
        %swap3A_685 = vector.shape_cast %swap3A_684 : vector<1x1x16xf32> to vector<16xf32>
        %swap3A_686 = vector.shape_cast %get3A_679 : vector<16xf32> to vector<1x1x16xf32>
        tpu.vector_store %arg7[%swap3A_681, %swap3A_682, %swap3A_683], %swap3A_686 {add = true, strides = array<i32>} : memref<4x128x128xf32, #tpu.memory_space<vmem>>, vector<1x1x16xf32>,
      }
      %scan3A_256 = arith.constant 128 : i32
      %mul3A_257 = arith.constant 128 : i32
      %mul3A_258 = arith.muli %add3A, %mul3A_257 : i32
      %add3A_259 = arith.addi %mul3A_258, %add3A_229 : i32
      %mul3A_260 = arith.constant 128 : i32
      %mul3A_261 = arith.muli %add3A_259, %mul3A_260 : i32
      %dma_start3A_262 = arith.constant 2 : i32
      %dma_start3A_263 = arith.constant 2 : i32
      %dma_start3A_264 = arith.constant 0 : i32
      %dma_start3A_265 = arith.constant 0 : i32
      %dma_start3A_266 = tpu.memref_slice %arg7[%dma_start3A_262, %dma_start3A_264, %dma_start3A_265] : memref<4x128x128xf32, #tpu.memory_space<vmem>> -> memref<1x128x128xf32, #tpu.memory_space<vmem>>
      %dma_start3A_267 = tpu.memref_squeeze %dma_start3A_266 : memref<1x128x128xf32, #tpu.memory_space<vmem>> -> memref<128x128xf32, #tpu.memory_space<vmem>>
      %dma_start3A_268 = arith.constant 0 : i32
      %dma_start3A_269 = tpu.memref_slice %arg5[%mul3A_261, %dma_start3A_268] : memref<524288x128xf32, #tpu.memory_space<hbm>> -> memref<128x128xf32, #tpu.memory_space<hbm>>
      %dma_start3A_270 = tpu.memref_slice %arg10[%dma_start3A_263] : memref<4x!tpu.dma_semaphore, #tpu.memory_space<semaphore_mem>> -> memref<1x!tpu.dma_semaphore, #tpu.memory_space<semaphore_mem>>
      %dma_start3A_271 = tpu.memref_squeeze %dma_start3A_270 : memref<1x!tpu.dma_semaphore, #tpu.memory_space<semaphore_mem>> -> memref<!tpu.dma_semaphore, #tpu.memory_space<semaphore_mem>>
      %dma_start3A_272 = arith.constant 0 : i32
      %dma_start3A_273 = tpu.memref_slice %arg5[%mul3A_261, %dma_start3A_272] : memref<524288x128xf32, #tpu.memory_space<hbm>> -> memref<128x128xf32, #tpu.memory_space<hbm>>
      %dma_start3A_274 = arith.constant 0 : i32
      %dma_start3A_275 = arith.constant 0 : i32
      %dma_start3A_276 = tpu.memref_slice %arg7[%dma_start3A_262, %dma_start3A_274, %dma_start3A_275] : memref<4x128x128xf32, #tpu.memory_space<vmem>> -> memref<1x128x128xf32, #tpu.memory_space<vmem>>
      %dma_start3A_277 = tpu.memref_squeeze %dma_start3A_276 : memref<1x128x128xf32, #tpu.memory_space<vmem>> -> memref<128x128xf32, #tpu.memory_space<vmem>>
      tpu.enqueue_dma source(%dma_start3A_277 : memref<128x128xf32, #tpu.memory_space<vmem>>) target(%dma_start3A_273 : memref<128x128xf32, #tpu.memory_space<hbm>>) target_semaphore(%dma_start3A_271 : memref<!tpu.dma_semaphore, #tpu.memory_space<semaphore_mem>>)
      %mul3A_278 = arith.constant 4 : i32
      %mul3A_279 = arith.muli %scan3A_124, %mul3A_278 : i32
      %add3A_280 = arith.constant 3 : i32
      %add3A_281 = arith.addi %mul3A_279, %add3A_280 : i32
      %add3A_282 = arith.constant 2 : i32
      %add3A_283 = arith.addi %add3A_281, %add3A_282 : i32
      %lt3A_284 = arith.constant 128 : i32
      %lt3A_285 = arith.cmpi slt, %add3A_283, %lt3A_284 : i32
      %convert_element_type3A_286 = arith.extui %lt3A_285 : i1 to i32
      %cond3A_287 = arith.constant 0 : i32
      %cond3A_288 = arith.cmpi ne, %convert_element_type3A_286, %cond3A_287 : i32
      scf.if %cond3A_288 {
        %ge3A = arith.constant 4 : i32
        %ge3A_330 = arith.cmpi sge, %add3A_283, %ge3A : i32
        %convert_element_type3A_331 = arith.extui %ge3A_330 : i1 to i32
        %cond3A_332 = arith.constant 0 : i32
        %cond3A_333 = arith.cmpi ne, %convert_element_type3A_331, %cond3A_332 : i32
        scf.if %cond3A_333 {
          %sub3A = arith.constant 4 : i32
          %sub3A_348 = arith.subi %add3A_283, %sub3A : i32
          %mul3A_349 = arith.constant 128 : i32
          %mul3A_350 = arith.muli %add3A, %mul3A_349 : i32
          %add3A_351 = arith.addi %mul3A_350, %sub3A_348 : i32
          %mul3A_352 = arith.constant 128 : i32
          %mul3A_353 = arith.muli %add3A_351, %mul3A_352 : i32
          %dma_wait3A_354 = arith.constant 1 : i32
          %dma_wait3A_355 = arith.constant 1 : i32
          %dma_wait3A_356 = arith.constant 0 : i32
          %dma_wait3A_357 = arith.constant 0 : i32
          %dma_wait3A_358 = tpu.memref_slice %arg7[%dma_wait3A_354, %dma_wait3A_356, %dma_wait3A_357] : memref<4x128x128xf32, #tpu.memory_space<vmem>> -> memref<1x128x128xf32, #tpu.memory_space<vmem>>
          %dma_wait3A_359 = tpu.memref_squeeze %dma_wait3A_358 : memref<1x128x128xf32, #tpu.memory_space<vmem>> -> memref<128x128xf32, #tpu.memory_space<vmem>>
          %dma_wait3A_360 = arith.constant 0 : i32
          %dma_wait3A_361 = tpu.memref_slice %arg5[%mul3A_353, %dma_wait3A_360] : memref<524288x128xf32, #tpu.memory_space<hbm>> -> memref<128x128xf32, #tpu.memory_space<hbm>>
          %dma_wait3A_362 = tpu.memref_slice %arg10[%dma_wait3A_355] : memref<4x!tpu.dma_semaphore, #tpu.memory_space<semaphore_mem>> -> memref<1x!tpu.dma_semaphore, #tpu.memory_space<semaphore_mem>>
          %dma_wait3A_363 = tpu.memref_squeeze %dma_wait3A_362 : memref<1x!tpu.dma_semaphore, #tpu.memory_space<semaphore_mem>> -> memref<!tpu.dma_semaphore, #tpu.memory_space<semaphore_mem>>
          %dma_wait3A_364 = arith.constant 0 : i32
          %dma_wait3A_365 = tpu.memref_slice %arg5[%mul3A_353, %dma_wait3A_364] : memref<524288x128xf32, #tpu.memory_space<hbm>> -> memref<128x128xf32, #tpu.memory_space<hbm>>
          %dma_wait3A_366 = arith.constant 0 : i32
          %dma_wait3A_367 = arith.constant 0 : i32
          %dma_wait3A_368 = tpu.memref_slice %arg7[%dma_wait3A_354, %dma_wait3A_366, %dma_wait3A_367] : memref<4x128x128xf32, #tpu.memory_space<vmem>> -> memref<1x128x128xf32, #tpu.memory_space<vmem>>
          %dma_wait3A_369 = tpu.memref_squeeze %dma_wait3A_368 : memref<1x128x128xf32, #tpu.memory_space<vmem>> -> memref<128x128xf32, #tpu.memory_space<vmem>>
          tpu.wait_dma2 semaphore(%dma_wait3A_363 : memref<!tpu.dma_semaphore, #tpu.memory_space<semaphore_mem>>) src(%dma_wait3A_369 : memref<128x128xf32, #tpu.memory_space<vmem>>) dst(%dma_wait3A_365 : memref<128x128xf32, #tpu.memory_space<hbm>>)
        } else {
        }
        %dma_start3A_334 = arith.constant 1 : i32
        %dma_start3A_335 = arith.constant 1 : i32
        %dma_start3A_336 = arith.constant 0 : i32
        %dma_start3A_337 = arith.constant 0 : i32
        %dma_start3A_338 = tpu.memref_slice %arg7[%dma_start3A_334, %dma_start3A_336, %dma_start3A_337] : memref<4x128x128xf32, #tpu.memory_space<vmem>> -> memref<1x128x128xf32, #tpu.memory_space<vmem>>
        %dma_start3A_339 = tpu.memref_squeeze %dma_start3A_338 : memref<1x128x128xf32, #tpu.memory_space<vmem>> -> memref<128x128xf32, #tpu.memory_space<vmem>>
        %dma_start3A_340 = arith.constant 0 : i32
        %dma_start3A_341 = tpu.memref_slice %arg6[%add3A_283, %dma_start3A_340] : memref<128x128xi32, #tpu.memory_space<vmem>> -> memref<1x128xi32, #tpu.memory_space<vmem>>
        %dma_start3A_342 = tpu.memref_squeeze %dma_start3A_341 : memref<1x128xi32, #tpu.memory_space<vmem>> -> memref<128xi32, #tpu.memory_space<vmem>>
        %dma_start3A_343 = arith.constant 0 : i32
        %dma_start3A_344 = arith.constant 0 : i32
        %dma_start3A_345 = tpu.memref_slice %arg3[%dma_start3A_343, %dma_start3A_344] : memref<100000x128xf32, #tpu.memory_space<hbm>> -> memref<100000x128xf32, #tpu.memory_space<hbm>>
        %dma_start3A_346 = tpu.memref_slice %arg9[%dma_start3A_335] : memref<4x!tpu.dma_semaphore, #tpu.memory_space<semaphore_mem>> -> memref<1x!tpu.dma_semaphore, #tpu.memory_space<semaphore_mem>>
        %dma_start3A_347 = tpu.memref_squeeze %dma_start3A_346 : memref<1x!tpu.dma_semaphore, #tpu.memory_space<semaphore_mem>> -> memref<!tpu.dma_semaphore, #tpu.memory_space<semaphore_mem>>
        tpu.enqueue_indirect_dma source(%dma_start3A_345 : memref<100000x128xf32, #tpu.memory_space<hbm>>) target(%dma_start3A_339 : memref<128x128xf32, #tpu.memory_space<vmem>>) offsets(%dma_start3A_342 : memref<128xi32, #tpu.memory_space<vmem>>) semaphore(%dma_start3A_347 : memref<!tpu.dma_semaphore, #tpu.memory_space<semaphore_mem>>)
      } else {
      }
      %dma_wait3A_289 = arith.constant 3 : i32
      %dma_wait3A_290 = arith.constant 3 : i32
      %dma_wait3A_291 = arith.constant 0 : i32
      %dma_wait3A_292 = arith.constant 0 : i32
      %dma_wait3A_293 = tpu.memref_slice %arg7[%dma_wait3A_289, %dma_wait3A_291, %dma_wait3A_292] : memref<4x128x128xf32, #tpu.memory_space<vmem>> -> memref<1x128x128xf32, #tpu.memory_space<vmem>>
      %dma_wait3A_294 = tpu.memref_squeeze %dma_wait3A_293 : memref<1x128x128xf32, #tpu.memory_space<vmem>> -> memref<128x128xf32, #tpu.memory_space<vmem>>
      %dma_wait3A_295 = arith.constant 0 : i32
      %dma_wait3A_296 = tpu.memref_slice %arg6[%add3A_281, %dma_wait3A_295] : memref<128x128xi32, #tpu.memory_space<vmem>> -> memref<1x128xi32, #tpu.memory_space<vmem>>
      %dma_wait3A_297 = tpu.memref_squeeze %dma_wait3A_296 : memref<1x128xi32, #tpu.memory_space<vmem>> -> memref<128xi32, #tpu.memory_space<vmem>>
      %dma_wait3A_298 = arith.constant 0 : i32
      %dma_wait3A_299 = arith.constant 0 : i32
      %dma_wait3A_300 = tpu.memref_slice %arg3[%dma_wait3A_298, %dma_wait3A_299] : memref<100000x128xf32, #tpu.memory_space<hbm>> -> memref<100000x128xf32, #tpu.memory_space<hbm>>
      %dma_wait3A_301 = tpu.memref_slice %arg9[%dma_wait3A_290] : memref<4x!tpu.dma_semaphore, #tpu.memory_space<semaphore_mem>> -> memref<1x!tpu.dma_semaphore, #tpu.memory_space<semaphore_mem>>
      %dma_wait3A_302 = tpu.memref_squeeze %dma_wait3A_301 : memref<1x!tpu.dma_semaphore, #tpu.memory_space<semaphore_mem>> -> memref<!tpu.dma_semaphore, #tpu.memory_space<semaphore_mem>>
      tpu.wait_indirect_dma semaphore(%dma_wait3A_302 : memref<!tpu.dma_semaphore, #tpu.memory_space<semaphore_mem>>) src(%dma_wait3A_300 : memref<100000x128xf32, #tpu.memory_space<hbm>>) dst(%dma_wait3A_294 : memref<128x128xf32, #tpu.memory_space<vmem>>)
      %scan3A_303 = arith.constant 0 : i32
      %scan3A_304 = arith.constant 0 : i32
      %scan3A_305 = arith.constant 128 : i32
      %scan3A_306 = arith.addi %scan3A_304, %scan3A_305 : i32
      %scan3A_307 = arith.constant 4 : i32
      scf.for %scan3A_330 = %scan3A_304 to %scan3A_306 step %scan3A_307  : i32 {
        %get3A = arith.index_cast %scan3A_330 : i32 to index
        %get3A_331 = arith.constant 0 : index
        %get3A_332 = tpu.vector_load %arg8[%get3A, %get3A_331] {strides = array<i32>} : memref<128x128xf32, #tpu.memory_space<vmem>>, vector<1x16xf32>,
        %get3A_333 = vector.shape_cast %get3A_332 : vector<1x16xf32> to vector<16xf32>
        %swap3A = arith.constant 3 : i32
        %swap3A_334 = arith.index_cast %swap3A : i32 to index
        %swap3A_335 = arith.index_cast %scan3A_330 : i32 to index
        %swap3A_336 = arith.constant 0 : index
        %swap3A_337 = tpu.vector_load %arg7[%swap3A_334, %swap3A_335, %swap3A_336] {strides = array<i32>} : memref<4x128x128xf32, #tpu.memory_space<vmem>>, vector<1x1x16xf32>,
        %swap3A_338 = vector.shape_cast %swap3A_337 : vector<1x1x16xf32> to vector<16xf32>
        %swap3A_339 = vector.shape_cast %get3A_333 : vector<16xf32> to vector<1x1x16xf32>
        tpu.vector_store %arg7[%swap3A_334, %swap3A_335, %swap3A_336], %swap3A_339 {add = true, strides = array<i32>} : memref<4x128x128xf32, #tpu.memory_space<vmem>>, vector<1x1x16xf32>,
        %get3A_340 = arith.index_cast %scan3A_330 : i32 to index
        %get3A_341 = arith.constant 16 : index
        %get3A_342 = tpu.vector_load %arg8[%get3A_340, %get3A_341] {strides = array<i32>} : memref<128x128xf32, #tpu.memory_space<vmem>>, vector<1x16xf32>,
        %get3A_343 = vector.shape_cast %get3A_342 : vector<1x16xf32> to vector<16xf32>
        %swap3A_344 = arith.constant 3 : i32
        %swap3A_345 = arith.index_cast %swap3A_344 : i32 to index
        %swap3A_346 = arith.index_cast %scan3A_330 : i32 to index
        %swap3A_347 = arith.constant 16 : index
        %swap3A_348 = tpu.vector_load %arg7[%swap3A_345, %swap3A_346, %swap3A_347] {strides = array<i32>} : memref<4x128x128xf32, #tpu.memory_space<vmem>>, vector<1x1x16xf32>,
        %swap3A_349 = vector.shape_cast %swap3A_348 : vector<1x1x16xf32> to vector<16xf32>
        %swap3A_350 = vector.shape_cast %get3A_343 : vector<16xf32> to vector<1x1x16xf32>
        tpu.vector_store %arg7[%swap3A_345, %swap3A_346, %swap3A_347], %swap3A_350 {add = true, strides = array<i32>} : memref<4x128x128xf32, #tpu.memory_space<vmem>>, vector<1x1x16xf32>,
        %get3A_351 = arith.index_cast %scan3A_330 : i32 to index
        %get3A_352 = arith.constant 32 : index
        %get3A_353 = tpu.vector_load %arg8[%get3A_351, %get3A_352] {strides = array<i32>} : memref<128x128xf32, #tpu.memory_space<vmem>>, vector<1x16xf32>,
        %get3A_354 = vector.shape_cast %get3A_353 : vector<1x16xf32> to vector<16xf32>
        %swap3A_355 = arith.constant 3 : i32
        %swap3A_356 = arith.index_cast %swap3A_355 : i32 to index
        %swap3A_357 = arith.index_cast %scan3A_330 : i32 to index
        %swap3A_358 = arith.constant 32 : index
        %swap3A_359 = tpu.vector_load %arg7[%swap3A_356, %swap3A_357, %swap3A_358] {strides = array<i32>} : memref<4x128x128xf32, #tpu.memory_space<vmem>>, vector<1x1x16xf32>,
        %swap3A_360 = vector.shape_cast %swap3A_359 : vector<1x1x16xf32> to vector<16xf32>
        %swap3A_361 = vector.shape_cast %get3A_354 : vector<16xf32> to vector<1x1x16xf32>
        tpu.vector_store %arg7[%swap3A_356, %swap3A_357, %swap3A_358], %swap3A_361 {add = true, strides = array<i32>} : memref<4x128x128xf32, #tpu.memory_space<vmem>>, vector<1x1x16xf32>,
        %get3A_362 = arith.index_cast %scan3A_330 : i32 to index
        %get3A_363 = arith.constant 48 : index
        %get3A_364 = tpu.vector_load %arg8[%get3A_362, %get3A_363] {strides = array<i32>} : memref<128x128xf32, #tpu.memory_space<vmem>>, vector<1x16xf32>,
        %get3A_365 = vector.shape_cast %get3A_364 : vector<1x16xf32> to vector<16xf32>
        %swap3A_366 = arith.constant 3 : i32
        %swap3A_367 = arith.index_cast %swap3A_366 : i32 to index
        %swap3A_368 = arith.index_cast %scan3A_330 : i32 to index
        %swap3A_369 = arith.constant 48 : index
        %swap3A_370 = tpu.vector_load %arg7[%swap3A_367, %swap3A_368, %swap3A_369] {strides = array<i32>} : memref<4x128x128xf32, #tpu.memory_space<vmem>>, vector<1x1x16xf32>,
        %swap3A_371 = vector.shape_cast %swap3A_370 : vector<1x1x16xf32> to vector<16xf32>
        %swap3A_372 = vector.shape_cast %get3A_365 : vector<16xf32> to vector<1x1x16xf32>
        tpu.vector_store %arg7[%swap3A_367, %swap3A_368, %swap3A_369], %swap3A_372 {add = true, strides = array<i32>} : memref<4x128x128xf32, #tpu.memory_space<vmem>>, vector<1x1x16xf32>,
        %get3A_373 = arith.index_cast %scan3A_330 : i32 to index
        %get3A_374 = arith.constant 64 : index
        %get3A_375 = tpu.vector_load %arg8[%get3A_373, %get3A_374] {strides = array<i32>} : memref<128x128xf32, #tpu.memory_space<vmem>>, vector<1x16xf32>,
        %get3A_376 = vector.shape_cast %get3A_375 : vector<1x16xf32> to vector<16xf32>
        %swap3A_377 = arith.constant 3 : i32
        %swap3A_378 = arith.index_cast %swap3A_377 : i32 to index
        %swap3A_379 = arith.index_cast %scan3A_330 : i32 to index
        %swap3A_380 = arith.constant 64 : index
        %swap3A_381 = tpu.vector_load %arg7[%swap3A_378, %swap3A_379, %swap3A_380] {strides = array<i32>} : memref<4x128x128xf32, #tpu.memory_space<vmem>>, vector<1x1x16xf32>,
        %swap3A_382 = vector.shape_cast %swap3A_381 : vector<1x1x16xf32> to vector<16xf32>
        %swap3A_383 = vector.shape_cast %get3A_376 : vector<16xf32> to vector<1x1x16xf32>
        tpu.vector_store %arg7[%swap3A_378, %swap3A_379, %swap3A_380], %swap3A_383 {add = true, strides = array<i32>} : memref<4x128x128xf32, #tpu.memory_space<vmem>>, vector<1x1x16xf32>,
        %get3A_384 = arith.index_cast %scan3A_330 : i32 to index
        %get3A_385 = arith.constant 80 : index
        %get3A_386 = tpu.vector_load %arg8[%get3A_384, %get3A_385] {strides = array<i32>} : memref<128x128xf32, #tpu.memory_space<vmem>>, vector<1x16xf32>,
        %get3A_387 = vector.shape_cast %get3A_386 : vector<1x16xf32> to vector<16xf32>
        %swap3A_388 = arith.constant 3 : i32
        %swap3A_389 = arith.index_cast %swap3A_388 : i32 to index
        %swap3A_390 = arith.index_cast %scan3A_330 : i32 to index
        %swap3A_391 = arith.constant 80 : index
        %swap3A_392 = tpu.vector_load %arg7[%swap3A_389, %swap3A_390, %swap3A_391] {strides = array<i32>} : memref<4x128x128xf32, #tpu.memory_space<vmem>>, vector<1x1x16xf32>,
        %swap3A_393 = vector.shape_cast %swap3A_392 : vector<1x1x16xf32> to vector<16xf32>
        %swap3A_394 = vector.shape_cast %get3A_387 : vector<16xf32> to vector<1x1x16xf32>
        tpu.vector_store %arg7[%swap3A_389, %swap3A_390, %swap3A_391], %swap3A_394 {add = true, strides = array<i32>} : memref<4x128x128xf32, #tpu.memory_space<vmem>>, vector<1x1x16xf32>,
        %get3A_395 = arith.index_cast %scan3A_330 : i32 to index
        %get3A_396 = arith.constant 96 : index
        %get3A_397 = tpu.vector_load %arg8[%get3A_395, %get3A_396] {strides = array<i32>} : memref<128x128xf32, #tpu.memory_space<vmem>>, vector<1x16xf32>,
        %get3A_398 = vector.shape_cast %get3A_397 : vector<1x16xf32> to vector<16xf32>
        %swap3A_399 = arith.constant 3 : i32
        %swap3A_400 = arith.index_cast %swap3A_399 : i32 to index
        %swap3A_401 = arith.index_cast %scan3A_330 : i32 to index
        %swap3A_402 = arith.constant 96 : index
        %swap3A_403 = tpu.vector_load %arg7[%swap3A_400, %swap3A_401, %swap3A_402] {strides = array<i32>} : memref<4x128x128xf32, #tpu.memory_space<vmem>>, vector<1x1x16xf32>,
        %swap3A_404 = vector.shape_cast %swap3A_403 : vector<1x1x16xf32> to vector<16xf32>
        %swap3A_405 = vector.shape_cast %get3A_398 : vector<16xf32> to vector<1x1x16xf32>
        tpu.vector_store %arg7[%swap3A_400, %swap3A_401, %swap3A_402], %swap3A_405 {add = true, strides = array<i32>} : memref<4x128x128xf32, #tpu.memory_space<vmem>>, vector<1x1x16xf32>,
        %get3A_406 = arith.index_cast %scan3A_330 : i32 to index
        %get3A_407 = arith.constant 112 : index
        %get3A_408 = tpu.vector_load %arg8[%get3A_406, %get3A_407] {strides = array<i32>} : memref<128x128xf32, #tpu.memory_space<vmem>>, vector<1x16xf32>,
        %get3A_409 = vector.shape_cast %get3A_408 : vector<1x16xf32> to vector<16xf32>
        %swap3A_410 = arith.constant 3 : i32
        %swap3A_411 = arith.index_cast %swap3A_410 : i32 to index
        %swap3A_412 = arith.index_cast %scan3A_330 : i32 to index
        %swap3A_413 = arith.constant 112 : index
        %swap3A_414 = tpu.vector_load %arg7[%swap3A_411, %swap3A_412, %swap3A_413] {strides = array<i32>} : memref<4x128x128xf32, #tpu.memory_space<vmem>>, vector<1x1x16xf32>,
        %swap3A_415 = vector.shape_cast %swap3A_414 : vector<1x1x16xf32> to vector<16xf32>
        %swap3A_416 = vector.shape_cast %get3A_409 : vector<16xf32> to vector<1x1x16xf32>
        tpu.vector_store %arg7[%swap3A_411, %swap3A_412, %swap3A_413], %swap3A_416 {add = true, strides = array<i32>} : memref<4x128x128xf32, #tpu.memory_space<vmem>>, vector<1x1x16xf32>,
        %scan3A_417 = arith.constant 1 : i32
        %scan3A_418 = arith.addi %scan3A_330, %scan3A_417 : i32
        %get3A_419 = arith.index_cast %scan3A_418 : i32 to index
        %get3A_420 = arith.constant 0 : index
        %get3A_421 = tpu.vector_load %arg8[%get3A_419, %get3A_420] {strides = array<i32>} : memref<128x128xf32, #tpu.memory_space<vmem>>, vector<1x16xf32>,
        %get3A_422 = vector.shape_cast %get3A_421 : vector<1x16xf32> to vector<16xf32>
        %swap3A_423 = arith.constant 3 : i32
        %swap3A_424 = arith.index_cast %swap3A_423 : i32 to index
        %swap3A_425 = arith.index_cast %scan3A_418 : i32 to index
        %swap3A_426 = arith.constant 0 : index
        %swap3A_427 = tpu.vector_load %arg7[%swap3A_424, %swap3A_425, %swap3A_426] {strides = array<i32>} : memref<4x128x128xf32, #tpu.memory_space<vmem>>, vector<1x1x16xf32>,
        %swap3A_428 = vector.shape_cast %swap3A_427 : vector<1x1x16xf32> to vector<16xf32>
        %swap3A_429 = vector.shape_cast %get3A_422 : vector<16xf32> to vector<1x1x16xf32>
        tpu.vector_store %arg7[%swap3A_424, %swap3A_425, %swap3A_426], %swap3A_429 {add = true, strides = array<i32>} : memref<4x128x128xf32, #tpu.memory_space<vmem>>, vector<1x1x16xf32>,
        %get3A_430 = arith.index_cast %scan3A_418 : i32 to index
        %get3A_431 = arith.constant 16 : index
        %get3A_432 = tpu.vector_load %arg8[%get3A_430, %get3A_431] {strides = array<i32>} : memref<128x128xf32, #tpu.memory_space<vmem>>, vector<1x16xf32>,
        %get3A_433 = vector.shape_cast %get3A_432 : vector<1x16xf32> to vector<16xf32>
        %swap3A_434 = arith.constant 3 : i32
        %swap3A_435 = arith.index_cast %swap3A_434 : i32 to index
        %swap3A_436 = arith.index_cast %scan3A_418 : i32 to index
        %swap3A_437 = arith.constant 16 : index
        %swap3A_438 = tpu.vector_load %arg7[%swap3A_435, %swap3A_436, %swap3A_437] {strides = array<i32>} : memref<4x128x128xf32, #tpu.memory_space<vmem>>, vector<1x1x16xf32>,
        %swap3A_439 = vector.shape_cast %swap3A_438 : vector<1x1x16xf32> to vector<16xf32>
        %swap3A_440 = vector.shape_cast %get3A_433 : vector<16xf32> to vector<1x1x16xf32>
        tpu.vector_store %arg7[%swap3A_435, %swap3A_436, %swap3A_437], %swap3A_440 {add = true, strides = array<i32>} : memref<4x128x128xf32, #tpu.memory_space<vmem>>, vector<1x1x16xf32>,
        %get3A_441 = arith.index_cast %scan3A_418 : i32 to index
        %get3A_442 = arith.constant 32 : index
        %get3A_443 = tpu.vector_load %arg8[%get3A_441, %get3A_442] {strides = array<i32>} : memref<128x128xf32, #tpu.memory_space<vmem>>, vector<1x16xf32>,
        %get3A_444 = vector.shape_cast %get3A_443 : vector<1x16xf32> to vector<16xf32>
        %swap3A_445 = arith.constant 3 : i32
        %swap3A_446 = arith.index_cast %swap3A_445 : i32 to index
        %swap3A_447 = arith.index_cast %scan3A_418 : i32 to index
        %swap3A_448 = arith.constant 32 : index
        %swap3A_449 = tpu.vector_load %arg7[%swap3A_446, %swap3A_447, %swap3A_448] {strides = array<i32>} : memref<4x128x128xf32, #tpu.memory_space<vmem>>, vector<1x1x16xf32>,
        %swap3A_450 = vector.shape_cast %swap3A_449 : vector<1x1x16xf32> to vector<16xf32>
        %swap3A_451 = vector.shape_cast %get3A_444 : vector<16xf32> to vector<1x1x16xf32>
        tpu.vector_store %arg7[%swap3A_446, %swap3A_447, %swap3A_448], %swap3A_451 {add = true, strides = array<i32>} : memref<4x128x128xf32, #tpu.memory_space<vmem>>, vector<1x1x16xf32>,
        %get3A_452 = arith.index_cast %scan3A_418 : i32 to index
        %get3A_453 = arith.constant 48 : index
        %get3A_454 = tpu.vector_load %arg8[%get3A_452, %get3A_453] {strides = array<i32>} : memref<128x128xf32, #tpu.memory_space<vmem>>, vector<1x16xf32>,
        %get3A_455 = vector.shape_cast %get3A_454 : vector<1x16xf32> to vector<16xf32>
        %swap3A_456 = arith.constant 3 : i32
        %swap3A_457 = arith.index_cast %swap3A_456 : i32 to index
        %swap3A_458 = arith.index_cast %scan3A_418 : i32 to index
        %swap3A_459 = arith.constant 48 : index
        %swap3A_460 = tpu.vector_load %arg7[%swap3A_457, %swap3A_458, %swap3A_459] {strides = array<i32>} : memref<4x128x128xf32, #tpu.memory_space<vmem>>, vector<1x1x16xf32>,
        %swap3A_461 = vector.shape_cast %swap3A_460 : vector<1x1x16xf32> to vector<16xf32>
        %swap3A_462 = vector.shape_cast %get3A_455 : vector<16xf32> to vector<1x1x16xf32>
        tpu.vector_store %arg7[%swap3A_457, %swap3A_458, %swap3A_459], %swap3A_462 {add = true, strides = array<i32>} : memref<4x128x128xf32, #tpu.memory_space<vmem>>, vector<1x1x16xf32>,
        %get3A_463 = arith.index_cast %scan3A_418 : i32 to index
        %get3A_464 = arith.constant 64 : index
        %get3A_465 = tpu.vector_load %arg8[%get3A_463, %get3A_464] {strides = array<i32>} : memref<128x128xf32, #tpu.memory_space<vmem>>, vector<1x16xf32>,
        %get3A_466 = vector.shape_cast %get3A_465 : vector<1x16xf32> to vector<16xf32>
        %swap3A_467 = arith.constant 3 : i32
        %swap3A_468 = arith.index_cast %swap3A_467 : i32 to index
        %swap3A_469 = arith.index_cast %scan3A_418 : i32 to index
        %swap3A_470 = arith.constant 64 : index
        %swap3A_471 = tpu.vector_load %arg7[%swap3A_468, %swap3A_469, %swap3A_470] {strides = array<i32>} : memref<4x128x128xf32, #tpu.memory_space<vmem>>, vector<1x1x16xf32>,
        %swap3A_472 = vector.shape_cast %swap3A_471 : vector<1x1x16xf32> to vector<16xf32>
        %swap3A_473 = vector.shape_cast %get3A_466 : vector<16xf32> to vector<1x1x16xf32>
        tpu.vector_store %arg7[%swap3A_468, %swap3A_469, %swap3A_470], %swap3A_473 {add = true, strides = array<i32>} : memref<4x128x128xf32, #tpu.memory_space<vmem>>, vector<1x1x16xf32>,
        %get3A_474 = arith.index_cast %scan3A_418 : i32 to index
        %get3A_475 = arith.constant 80 : index
        %get3A_476 = tpu.vector_load %arg8[%get3A_474, %get3A_475] {strides = array<i32>} : memref<128x128xf32, #tpu.memory_space<vmem>>, vector<1x16xf32>,
        %get3A_477 = vector.shape_cast %get3A_476 : vector<1x16xf32> to vector<16xf32>
        %swap3A_478 = arith.constant 3 : i32
        %swap3A_479 = arith.index_cast %swap3A_478 : i32 to index
        %swap3A_480 = arith.index_cast %scan3A_418 : i32 to index
        %swap3A_481 = arith.constant 80 : index
        %swap3A_482 = tpu.vector_load %arg7[%swap3A_479, %swap3A_480, %swap3A_481] {strides = array<i32>} : memref<4x128x128xf32, #tpu.memory_space<vmem>>, vector<1x1x16xf32>,
        %swap3A_483 = vector.shape_cast %swap3A_482 : vector<1x1x16xf32> to vector<16xf32>
        %swap3A_484 = vector.shape_cast %get3A_477 : vector<16xf32> to vector<1x1x16xf32>
        tpu.vector_store %arg7[%swap3A_479, %swap3A_480, %swap3A_481], %swap3A_484 {add = true, strides = array<i32>} : memref<4x128x128xf32, #tpu.memory_space<vmem>>, vector<1x1x16xf32>,
        %get3A_485 = arith.index_cast %scan3A_418 : i32 to index
        %get3A_486 = arith.constant 96 : index
        %get3A_487 = tpu.vector_load %arg8[%get3A_485, %get3A_486] {strides = array<i32>} : memref<128x128xf32, #tpu.memory_space<vmem>>, vector<1x16xf32>,
        %get3A_488 = vector.shape_cast %get3A_487 : vector<1x16xf32> to vector<16xf32>
        %swap3A_489 = arith.constant 3 : i32
        %swap3A_490 = arith.index_cast %swap3A_489 : i32 to index
        %swap3A_491 = arith.index_cast %scan3A_418 : i32 to index
        %swap3A_492 = arith.constant 96 : index
        %swap3A_493 = tpu.vector_load %arg7[%swap3A_490, %swap3A_491, %swap3A_492] {strides = array<i32>} : memref<4x128x128xf32, #tpu.memory_space<vmem>>, vector<1x1x16xf32>,
        %swap3A_494 = vector.shape_cast %swap3A_493 : vector<1x1x16xf32> to vector<16xf32>
        %swap3A_495 = vector.shape_cast %get3A_488 : vector<16xf32> to vector<1x1x16xf32>
        tpu.vector_store %arg7[%swap3A_490, %swap3A_491, %swap3A_492], %swap3A_495 {add = true, strides = array<i32>} : memref<4x128x128xf32, #tpu.memory_space<vmem>>, vector<1x1x16xf32>,
        %get3A_496 = arith.index_cast %scan3A_418 : i32 to index
        %get3A_497 = arith.constant 112 : index
        %get3A_498 = tpu.vector_load %arg8[%get3A_496, %get3A_497] {strides = array<i32>} : memref<128x128xf32, #tpu.memory_space<vmem>>, vector<1x16xf32>,
        %get3A_499 = vector.shape_cast %get3A_498 : vector<1x16xf32> to vector<16xf32>
        %swap3A_500 = arith.constant 3 : i32
        %swap3A_501 = arith.index_cast %swap3A_500 : i32 to index
        %swap3A_502 = arith.index_cast %scan3A_418 : i32 to index
        %swap3A_503 = arith.constant 112 : index
        %swap3A_504 = tpu.vector_load %arg7[%swap3A_501, %swap3A_502, %swap3A_503] {strides = array<i32>} : memref<4x128x128xf32, #tpu.memory_space<vmem>>, vector<1x1x16xf32>,
        %swap3A_505 = vector.shape_cast %swap3A_504 : vector<1x1x16xf32> to vector<16xf32>
        %swap3A_506 = vector.shape_cast %get3A_499 : vector<16xf32> to vector<1x1x16xf32>
        tpu.vector_store %arg7[%swap3A_501, %swap3A_502, %swap3A_503], %swap3A_506 {add = true, strides = array<i32>} : memref<4x128x128xf32, #tpu.memory_space<vmem>>, vector<1x1x16xf32>,
        %scan3A_507 = arith.constant 2 : i32
        %scan3A_508 = arith.addi %scan3A_330, %scan3A_507 : i32
        %get3A_509 = arith.index_cast %scan3A_508 : i32 to index
        %get3A_510 = arith.constant 0 : index
        %get3A_511 = tpu.vector_load %arg8[%get3A_509, %get3A_510] {strides = array<i32>} : memref<128x128xf32, #tpu.memory_space<vmem>>, vector<1x16xf32>,
        %get3A_512 = vector.shape_cast %get3A_511 : vector<1x16xf32> to vector<16xf32>
        %swap3A_513 = arith.constant 3 : i32
        %swap3A_514 = arith.index_cast %swap3A_513 : i32 to index
        %swap3A_515 = arith.index_cast %scan3A_508 : i32 to index
        %swap3A_516 = arith.constant 0 : index
        %swap3A_517 = tpu.vector_load %arg7[%swap3A_514, %swap3A_515, %swap3A_516] {strides = array<i32>} : memref<4x128x128xf32, #tpu.memory_space<vmem>>, vector<1x1x16xf32>,
        %swap3A_518 = vector.shape_cast %swap3A_517 : vector<1x1x16xf32> to vector<16xf32>
        %swap3A_519 = vector.shape_cast %get3A_512 : vector<16xf32> to vector<1x1x16xf32>
        tpu.vector_store %arg7[%swap3A_514, %swap3A_515, %swap3A_516], %swap3A_519 {add = true, strides = array<i32>} : memref<4x128x128xf32, #tpu.memory_space<vmem>>, vector<1x1x16xf32>,
        %get3A_520 = arith.index_cast %scan3A_508 : i32 to index
        %get3A_521 = arith.constant 16 : index
        %get3A_522 = tpu.vector_load %arg8[%get3A_520, %get3A_521] {strides = array<i32>} : memref<128x128xf32, #tpu.memory_space<vmem>>, vector<1x16xf32>,
        %get3A_523 = vector.shape_cast %get3A_522 : vector<1x16xf32> to vector<16xf32>
        %swap3A_524 = arith.constant 3 : i32
        %swap3A_525 = arith.index_cast %swap3A_524 : i32 to index
        %swap3A_526 = arith.index_cast %scan3A_508 : i32 to index
        %swap3A_527 = arith.constant 16 : index
        %swap3A_528 = tpu.vector_load %arg7[%swap3A_525, %swap3A_526, %swap3A_527] {strides = array<i32>} : memref<4x128x128xf32, #tpu.memory_space<vmem>>, vector<1x1x16xf32>,
        %swap3A_529 = vector.shape_cast %swap3A_528 : vector<1x1x16xf32> to vector<16xf32>
        %swap3A_530 = vector.shape_cast %get3A_523 : vector<16xf32> to vector<1x1x16xf32>
        tpu.vector_store %arg7[%swap3A_525, %swap3A_526, %swap3A_527], %swap3A_530 {add = true, strides = array<i32>} : memref<4x128x128xf32, #tpu.memory_space<vmem>>, vector<1x1x16xf32>,
        %get3A_531 = arith.index_cast %scan3A_508 : i32 to index
        %get3A_532 = arith.constant 32 : index
        %get3A_533 = tpu.vector_load %arg8[%get3A_531, %get3A_532] {strides = array<i32>} : memref<128x128xf32, #tpu.memory_space<vmem>>, vector<1x16xf32>,
        %get3A_534 = vector.shape_cast %get3A_533 : vector<1x16xf32> to vector<16xf32>
        %swap3A_535 = arith.constant 3 : i32
        %swap3A_536 = arith.index_cast %swap3A_535 : i32 to index
        %swap3A_537 = arith.index_cast %scan3A_508 : i32 to index
        %swap3A_538 = arith.constant 32 : index
        %swap3A_539 = tpu.vector_load %arg7[%swap3A_536, %swap3A_537, %swap3A_538] {strides = array<i32>} : memref<4x128x128xf32, #tpu.memory_space<vmem>>, vector<1x1x16xf32>,
        %swap3A_540 = vector.shape_cast %swap3A_539 : vector<1x1x16xf32> to vector<16xf32>
        %swap3A_541 = vector.shape_cast %get3A_534 : vector<16xf32> to vector<1x1x16xf32>
        tpu.vector_store %arg7[%swap3A_536, %swap3A_537, %swap3A_538], %swap3A_541 {add = true, strides = array<i32>} : memref<4x128x128xf32, #tpu.memory_space<vmem>>, vector<1x1x16xf32>,
        %get3A_542 = arith.index_cast %scan3A_508 : i32 to index
        %get3A_543 = arith.constant 48 : index
        %get3A_544 = tpu.vector_load %arg8[%get3A_542, %get3A_543] {strides = array<i32>} : memref<128x128xf32, #tpu.memory_space<vmem>>, vector<1x16xf32>,
        %get3A_545 = vector.shape_cast %get3A_544 : vector<1x16xf32> to vector<16xf32>
        %swap3A_546 = arith.constant 3 : i32
        %swap3A_547 = arith.index_cast %swap3A_546 : i32 to index
        %swap3A_548 = arith.index_cast %scan3A_508 : i32 to index
        %swap3A_549 = arith.constant 48 : index
        %swap3A_550 = tpu.vector_load %arg7[%swap3A_547, %swap3A_548, %swap3A_549] {strides = array<i32>} : memref<4x128x128xf32, #tpu.memory_space<vmem>>, vector<1x1x16xf32>,
        %swap3A_551 = vector.shape_cast %swap3A_550 : vector<1x1x16xf32> to vector<16xf32>
        %swap3A_552 = vector.shape_cast %get3A_545 : vector<16xf32> to vector<1x1x16xf32>
        tpu.vector_store %arg7[%swap3A_547, %swap3A_548, %swap3A_549], %swap3A_552 {add = true, strides = array<i32>} : memref<4x128x128xf32, #tpu.memory_space<vmem>>, vector<1x1x16xf32>,
        %get3A_553 = arith.index_cast %scan3A_508 : i32 to index
        %get3A_554 = arith.constant 64 : index
        %get3A_555 = tpu.vector_load %arg8[%get3A_553, %get3A_554] {strides = array<i32>} : memref<128x128xf32, #tpu.memory_space<vmem>>, vector<1x16xf32>,
        %get3A_556 = vector.shape_cast %get3A_555 : vector<1x16xf32> to vector<16xf32>
        %swap3A_557 = arith.constant 3 : i32
        %swap3A_558 = arith.index_cast %swap3A_557 : i32 to index
        %swap3A_559 = arith.index_cast %scan3A_508 : i32 to index
        %swap3A_560 = arith.constant 64 : index
        %swap3A_561 = tpu.vector_load %arg7[%swap3A_558, %swap3A_559, %swap3A_560] {strides = array<i32>} : memref<4x128x128xf32, #tpu.memory_space<vmem>>, vector<1x1x16xf32>,
        %swap3A_562 = vector.shape_cast %swap3A_561 : vector<1x1x16xf32> to vector<16xf32>
        %swap3A_563 = vector.shape_cast %get3A_556 : vector<16xf32> to vector<1x1x16xf32>
        tpu.vector_store %arg7[%swap3A_558, %swap3A_559, %swap3A_560], %swap3A_563 {add = true, strides = array<i32>} : memref<4x128x128xf32, #tpu.memory_space<vmem>>, vector<1x1x16xf32>,
        %get3A_564 = arith.index_cast %scan3A_508 : i32 to index
        %get3A_565 = arith.constant 80 : index
        %get3A_566 = tpu.vector_load %arg8[%get3A_564, %get3A_565] {strides = array<i32>} : memref<128x128xf32, #tpu.memory_space<vmem>>, vector<1x16xf32>,
        %get3A_567 = vector.shape_cast %get3A_566 : vector<1x16xf32> to vector<16xf32>
        %swap3A_568 = arith.constant 3 : i32
        %swap3A_569 = arith.index_cast %swap3A_568 : i32 to index
        %swap3A_570 = arith.index_cast %scan3A_508 : i32 to index
        %swap3A_571 = arith.constant 80 : index
        %swap3A_572 = tpu.vector_load %arg7[%swap3A_569, %swap3A_570, %swap3A_571] {strides = array<i32>} : memref<4x128x128xf32, #tpu.memory_space<vmem>>, vector<1x1x16xf32>,
        %swap3A_573 = vector.shape_cast %swap3A_572 : vector<1x1x16xf32> to vector<16xf32>
        %swap3A_574 = vector.shape_cast %get3A_567 : vector<16xf32> to vector<1x1x16xf32>
        tpu.vector_store %arg7[%swap3A_569, %swap3A_570, %swap3A_571], %swap3A_574 {add = true, strides = array<i32>} : memref<4x128x128xf32, #tpu.memory_space<vmem>>, vector<1x1x16xf32>,
        %get3A_575 = arith.index_cast %scan3A_508 : i32 to index
        %get3A_576 = arith.constant 96 : index
        %get3A_577 = tpu.vector_load %arg8[%get3A_575, %get3A_576] {strides = array<i32>} : memref<128x128xf32, #tpu.memory_space<vmem>>, vector<1x16xf32>,
        %get3A_578 = vector.shape_cast %get3A_577 : vector<1x16xf32> to vector<16xf32>
        %swap3A_579 = arith.constant 3 : i32
        %swap3A_580 = arith.index_cast %swap3A_579 : i32 to index
        %swap3A_581 = arith.index_cast %scan3A_508 : i32 to index
        %swap3A_582 = arith.constant 96 : index
        %swap3A_583 = tpu.vector_load %arg7[%swap3A_580, %swap3A_581, %swap3A_582] {strides = array<i32>} : memref<4x128x128xf32, #tpu.memory_space<vmem>>, vector<1x1x16xf32>,
        %swap3A_584 = vector.shape_cast %swap3A_583 : vector<1x1x16xf32> to vector<16xf32>
        %swap3A_585 = vector.shape_cast %get3A_578 : vector<16xf32> to vector<1x1x16xf32>
        tpu.vector_store %arg7[%swap3A_580, %swap3A_581, %swap3A_582], %swap3A_585 {add = true, strides = array<i32>} : memref<4x128x128xf32, #tpu.memory_space<vmem>>, vector<1x1x16xf32>,
        %get3A_586 = arith.index_cast %scan3A_508 : i32 to index
        %get3A_587 = arith.constant 112 : index
        %get3A_588 = tpu.vector_load %arg8[%get3A_586, %get3A_587] {strides = array<i32>} : memref<128x128xf32, #tpu.memory_space<vmem>>, vector<1x16xf32>,
        %get3A_589 = vector.shape_cast %get3A_588 : vector<1x16xf32> to vector<16xf32>
        %swap3A_590 = arith.constant 3 : i32
        %swap3A_591 = arith.index_cast %swap3A_590 : i32 to index
        %swap3A_592 = arith.index_cast %scan3A_508 : i32 to index
        %swap3A_593 = arith.constant 112 : index
        %swap3A_594 = tpu.vector_load %arg7[%swap3A_591, %swap3A_592, %swap3A_593] {strides = array<i32>} : memref<4x128x128xf32, #tpu.memory_space<vmem>>, vector<1x1x16xf32>,
        %swap3A_595 = vector.shape_cast %swap3A_594 : vector<1x1x16xf32> to vector<16xf32>
        %swap3A_596 = vector.shape_cast %get3A_589 : vector<16xf32> to vector<1x1x16xf32>
        tpu.vector_store %arg7[%swap3A_591, %swap3A_592, %swap3A_593], %swap3A_596 {add = true, strides = array<i32>} : memref<4x128x128xf32, #tpu.memory_space<vmem>>, vector<1x1x16xf32>,
        %scan3A_597 = arith.constant 3 : i32
        %scan3A_598 = arith.addi %scan3A_330, %scan3A_597 : i32
        %get3A_599 = arith.index_cast %scan3A_598 : i32 to index
        %get3A_600 = arith.constant 0 : index
        %get3A_601 = tpu.vector_load %arg8[%get3A_599, %get3A_600] {strides = array<i32>} : memref<128x128xf32, #tpu.memory_space<vmem>>, vector<1x16xf32>,
        %get3A_602 = vector.shape_cast %get3A_601 : vector<1x16xf32> to vector<16xf32>
        %swap3A_603 = arith.constant 3 : i32
        %swap3A_604 = arith.index_cast %swap3A_603 : i32 to index
        %swap3A_605 = arith.index_cast %scan3A_598 : i32 to index
        %swap3A_606 = arith.constant 0 : index
        %swap3A_607 = tpu.vector_load %arg7[%swap3A_604, %swap3A_605, %swap3A_606] {strides = array<i32>} : memref<4x128x128xf32, #tpu.memory_space<vmem>>, vector<1x1x16xf32>,
        %swap3A_608 = vector.shape_cast %swap3A_607 : vector<1x1x16xf32> to vector<16xf32>
        %swap3A_609 = vector.shape_cast %get3A_602 : vector<16xf32> to vector<1x1x16xf32>
        tpu.vector_store %arg7[%swap3A_604, %swap3A_605, %swap3A_606], %swap3A_609 {add = true, strides = array<i32>} : memref<4x128x128xf32, #tpu.memory_space<vmem>>, vector<1x1x16xf32>,
        %get3A_610 = arith.index_cast %scan3A_598 : i32 to index
        %get3A_611 = arith.constant 16 : index
        %get3A_612 = tpu.vector_load %arg8[%get3A_610, %get3A_611] {strides = array<i32>} : memref<128x128xf32, #tpu.memory_space<vmem>>, vector<1x16xf32>,
        %get3A_613 = vector.shape_cast %get3A_612 : vector<1x16xf32> to vector<16xf32>
        %swap3A_614 = arith.constant 3 : i32
        %swap3A_615 = arith.index_cast %swap3A_614 : i32 to index
        %swap3A_616 = arith.index_cast %scan3A_598 : i32 to index
        %swap3A_617 = arith.constant 16 : index
        %swap3A_618 = tpu.vector_load %arg7[%swap3A_615, %swap3A_616, %swap3A_617] {strides = array<i32>} : memref<4x128x128xf32, #tpu.memory_space<vmem>>, vector<1x1x16xf32>,
        %swap3A_619 = vector.shape_cast %swap3A_618 : vector<1x1x16xf32> to vector<16xf32>
        %swap3A_620 = vector.shape_cast %get3A_613 : vector<16xf32> to vector<1x1x16xf32>
        tpu.vector_store %arg7[%swap3A_615, %swap3A_616, %swap3A_617], %swap3A_620 {add = true, strides = array<i32>} : memref<4x128x128xf32, #tpu.memory_space<vmem>>, vector<1x1x16xf32>,
        %get3A_621 = arith.index_cast %scan3A_598 : i32 to index
        %get3A_622 = arith.constant 32 : index
        %get3A_623 = tpu.vector_load %arg8[%get3A_621, %get3A_622] {strides = array<i32>} : memref<128x128xf32, #tpu.memory_space<vmem>>, vector<1x16xf32>,
        %get3A_624 = vector.shape_cast %get3A_623 : vector<1x16xf32> to vector<16xf32>
        %swap3A_625 = arith.constant 3 : i32
        %swap3A_626 = arith.index_cast %swap3A_625 : i32 to index
        %swap3A_627 = arith.index_cast %scan3A_598 : i32 to index
        %swap3A_628 = arith.constant 32 : index
        %swap3A_629 = tpu.vector_load %arg7[%swap3A_626, %swap3A_627, %swap3A_628] {strides = array<i32>} : memref<4x128x128xf32, #tpu.memory_space<vmem>>, vector<1x1x16xf32>,
        %swap3A_630 = vector.shape_cast %swap3A_629 : vector<1x1x16xf32> to vector<16xf32>
        %swap3A_631 = vector.shape_cast %get3A_624 : vector<16xf32> to vector<1x1x16xf32>
        tpu.vector_store %arg7[%swap3A_626, %swap3A_627, %swap3A_628], %swap3A_631 {add = true, strides = array<i32>} : memref<4x128x128xf32, #tpu.memory_space<vmem>>, vector<1x1x16xf32>,
        %get3A_632 = arith.index_cast %scan3A_598 : i32 to index
        %get3A_633 = arith.constant 48 : index
        %get3A_634 = tpu.vector_load %arg8[%get3A_632, %get3A_633] {strides = array<i32>} : memref<128x128xf32, #tpu.memory_space<vmem>>, vector<1x16xf32>,
        %get3A_635 = vector.shape_cast %get3A_634 : vector<1x16xf32> to vector<16xf32>
        %swap3A_636 = arith.constant 3 : i32
        %swap3A_637 = arith.index_cast %swap3A_636 : i32 to index
        %swap3A_638 = arith.index_cast %scan3A_598 : i32 to index
        %swap3A_639 = arith.constant 48 : index
        %swap3A_640 = tpu.vector_load %arg7[%swap3A_637, %swap3A_638, %swap3A_639] {strides = array<i32>} : memref<4x128x128xf32, #tpu.memory_space<vmem>>, vector<1x1x16xf32>,
        %swap3A_641 = vector.shape_cast %swap3A_640 : vector<1x1x16xf32> to vector<16xf32>
        %swap3A_642 = vector.shape_cast %get3A_635 : vector<16xf32> to vector<1x1x16xf32>
        tpu.vector_store %arg7[%swap3A_637, %swap3A_638, %swap3A_639], %swap3A_642 {add = true, strides = array<i32>} : memref<4x128x128xf32, #tpu.memory_space<vmem>>, vector<1x1x16xf32>,
        %get3A_643 = arith.index_cast %scan3A_598 : i32 to index
        %get3A_644 = arith.constant 64 : index
        %get3A_645 = tpu.vector_load %arg8[%get3A_643, %get3A_644] {strides = array<i32>} : memref<128x128xf32, #tpu.memory_space<vmem>>, vector<1x16xf32>,
        %get3A_646 = vector.shape_cast %get3A_645 : vector<1x16xf32> to vector<16xf32>
        %swap3A_647 = arith.constant 3 : i32
        %swap3A_648 = arith.index_cast %swap3A_647 : i32 to index
        %swap3A_649 = arith.index_cast %scan3A_598 : i32 to index
        %swap3A_650 = arith.constant 64 : index
        %swap3A_651 = tpu.vector_load %arg7[%swap3A_648, %swap3A_649, %swap3A_650] {strides = array<i32>} : memref<4x128x128xf32, #tpu.memory_space<vmem>>, vector<1x1x16xf32>,
        %swap3A_652 = vector.shape_cast %swap3A_651 : vector<1x1x16xf32> to vector<16xf32>
        %swap3A_653 = vector.shape_cast %get3A_646 : vector<16xf32> to vector<1x1x16xf32>
        tpu.vector_store %arg7[%swap3A_648, %swap3A_649, %swap3A_650], %swap3A_653 {add = true, strides = array<i32>} : memref<4x128x128xf32, #tpu.memory_space<vmem>>, vector<1x1x16xf32>,
        %get3A_654 = arith.index_cast %scan3A_598 : i32 to index
        %get3A_655 = arith.constant 80 : index
        %get3A_656 = tpu.vector_load %arg8[%get3A_654, %get3A_655] {strides = array<i32>} : memref<128x128xf32, #tpu.memory_space<vmem>>, vector<1x16xf32>,
        %get3A_657 = vector.shape_cast %get3A_656 : vector<1x16xf32> to vector<16xf32>
        %swap3A_658 = arith.constant 3 : i32
        %swap3A_659 = arith.index_cast %swap3A_658 : i32 to index
        %swap3A_660 = arith.index_cast %scan3A_598 : i32 to index
        %swap3A_661 = arith.constant 80 : index
        %swap3A_662 = tpu.vector_load %arg7[%swap3A_659, %swap3A_660, %swap3A_661] {strides = array<i32>} : memref<4x128x128xf32, #tpu.memory_space<vmem>>, vector<1x1x16xf32>,
        %swap3A_663 = vector.shape_cast %swap3A_662 : vector<1x1x16xf32> to vector<16xf32>
        %swap3A_664 = vector.shape_cast %get3A_657 : vector<16xf32> to vector<1x1x16xf32>
        tpu.vector_store %arg7[%swap3A_659, %swap3A_660, %swap3A_661], %swap3A_664 {add = true, strides = array<i32>} : memref<4x128x128xf32, #tpu.memory_space<vmem>>, vector<1x1x16xf32>,
        %get3A_665 = arith.index_cast %scan3A_598 : i32 to index
        %get3A_666 = arith.constant 96 : index
        %get3A_667 = tpu.vector_load %arg8[%get3A_665, %get3A_666] {strides = array<i32>} : memref<128x128xf32, #tpu.memory_space<vmem>>, vector<1x16xf32>,
        %get3A_668 = vector.shape_cast %get3A_667 : vector<1x16xf32> to vector<16xf32>
        %swap3A_669 = arith.constant 3 : i32
        %swap3A_670 = arith.index_cast %swap3A_669 : i32 to index
        %swap3A_671 = arith.index_cast %scan3A_598 : i32 to index
        %swap3A_672 = arith.constant 96 : index
        %swap3A_673 = tpu.vector_load %arg7[%swap3A_670, %swap3A_671, %swap3A_672] {strides = array<i32>} : memref<4x128x128xf32, #tpu.memory_space<vmem>>, vector<1x1x16xf32>,
        %swap3A_674 = vector.shape_cast %swap3A_673 : vector<1x1x16xf32> to vector<16xf32>
        %swap3A_675 = vector.shape_cast %get3A_668 : vector<16xf32> to vector<1x1x16xf32>
        tpu.vector_store %arg7[%swap3A_670, %swap3A_671, %swap3A_672], %swap3A_675 {add = true, strides = array<i32>} : memref<4x128x128xf32, #tpu.memory_space<vmem>>, vector<1x1x16xf32>,
        %get3A_676 = arith.index_cast %scan3A_598 : i32 to index
        %get3A_677 = arith.constant 112 : index
        %get3A_678 = tpu.vector_load %arg8[%get3A_676, %get3A_677] {strides = array<i32>} : memref<128x128xf32, #tpu.memory_space<vmem>>, vector<1x16xf32>,
        %get3A_679 = vector.shape_cast %get3A_678 : vector<1x16xf32> to vector<16xf32>
        %swap3A_680 = arith.constant 3 : i32
        %swap3A_681 = arith.index_cast %swap3A_680 : i32 to index
        %swap3A_682 = arith.index_cast %scan3A_598 : i32 to index
        %swap3A_683 = arith.constant 112 : index
        %swap3A_684 = tpu.vector_load %arg7[%swap3A_681, %swap3A_682, %swap3A_683] {strides = array<i32>} : memref<4x128x128xf32, #tpu.memory_space<vmem>>, vector<1x1x16xf32>,
        %swap3A_685 = vector.shape_cast %swap3A_684 : vector<1x1x16xf32> to vector<16xf32>
        %swap3A_686 = vector.shape_cast %get3A_679 : vector<16xf32> to vector<1x1x16xf32>
        tpu.vector_store %arg7[%swap3A_681, %swap3A_682, %swap3A_683], %swap3A_686 {add = true, strides = array<i32>} : memref<4x128x128xf32, #tpu.memory_space<vmem>>, vector<1x1x16xf32>,
      }
      %scan3A_308 = arith.constant 128 : i32
      %mul3A_309 = arith.constant 128 : i32
      %mul3A_310 = arith.muli %add3A, %mul3A_309 : i32
      %add3A_311 = arith.addi %mul3A_310, %add3A_281 : i32
      %mul3A_312 = arith.constant 128 : i32
      %mul3A_313 = arith.muli %add3A_311, %mul3A_312 : i32
      %dma_start3A_314 = arith.constant 3 : i32
      %dma_start3A_315 = arith.constant 3 : i32
      %dma_start3A_316 = arith.constant 0 : i32
      %dma_start3A_317 = arith.constant 0 : i32
      %dma_start3A_318 = tpu.memref_slice %arg7[%dma_start3A_314, %dma_start3A_316, %dma_start3A_317] : memref<4x128x128xf32, #tpu.memory_space<vmem>> -> memref<1x128x128xf32, #tpu.memory_space<vmem>>
      %dma_start3A_319 = tpu.memref_squeeze %dma_start3A_318 : memref<1x128x128xf32, #tpu.memory_space<vmem>> -> memref<128x128xf32, #tpu.memory_space<vmem>>
      %dma_start3A_320 = arith.constant 0 : i32
      %dma_start3A_321 = tpu.memref_slice %arg5[%mul3A_313, %dma_start3A_320] : memref<524288x128xf32, #tpu.memory_space<hbm>> -> memref<128x128xf32, #tpu.memory_space<hbm>>
      %dma_start3A_322 = tpu.memref_slice %arg10[%dma_start3A_315] : memref<4x!tpu.dma_semaphore, #tpu.memory_space<semaphore_mem>> -> memref<1x!tpu.dma_semaphore, #tpu.memory_space<semaphore_mem>>
      %dma_start3A_323 = tpu.memref_squeeze %dma_start3A_322 : memref<1x!tpu.dma_semaphore, #tpu.memory_space<semaphore_mem>> -> memref<!tpu.dma_semaphore, #tpu.memory_space<semaphore_mem>>
      %dma_start3A_324 = arith.constant 0 : i32
      %dma_start3A_325 = tpu.memref_slice %arg5[%mul3A_313, %dma_start3A_324] : memref<524288x128xf32, #tpu.memory_space<hbm>> -> memref<128x128xf32, #tpu.memory_space<hbm>>
      %dma_start3A_326 = arith.constant 0 : i32
      %dma_start3A_327 = arith.constant 0 : i32
      %dma_start3A_328 = tpu.memref_slice %arg7[%dma_start3A_314, %dma_start3A_326, %dma_start3A_327] : memref<4x128x128xf32, #tpu.memory_space<vmem>> -> memref<1x128x128xf32, #tpu.memory_space<vmem>>
      %dma_start3A_329 = tpu.memref_squeeze %dma_start3A_328 : memref<1x128x128xf32, #tpu.memory_space<vmem>> -> memref<128x128xf32, #tpu.memory_space<vmem>>
      tpu.enqueue_dma source(%dma_start3A_329 : memref<128x128xf32, #tpu.memory_space<vmem>>) target(%dma_start3A_325 : memref<128x128xf32, #tpu.memory_space<hbm>>) target_semaphore(%dma_start3A_323 : memref<!tpu.dma_semaphore, #tpu.memory_space<semaphore_mem>>)
    }
    %scan3A_36 = arith.constant 32 : i32
    %mul3A_37 = arith.constant 128 : i32
    %mul3A_38 = arith.muli %add3A, %mul3A_37 : i32
    %add3A_39 = arith.constant 124 : i32
    %add3A_40 = arith.addi %mul3A_38, %add3A_39 : i32
    %mul3A_41 = arith.constant 128 : i32
    %mul3A_42 = arith.muli %add3A_40, %mul3A_41 : i32
    %dma_wait3A = arith.constant 0 : i32
    %dma_wait3A_43 = arith.constant 0 : i32
    %dma_wait3A_44 = arith.constant 0 : i32
    %dma_wait3A_45 = arith.constant 0 : i32
    %dma_wait3A_46 = tpu.memref_slice %arg7[%dma_wait3A, %dma_wait3A_44, %dma_wait3A_45] : memref<4x128x128xf32, #tpu.memory_space<vmem>> -> memref<1x128x128xf32, #tpu.memory_space<vmem>>
    %dma_wait3A_47 = tpu.memref_squeeze %dma_wait3A_46 : memref<1x128x128xf32, #tpu.memory_space<vmem>> -> memref<128x128xf32, #tpu.memory_space<vmem>>
    %dma_wait3A_48 = arith.constant 0 : i32
    %dma_wait3A_49 = tpu.memref_slice %arg5[%mul3A_42, %dma_wait3A_48] : memref<524288x128xf32, #tpu.memory_space<hbm>> -> memref<128x128xf32, #tpu.memory_space<hbm>>
    %dma_wait3A_50 = tpu.memref_slice %arg10[%dma_wait3A_43] : memref<4x!tpu.dma_semaphore, #tpu.memory_space<semaphore_mem>> -> memref<1x!tpu.dma_semaphore, #tpu.memory_space<semaphore_mem>>
    %dma_wait3A_51 = tpu.memref_squeeze %dma_wait3A_50 : memref<1x!tpu.dma_semaphore, #tpu.memory_space<semaphore_mem>> -> memref<!tpu.dma_semaphore, #tpu.memory_space<semaphore_mem>>
    %dma_wait3A_52 = arith.constant 0 : i32
    %dma_wait3A_53 = tpu.memref_slice %arg5[%mul3A_42, %dma_wait3A_52] : memref<524288x128xf32, #tpu.memory_space<hbm>> -> memref<128x128xf32, #tpu.memory_space<hbm>>
    %dma_wait3A_54 = arith.constant 0 : i32
    %dma_wait3A_55 = arith.constant 0 : i32
    %dma_wait3A_56 = tpu.memref_slice %arg7[%dma_wait3A, %dma_wait3A_54, %dma_wait3A_55] : memref<4x128x128xf32, #tpu.memory_space<vmem>> -> memref<1x128x128xf32, #tpu.memory_space<vmem>>
    %dma_wait3A_57 = tpu.memref_squeeze %dma_wait3A_56 : memref<1x128x128xf32, #tpu.memory_space<vmem>> -> memref<128x128xf32, #tpu.memory_space<vmem>>
    tpu.wait_dma2 semaphore(%dma_wait3A_51 : memref<!tpu.dma_semaphore, #tpu.memory_space<semaphore_mem>>) src(%dma_wait3A_57 : memref<128x128xf32, #tpu.memory_space<vmem>>) dst(%dma_wait3A_53 : memref<128x128xf32, #tpu.memory_space<hbm>>)
    %mul3A_58 = arith.constant 128 : i32
    %mul3A_59 = arith.muli %add3A, %mul3A_58 : i32
    %add3A_60 = arith.constant 125 : i32
    %add3A_61 = arith.addi %mul3A_59, %add3A_60 : i32
    %mul3A_62 = arith.constant 128 : i32
    %mul3A_63 = arith.muli %add3A_61, %mul3A_62 : i32
    %dma_wait3A_64 = arith.constant 1 : i32
    %dma_wait3A_65 = arith.constant 1 : i32
    %dma_wait3A_66 = arith.constant 0 : i32
    %dma_wait3A_67 = arith.constant 0 : i32
    %dma_wait3A_68 = tpu.memref_slice %arg7[%dma_wait3A_64, %dma_wait3A_66, %dma_wait3A_67] : memref<4x128x128xf32, #tpu.memory_space<vmem>> -> memref<1x128x128xf32, #tpu.memory_space<vmem>>
    %dma_wait3A_69 = tpu.memref_squeeze %dma_wait3A_68 : memref<1x128x128xf32, #tpu.memory_space<vmem>> -> memref<128x128xf32, #tpu.memory_space<vmem>>
    %dma_wait3A_70 = arith.constant 0 : i32
    %dma_wait3A_71 = tpu.memref_slice %arg5[%mul3A_63, %dma_wait3A_70] : memref<524288x128xf32, #tpu.memory_space<hbm>> -> memref<128x128xf32, #tpu.memory_space<hbm>>
    %dma_wait3A_72 = tpu.memref_slice %arg10[%dma_wait3A_65] : memref<4x!tpu.dma_semaphore, #tpu.memory_space<semaphore_mem>> -> memref<1x!tpu.dma_semaphore, #tpu.memory_space<semaphore_mem>>
    %dma_wait3A_73 = tpu.memref_squeeze %dma_wait3A_72 : memref<1x!tpu.dma_semaphore, #tpu.memory_space<semaphore_mem>> -> memref<!tpu.dma_semaphore, #tpu.memory_space<semaphore_mem>>
    %dma_wait3A_74 = arith.constant 0 : i32
    %dma_wait3A_75 = tpu.memref_slice %arg5[%mul3A_63, %dma_wait3A_74] : memref<524288x128xf32, #tpu.memory_space<hbm>> -> memref<128x128xf32, #tpu.memory_space<hbm>>
    %dma_wait3A_76 = arith.constant 0 : i32
    %dma_wait3A_77 = arith.constant 0 : i32
    %dma_wait3A_78 = tpu.memref_slice %arg7[%dma_wait3A_64, %dma_wait3A_76, %dma_wait3A_77] : memref<4x128x128xf32, #tpu.memory_space<vmem>> -> memref<1x128x128xf32, #tpu.memory_space<vmem>>
    %dma_wait3A_79 = tpu.memref_squeeze %dma_wait3A_78 : memref<1x128x128xf32, #tpu.memory_space<vmem>> -> memref<128x128xf32, #tpu.memory_space<vmem>>
    tpu.wait_dma2 semaphore(%dma_wait3A_73 : memref<!tpu.dma_semaphore, #tpu.memory_space<semaphore_mem>>) src(%dma_wait3A_79 : memref<128x128xf32, #tpu.memory_space<vmem>>) dst(%dma_wait3A_75 : memref<128x128xf32, #tpu.memory_space<hbm>>)
    %mul3A_80 = arith.constant 128 : i32
    %mul3A_81 = arith.muli %add3A, %mul3A_80 : i32
    %add3A_82 = arith.constant 126 : i32
    %add3A_83 = arith.addi %mul3A_81, %add3A_82 : i32
    %mul3A_84 = arith.constant 128 : i32
    %mul3A_85 = arith.muli %add3A_83, %mul3A_84 : i32
    %dma_wait3A_86 = arith.constant 2 : i32
    %dma_wait3A_87 = arith.constant 2 : i32
    %dma_wait3A_88 = arith.constant 0 : i32
    %dma_wait3A_89 = arith.constant 0 : i32
    %dma_wait3A_90 = tpu.memref_slice %arg7[%dma_wait3A_86, %dma_wait3A_88, %dma_wait3A_89] : memref<4x128x128xf32, #tpu.memory_space<vmem>> -> memref<1x128x128xf32, #tpu.memory_space<vmem>>
    %dma_wait3A_91 = tpu.memref_squeeze %dma_wait3A_90 : memref<1x128x128xf32, #tpu.memory_space<vmem>> -> memref<128x128xf32, #tpu.memory_space<vmem>>
    %dma_wait3A_92 = arith.constant 0 : i32
    %dma_wait3A_93 = tpu.memref_slice %arg5[%mul3A_85, %dma_wait3A_92] : memref<524288x128xf32, #tpu.memory_space<hbm>> -> memref<128x128xf32, #tpu.memory_space<hbm>>
    %dma_wait3A_94 = tpu.memref_slice %arg10[%dma_wait3A_87] : memref<4x!tpu.dma_semaphore, #tpu.memory_space<semaphore_mem>> -> memref<1x!tpu.dma_semaphore, #tpu.memory_space<semaphore_mem>>
    %dma_wait3A_95 = tpu.memref_squeeze %dma_wait3A_94 : memref<1x!tpu.dma_semaphore, #tpu.memory_space<semaphore_mem>> -> memref<!tpu.dma_semaphore, #tpu.memory_space<semaphore_mem>>
    %dma_wait3A_96 = arith.constant 0 : i32
    %dma_wait3A_97 = tpu.memref_slice %arg5[%mul3A_85, %dma_wait3A_96] : memref<524288x128xf32, #tpu.memory_space<hbm>> -> memref<128x128xf32, #tpu.memory_space<hbm>>
    %dma_wait3A_98 = arith.constant 0 : i32
    %dma_wait3A_99 = arith.constant 0 : i32
    %dma_wait3A_100 = tpu.memref_slice %arg7[%dma_wait3A_86, %dma_wait3A_98, %dma_wait3A_99] : memref<4x128x128xf32, #tpu.memory_space<vmem>> -> memref<1x128x128xf32, #tpu.memory_space<vmem>>
    %dma_wait3A_101 = tpu.memref_squeeze %dma_wait3A_100 : memref<1x128x128xf32, #tpu.memory_space<vmem>> -> memref<128x128xf32, #tpu.memory_space<vmem>>
    tpu.wait_dma2 semaphore(%dma_wait3A_95 : memref<!tpu.dma_semaphore, #tpu.memory_space<semaphore_mem>>) src(%dma_wait3A_101 : memref<128x128xf32, #tpu.memory_space<vmem>>) dst(%dma_wait3A_97 : memref<128x128xf32, #tpu.memory_space<hbm>>)
    %mul3A_102 = arith.constant 128 : i32
    %mul3A_103 = arith.muli %add3A, %mul3A_102 : i32
    %add3A_104 = arith.constant 127 : i32
    %add3A_105 = arith.addi %mul3A_103, %add3A_104 : i32
    %mul3A_106 = arith.constant 128 : i32
    %mul3A_107 = arith.muli %add3A_105, %mul3A_106 : i32
    %dma_wait3A_108 = arith.constant 3 : i32
    %dma_wait3A_109 = arith.constant 3 : i32
    %dma_wait3A_110 = arith.constant 0 : i32
    %dma_wait3A_111 = arith.constant 0 : i32
    %dma_wait3A_112 = tpu.memref_slice %arg7[%dma_wait3A_108, %dma_wait3A_110, %dma_wait3A_111] : memref<4x128x128xf32, #tpu.memory_space<vmem>> -> memref<1x128x128xf32, #tpu.memory_space<vmem>>
    %dma_wait3A_113 = tpu.memref_squeeze %dma_wait3A_112 : memref<1x128x128xf32, #tpu.memory_space<vmem>> -> memref<128x128xf32, #tpu.memory_space<vmem>>
    %dma_wait3A_114 = arith.constant 0 : i32
    %dma_wait3A_115 = tpu.memref_slice %arg5[%mul3A_107, %dma_wait3A_114] : memref<524288x128xf32, #tpu.memory_space<hbm>> -> memref<128x128xf32, #tpu.memory_space<hbm>>
    %dma_wait3A_116 = tpu.memref_slice %arg10[%dma_wait3A_109] : memref<4x!tpu.dma_semaphore, #tpu.memory_space<semaphore_mem>> -> memref<1x!tpu.dma_semaphore, #tpu.memory_space<semaphore_mem>>
    %dma_wait3A_117 = tpu.memref_squeeze %dma_wait3A_116 : memref<1x!tpu.dma_semaphore, #tpu.memory_space<semaphore_mem>> -> memref<!tpu.dma_semaphore, #tpu.memory_space<semaphore_mem>>
    %dma_wait3A_118 = arith.constant 0 : i32
    %dma_wait3A_119 = tpu.memref_slice %arg5[%mul3A_107, %dma_wait3A_118] : memref<524288x128xf32, #tpu.memory_space<hbm>> -> memref<128x128xf32, #tpu.memory_space<hbm>>
    %dma_wait3A_120 = arith.constant 0 : i32
    %dma_wait3A_121 = arith.constant 0 : i32
    %dma_wait3A_122 = tpu.memref_slice %arg7[%dma_wait3A_108, %dma_wait3A_120, %dma_wait3A_121] : memref<4x128x128xf32, #tpu.memory_space<vmem>> -> memref<1x128x128xf32, #tpu.memory_space<vmem>>
    %dma_wait3A_123 = tpu.memref_squeeze %dma_wait3A_122 : memref<1x128x128xf32, #tpu.memory_space<vmem>> -> memref<128x128xf32, #tpu.memory_space<vmem>>
    tpu.wait_dma2 semaphore(%dma_wait3A_117 : memref<!tpu.dma_semaphore, #tpu.memory_space<semaphore_mem>>) src(%dma_wait3A_123 : memref<128x128xf32, #tpu.memory_space<vmem>>) dst(%dma_wait3A_119 : memref<128x128xf32, #tpu.memory_space<hbm>>)
    return
  }
}

</mosaic_0001>

<sc_bundles>
// kernel: kernel.3.cloned.1.call-start
scs
__scs_entry_jumppad:
0x0: {  	(pc) =	sbr.rel $0x88, $3  }
0x1: {  	(tag) =	ssettag $0x0;
	lr =	simm.s32 $0x1  }
0x2: {  	[smem:$0x3F9E] =	sst lr;
	_ =	strace $0xD0000000  }
0x3: {  	_ = 	snop  }
0x4: {  	_ = 	snop  }
0x5: {  	_ = 	snop  }
0x6: {  	_ = 	snop  }
0x7: {  	_ = 	snop  }
__scs_overlays_trampoline_lowered:
0x8: {  	[smem:$0x3FAD] =	sst s0  }
0x9: {  	[smem:$0x3FAE] =	sst s1  }
0xa: {  	[smem:$0x3FAF] =	sst s2  }
0xb: {  	[smem:$0x3FB0] =	sst s3  }
0xc: {  	[smem:$0x3FB1] =	sst s4  }
0xd: {  	[smem:$0x3FB2] =	sst s5  }
0xe: {  	[smem:$0x3FB3] =	sst s6  }
0xf: {  	[smem:$0x3FB4] =	sst s7  }
0x10: {  	[smem:$0x3FB5] =	sst s8  }
0x11: {  	[smem:$0x3FB6] =	sst s9;
	s0 =	simm.s32 @!p0 $0x0  }
0x12: {  	s1 =	sld [smem:$0x3F9C];
	s0 =	simm.s32 @p0 $0x1  }
0x13: {  	[smem:$0x3FB7] =	sst s0;
	s0 =	simm.s32 @!p1 $0x0  }
0x14: {  	s2 =	sld [smem:$0x3F9B];
	s0 =	simm.s32 @p1 $0x1  }
0x15: {  	[smem:$0x3FB8] =	sst s0;
	s0 =	simm.s32 @!p2 $0x0  }
0x16: {  	s3 =	sld [smem:$0x3FDB];
	s0 =	simm.s32 @p2 $0x1  }
0x17: {  	s4 =	simm.s32 $0x1BF5;
	[smem:$0x3FBA] =	sst s0  }
0x18: {  	s0 =	sld [smem:$0x3F9D];
	_ =	swait.ge [sflag:s4], $0x0  }
0x19: {  	s7 =	sld [smem:$0x3F9E]  }
0x1a: {  	s8 =	sadd.s32 $0xFFFFE003, lr  }
0x1b: {  	s9 =	sadd.s32 $0xFFFFFEF7, lr;
	s5 =	simm.s32 $0xFFFFFFFF;
	p2 =	slt.u32 s8, $0xFFFFF086  }
0x1c: {  	p1 =	slt.u32 s9, $0xF7A;
	s5 =	simm.s32 @!p2 $0x0  }
0x1d: {  	s5 =	simm.s32 @p1 $0x1;
	p0 =	seq.s32 s7, s2  }
0x1e: {  	s7 =	smul.u32 @!p0 $0xF7A, s2;
	p2 =	seq.s32 @!p0 s5, $0x0  }
0x1f: {  	s9 =	smul.u32 $0xF7A, s1;
	s8 =	simm.s32 @!p0 $0x1BF5;
	p2 =	por !p2, p0  }
0x20: {  	[sflag:s8] =	ssyncset.s32 @!p0 $0xFFFFF086;
	s6 =	sadd.s32 @!p0 s3, s7;
	s7 =	simm.s32 @!p0 $0x108  }
0x21: {  	s3 =	sadd.s32 s3, s9;
	s6 =	sadd.s32 @!p0 $0x88, s6;
	s7 =	simm.s32 @p2 $0x1082  }
0x22: {  	[simem:s7], [sflag:s8] =	dma.local @!p0 [hbm:s6], $0xF7A  }
0x23: {  	s9 =	sor.u32 $0xD0000000, s2;
	s6 =	simm.s32 $0x108;
	_ =	swait.ge @!p0 [sflag:s8], $0x0  }
0x24: {  	s3 =	sadd.s32 $0x88, s3;
	s6 =	simm.s32 @!p1 $0x1082;
	[sflag:s4] =	ssyncset.s32 $0xFFFFF086  }
0x25: {  	[simem:s6], [sflag:s4] =	dma.local [hbm:s3], $0xF7A  }
0x26: {  	[smem:$0x3F9E] =	sst s1;
	(tag) =	ssettag s2;
	_ =	strace s9  }
0x27: {  	s1 =	sld [smem:$0x3FAE]  }
0x28: {  	s2 =	sld [smem:$0x3FAF]  }
0x29: {  	s4 =	sld [smem:$0x3FB1]  }
0x2a: {  	p0 =	seq.s32 s5, $0x0;
	s5 =	sld [smem:$0x3FB2]  }
0x2b: {  	s6 =	sld [smem:$0x3FB3]  }
0x2c: {  	s7 =	sld [smem:$0x3FB4]  }
0x2d: {  	s3 =	simm.s32 $0x108;
	s8 =	sld [smem:$0x3FB5]  }
0x2e: {  	s3 =	simm.s32 @!p0 $0x1082;
	s9 =	sld [smem:$0x3FB6]  }
0x2f: {  	lr =	sadd.s32 s0, s3;
	s0 =	sld [smem:$0x3FAD]  }
0x30: {  	s3 =	sld [smem:$0x3FB0]  }
0x31: {  	[smem:$0x3FB9] =	sst s10  }
0x32: {  	s10 =	sld [smem:$0x3FB7];
	_ =	sdelay $0x3  }
0x33: {  	p0 =	seq.s32 s10, $0x1;
	s10 =	sld [smem:$0x3FB9];
	_ =	sdelay $0x3  }
0x34: {  	[smem:$0x3FB9] =	sst s10  }
0x35: {  	s10 =	sld [smem:$0x3FB8];
	_ =	sdelay $0x3  }
0x36: {  	p1 =	seq.s32 s10, $0x1;
	s10 =	sld [smem:$0x3FB9];
	_ =	sdelay $0x3  }
0x37: {  	[smem:$0x3FB9] =	sst s10  }
0x38: {  	s10 =	sld [smem:$0x3FBA]  }
0x39: {  	_ = 	snop;
	(pc) =	sbr.ind lr, $3  }
0x3a: {  	_ = 	snop  }
0x3b: {  	_ = 	snop  }
0x3c: {  	p2 =	seq.s32 s10, $0x1;
	s10 =	sld [smem:$0x3FB9]  }
0x3d: {  	_ =	shalt  }
0x3e: {  	_ =	shalt  }
0x3f: {  	_ =	shalt  }
0x40: {  	_ =	shalt  }
0x41: {  	_ =	shalt  }
0x42: {  	_ =	shalt  }
0x43: {  	_ =	shalt  }
0x44: {  	_ =	shalt  }
0x45: {  	_ =	shalt  }
0x46: {  	_ =	shalt  }
0x47: {  	_ =	shalt  }
0x48: {  	_ =	shalt  }
0x49: {  	_ =	shalt  }
0x4a: {  	_ =	shalt  }
0x4b: {  	_ =	shalt  }
0x4c: {  	_ =	shalt  }
0x4d: {  	_ =	shalt  }
0x4e: {  	_ =	shalt  }
0x4f: {  	_ =	shalt  }
0x50: {  	_ =	shalt  }
0x51: {  	_ =	shalt  }
0x52: {  	_ =	shalt  }
0x53: {  	_ =	shalt  }
0x54: {  	_ =	shalt  }
0x55: {  	_ =	shalt  }
0x56: {  	_ =	shalt  }
0x57: {  	_ =	shalt  }
0x58: {  	_ =	shalt  }
0x59: {  	_ =	shalt  }
0x5a: {  	_ =	shalt  }
0x5b: {  	_ =	shalt  }
0x5c: {  	_ =	shalt  }
0x5d: {  	_ =	shalt  }
0x5e: {  	_ =	shalt  }
0x5f: {  	_ =	shalt  }
0x60: {  	_ =	shalt  }
0x61: {  	_ =	shalt  }
0x62: {  	_ =	shalt  }
0x63: {  	_ =	shalt  }
0x64: {  	_ =	shalt  }
0x65: {  	_ =	shalt  }
0x66: {  	_ =	shalt  }
0x67: {  	_ =	shalt  }
0x68: {  	_ =	shalt  }
0x69: {  	_ =	shalt  }
0x6a: {  	_ =	shalt  }
0x6b: {  	_ =	shalt  }
0x6c: {  	_ =	shalt  }
0x6d: {  	_ =	shalt  }
0x6e: {  	_ =	shalt  }
0x6f: {  	_ =	shalt  }
0x70: {  	_ =	shalt  }
0x71: {  	_ =	shalt  }
0x72: {  	_ =	shalt  }
0x73: {  	_ =	shalt  }
0x74: {  	_ =	shalt  }
0x75: {  	_ =	shalt  }
0x76: {  	_ =	shalt  }
0x77: {  	_ =	shalt  }
0x78: {  	_ =	shalt  }
0x79: {  	_ =	shalt  }
0x7a: {  	_ =	shalt  }
0x7b: {  	_ =	shalt  }
0x7c: {  	_ =	shalt  }
0x7d: {  	_ =	shalt  }
0x7e: {  	_ =	shalt  }
0x7f: {  	_ =	shalt  }
0x80: {  	_ =	shalt  }
0x81: {  	_ =	shalt  }
0x82: {  	_ =	shalt  }
0x83: {  	_ =	shalt  }
0x84: {  	_ =	shalt  }
0x85: {  	_ =	shalt  }
0x86: {  	_ =	shalt  }
0x87: {  	_ =	shalt  }
.Lfunc_end0:
.L_simem_size_0:
called_computation_lowered:
.L_overlay_start_0:
0x88: {  	s2 =	sld [smem:$0x3FD9]  }
0x89: {  	s3 =	sld [smem:$0x3FFE];
	_ =	sdelay $0x1  }
0x8a: {  	s1 =	srdreg.scid  }
0x8b: {  	s0 =	sand.u32 $0x1, s1  }
0x8c: {  	s18 =	sshll.u32 s0, $0xA;
	s2 =	sadd.s32 s3, s2  }
0x8d: {  	s2 =	sadd.s32 s2, s18  }
0x8e: {  	[smem:$0x3FC5] =	sst s2  }
0x8f: {  	_ = 	snop  }
0x90: {  	s2 =	sld [smem:$0x3FC9]  }
0x91: {  	s19 =	sld [smem:$0x3FC8]  }
0x92: {  	s4 =	sld [smem:$0x3FC7]  }
0x93: {  	s5 =	sld [smem:$0x3FD0];
	(tm) =	ssettm $0x1  }
0x94: {  	s6 =	sld [smem:$0x3FFB];
	_ =	sdelay $0x3  }
0x95: {  	_ =	strace s6  }
0x96: {  	s6 =	sld [smem:$0x3FFC];
	_ =	sdelay $0x3  }
0x97: {  	_ =	strace s6  }
0x98: {  	s6 =	sld [smem:$0x3FFD];
	_ =	sdelay $0x3  }
0x99: {  	_ =	strace s6  }
0x9a: {  	_ =	strace $0x8FFFFFFF  }
0x9b: {  	s20 =	sld [smem:$0x3FDB];
	_ =	sdelay $0x1  }
0x9c: {  	s7 =	simm.s32 $_scs_section_size  }
0x9d: {  	s8 =	simm.s32 $_size__tile_overlayer_lowered;
	s9 =	simm.s32 $_tile_overlayer_lowered  }
0x9e: {  	s23 =	simm.s32 $0x1BFF;
	s22 =	sshll.u32 s9, $0x1;
	s6 =	sadd.s32 s7, s20  }
0x9f: {  	s10 =	simm.s32 $0x0;
	s21 =	sshll.u32 s8, $0x1;
	s8 =	sadd.s32 s22, s6  }
0xa0: {  	[timem:s10], [sflag:s23] =	dma.local [hbm:s8], s21  }
0xa1: {  	_ =	swait.ge [sflag:s23], s21  }
0xa2: {  	s7 =	ssub.s32 $0x0, s21;
	[sflag:s23] =	ssyncset.done $0x0  }
0xa3: {  	[sflag:s23] =	ssyncadd.s32 s7;
	_ =	sdelay $0x1  }
0xa4: {  	s24 =	simm.s32 $0x1B8B  }
0xa5: {  	_ =	swait.ge [sflag:s24], $0x1  }
0xa6: {  	[sflag:s24] =	ssyncset.done $0x0  }
0xa7: {  	s25 =	simm.s32 $0x1B8E;
	[sflag:s24] =	ssyncadd.s32 $0xFFFFFFFF  }
0xa8: {  	s26 =	simm.s32 $execute0_lowered;
	[smem:$0x3FD2] =	sst s25  }
0xa9: {  	s7 =	sshll.u32 s26, $0x1;
	_ =	strace $0x80000046;
	[dreg:$0x1] =	wrdreg $0xFFFFFFFF  }
0xaa: {  	s28 =	simm.s32 $_size_execute0_lowered;
	s6 =	sadd.s32 s6, s7;
	[dreg:$0x0] =	wrdreg $0x0  }
0xab: {  	s7 =	sshll.u32 s28, $0x1;
	[dreg:$0x2] =	wrdreg s6  }
0xac: {  	[dreg:$0x3] =	wrdreg s7  }
0xad: {  	[dreg:$0x4] =	wrdreg $0xC0  }
0xae: {  	_ =	task [dreg:s10], $0x5FFFF  }
0xaf: {  	[dreg:$0x1] =	wrdreg $0xFFFFFFFF  }
0xb0: {  	[dreg:$0x0] =	wrdreg $0x60  }
0xb1: {  	[dreg:$0x2] =	wrdreg s2  }
0xb2: {  	[dreg:$0x3] =	wrdreg s19  }
0xb3: {  	[dreg:$0x4] =	wrdreg s4  }
0xb4: {  	[dreg:$0x5] =	wrdreg s5  }
0xb5: {  	[dreg:$0x6] =	wrdreg $0x9  }
0xb6: {  	_ =	task.clear_ibuf [dreg:s10], $0x7FFFF;
	_ =	strace $0x90000046  }
0xb7: {  	s29 =	simm.s32 $0x9;
	_ =	strace $0x80000048  }
0xb8: {  	_ =	swait.ge [sflag:s29], $0x1  }
0xb9: {  	[sflag:s29] =	ssyncadd.s32 $0xFFFFFFFF  }
0xba: {  	_ =	strace $0x90000048  }
0xbb: {  	_ =	sfence  }
0xbc: {  	s30 =	sld [smem:$0x0];
	_ =	sdelay $0x2  }
0xbd: {  	s31 =	sshll.u32 s1, $0xD;
	s1 =	sshrl.u32 s1, $0x2  }
0xbe: {  	s3 =	sand.u32 $0x4000, s31;
	s1 =	sadd.s32 s1, s30  }
0xbf: {  	s0 =	sor.u32 s3, s0;
	s1 =	sshll.u32 s1, $0x11  }
0xc0: {  	s0 =	sor.u32 s1, s0  }
0xc1: {  	s0 =	sadd.s32 $0x8F2B, s0  }
0xc2: {  	[sflag:s0] =	ssyncadd.remote.s32 $0x1  }
0xc3: {  	_ =	sfence.sel $0xFFFF  }
0xc4: {  	[dreg:$0x0] =	wrdreg $0xFFFFFFFF;
	(pc) =	sbr.abs _section_cstart, $3  }
0xc5: {  	[dreg:$0x1] =	wrdreg $0xFFFFFFFF  }
0xc6: {  	_ =	task.clear_ibuf [dreg:s10], $0x2FFFF;
	_ =	strace $0x9FFFFFFF  }
0xc7: {  	(tm) =	ssettm $0x7FFFFFFF  }
tec
execute0_lowered:
.L_overlay_start_1:
0x0: {  	(tag) =	ssettag $0x1  }
0x1: {  	s0 =	rddreg [dreg:$0x0]  }
0x2: {  	s1 =	rddreg [dreg:$0x1]  }
0x3: {  	s2 =	rddreg [dreg:$0x2]  }
0x4: {  	s4 =	rddreg [dreg:$0x3];
	s6 =	srdreg.scid  }
0x5: {  	s5 =	simm.s32 $0x0;
	s3 =	stileid.u32;
	s10 =	simm.s32 $0x14000  }
0x6: {  	s11 =	simm.s32 $0x80;
	s12 =	simm.s32 $0x4000;
	s13 =	simm.s32 $0x8000  }
0x7: {  	s14 =	simm.s32 $0xC000;
	s15 =	simm.s32 $0x1;
	s16 =	simm.s32 $0x10000  }
0x8: {  	s17 =	simm.s32 $0x2;
	s18 =	simm.s32 $0x3;
	s19 =	simm.s32 $0x4  }
0x9: {  	s20 =	simm.s32 $0x5;
	s21 =	simm.s32 $0x6;
	s22 =	simm.s32 $0x7  }
0xa: {  	s23 =	simm.s32 $0x8;
	s24 =	simm.s32 $0x0;
	s6 =	sand.u32 $0x1, s6  }
0xb: {  	s8 =	sshll.u32 s3, $0x8;
	s7 =	ssub.s32 $0x2, s6;
	s6 =	sshll.u32 s6, $0x7  }
0xc: {  	[smem:$0x7FF] =	sst s5;
	s9 =	sshrl.u32 s7, $0x1;
	s6 =	sor.u32 s6, s8  }
0xd: {  	_ =	strace $0x80000047;
	s30 =	ssub.s32 s7, s9;
	s31 =	sshll.u32 s6, $0x4  }
0xe: {  	s9 =	simm.s32 $0x9;
	s7 =	sadd.s32 s0, s31;
	s8 =	smax.u32 s30, $0x1  }
.LBB2_1:
0xf: {  	[tilespmem:s5], [sflag:$0x9] =	stream.linear.gather [hbm4b:s7+s5], $0x4000, $0x38;
	[tilespmem:$0x18000] =	vst v63  }
0x10: {  	_ =	swait.ge [sflag:s9], $0x4000  }
0x11: {  	[sflag:s9] =	ssyncset.done $0x0  }
0x12: {  	[sflag:s9] =	ssyncadd.s32 $0xFFFFC000  }
0x13: {  	[tilespmem:s10], [sflag:$0x9] =	stream.linear.gather [hbm4b:s2+s5], $0x4000, $0x38;
	[tilespmem:$0x18000] =	vst v63  }
0x14: {  	_ =	swait.ge [sflag:s9], $0x4000  }
0x15: {  	[sflag:s9] =	ssyncset.done $0x0  }
0x16: {  	[sflag:s9] =	ssyncadd.s32 $0xFFFFC000  }
0x17: {  	[tilespmem:s12], [sflag:$0x1] =	stream.indirect.gather [hbm4b:s1+s11], $0x80, s5, s11, $0xb8;
	[tilespmem:$0x18000] =	vst v63  }
0x18: {  	s25 =	simm.s32 $0x0  }
0x19: {  	[tilespmem:s13], [sflag:$0x2] =	stream.indirect.gather [hbm4b:s1+s11], $0x80, s11, s11, $0xb8;
	[tilespmem:$0x18000] =	vst v63  }
.LBB2_2:
0x1a: {  	p0 =	seq.s32 s25, $0x0  }
0x1b: {  	s29 =	sshll.u32 s25, $0x2;
	s0 =	simm.s32 @!p0 $0x7  }
0x1c: {  	s26 =	sor.u32 $0x2, s29;
	_ =	swait.ge @!p0 [sflag:s0], $0x4000  }
0x1d: {  	s28 =	sshll.u32 s26, $0x7;
	[sflag:s0] =	ssyncset.done @!p0 $0x0  }
0x1e: {  	[sflag:s0] =	ssyncadd.s32 @!p0 $0xFFFFC000;
	s0 =	sand.u32 $0x3FFFFF80, s28  }
0x1f: {  	[tilespmem:s14], [sflag:$0x3] =	stream.indirect.gather [hbm4b:s1+s11], $0x80, s0, s11, $0xb8;
	[tilespmem:$0x18000] =	vst v63  }
0x20: {  	_ =	swait.ge [sflag:s15], $0x4000  }
0x21: {  	[sflag:s15] =	ssyncset.done $0x0  }
0x22: {  	s28 =	simm.s32 $0x0;
	[sflag:s15] =	ssyncadd.s32 $0xFFFFC000  }
0x23: {  	v0 =	vld [tilespmem:s28+$0x141F0]  }
0x24: {  	v1 =	vld [tilespmem:s28+$0x14000]  }
0x25: {  	v2 =	vld [tilespmem:s28+$0x14010]  }
0x26: {  	v3 =	vld [tilespmem:s28+$0x14020]  }
0x27: {  	v4 =	vld [tilespmem:s28+$0x14030]  }
0x28: {  	v5 =	vld [tilespmem:s28+$0x14040]  }
0x29: {  	v6 =	vld [tilespmem:s28+$0x14050]  }
0x2a: {  	v7 =	vld [tilespmem:s28+$0x14060]  }
0x2b: {  	v8 =	vld [tilespmem:s28+$0x14070]  }
0x2c: {  	v9 =	vld [tilespmem:s28+$0x14080]  }
0x2d: {  	v10 =	vld [tilespmem:s28+$0x14090]  }
0x2e: {  	v11 =	vld [tilespmem:s28+$0x140A0]  }
0x2f: {  	v12 =	vld [tilespmem:s28+$0x140B0]  }
0x30: {  	v13 =	vld [tilespmem:s28+$0x140C0]  }
0x31: {  	v14 =	vld [tilespmem:s28+$0x140D0]  }
0x32: {  	v15 =	vld [tilespmem:s28+$0x140E0]  }
0x33: {  	v16 =	vld [tilespmem:s28+$0x140F0]  }
0x34: {  	v17 =	vld [tilespmem:s28+$0x14100]  }
0x35: {  	v18 =	vld [tilespmem:s28+$0x14110]  }
0x36: {  	v19 =	vld [tilespmem:s28+$0x14120]  }
0x37: {  	v20 =	vld [tilespmem:s28+$0x14130]  }
0x38: {  	v21 =	vld [tilespmem:s28+$0x14140]  }
0x39: {  	v22 =	vld [tilespmem:s28+$0x14150]  }
0x3a: {  	v23 =	vld [tilespmem:s28+$0x14160]  }
0x3b: {  	v24 =	vld [tilespmem:s28+$0x14170]  }
0x3c: {  	v25 =	vld [tilespmem:s28+$0x14180]  }
0x3d: {  	v26 =	vld [tilespmem:s28+$0x14190]  }
0x3e: {  	v27 =	vld [tilespmem:s28+$0x141A0]  }
0x3f: {  	v28 =	vld [tilespmem:s28+$0x141B0]  }
0x40: {  	v29 =	vld [tilespmem:s28+$0x141C0]  }
0x41: {  	v30 =	vld [tilespmem:s28+$0x141D0]  }
0x42: {  	[tilespmem:s28+$0x41F0] =	vst.add.f32.msk $0xffff, v0  }
0x43: {  	v0 =	vld [tilespmem:s28+$0x141E0]  }
0x44: {  	[tilespmem:s28+$0x4000] =	vst.add.f32.msk $0xffff, v1  }
0x45: {  	[tilespmem:s28+$0x4010] =	vst.add.f32.msk $0xffff, v2  }
0x46: {  	[tilespmem:s28+$0x4020] =	vst.add.f32.msk $0xffff, v3  }
0x47: {  	[tilespmem:s28+$0x4030] =	vst.add.f32.msk $0xffff, v4  }
0x48: {  	[tilespmem:s28+$0x4040] =	vst.add.f32.msk $0xffff, v5  }
0x49: {  	[tilespmem:s28+$0x4050] =	vst.add.f32.msk $0xffff, v6  }
0x4a: {  	[tilespmem:s28+$0x4060] =	vst.add.f32.msk $0xffff, v7  }
0x4b: {  	[tilespmem:s28+$0x4070] =	vst.add.f32.msk $0xffff, v8  }
0x4c: {  	[tilespmem:s28+$0x4080] =	vst.add.f32.msk $0xffff, v9  }
0x4d: {  	[tilespmem:s28+$0x4090] =	vst.add.f32.msk $0xffff, v10  }
0x4e: {  	[tilespmem:s28+$0x40A0] =	vst.add.f32.msk $0xffff, v11  }
0x4f: {  	[tilespmem:s28+$0x40B0] =	vst.add.f32.msk $0xffff, v12  }
0x50: {  	[tilespmem:s28+$0x40C0] =	vst.add.f32.msk $0xffff, v13  }
0x51: {  	[tilespmem:s28+$0x40D0] =	vst.add.f32.msk $0xffff, v14  }
0x52: {  	[tilespmem:s28+$0x40E0] =	vst.add.f32.msk $0xffff, v15  }
0x53: {  	[tilespmem:s28+$0x40F0] =	vst.add.f32.msk $0xffff, v16  }
0x54: {  	[tilespmem:s28+$0x4100] =	vst.add.f32.msk $0xffff, v17  }
0x55: {  	[tilespmem:s28+$0x4110] =	vst.add.f32.msk $0xffff, v18  }
0x56: {  	[tilespmem:s28+$0x4120] =	vst.add.f32.msk $0xffff, v19  }
0x57: {  	[tilespmem:s28+$0x4130] =	vst.add.f32.msk $0xffff, v20  }
0x58: {  	[tilespmem:s28+$0x4140] =	vst.add.f32.msk $0xffff, v21  }
0x59: {  	[tilespmem:s28+$0x4150] =	vst.add.f32.msk $0xffff, v22  }
0x5a: {  	[tilespmem:s28+$0x4160] =	vst.add.f32.msk $0xffff, v23  }
0x5b: {  	[tilespmem:s28+$0x4170] =	vst.add.f32.msk $0xffff, v24  }
0x5c: {  	[tilespmem:s28+$0x4180] =	vst.add.f32.msk $0xffff, v25  }
0x5d: {  	[tilespmem:s28+$0x4190] =	vst.add.f32.msk $0xffff, v26  }
0x5e: {  	[tilespmem:s28+$0x41A0] =	vst.add.f32.msk $0xffff, v27  }
0x5f: {  	[tilespmem:s28+$0x41B0] =	vst.add.f32.msk $0xffff, v28  }
0x60: {  	[tilespmem:s28+$0x41C0] =	vst.add.f32.msk $0xffff, v29  }
0x61: {  	s30 =	simm.s32 $0x0;
	s31 =	simm.s32 $0x800;
	[tilespmem:s28+$0x41D0] =	vst.add.f32.msk $0xffff, v30  }
.LBB2_3:
0x62: {  	s30 =	sadd.s32 $0x4, s30;
	[tilespmem:s28+$0x41E0] =	vst.add.f32.msk $0xffff, v0;
	s28 =	sshra.s32 s31, $0x2  }
0x63: {  	v0 =	vld [tilespmem:s28+$0x141F0];
	p1 =	slt.u32 s30, $0x7C  }
0x64: {  	v1 =	vld [tilespmem:s28+$0x14000]  }
0x65: {  	v2 =	vld [tilespmem:s28+$0x14010]  }
0x66: {  	v3 =	vld [tilespmem:s28+$0x14020]  }
0x67: {  	v4 =	vld [tilespmem:s28+$0x14030]  }
0x68: {  	[tilespmem:s28+$0x41F0] =	vst.add.f32.msk $0xffff, v0  }
0x69: {  	v5 =	vld [tilespmem:s28+$0x14040]  }
0x6a: {  	v6 =	vld [tilespmem:s28+$0x14050]  }
0x6b: {  	v7 =	vld [tilespmem:s28+$0x14060]  }
0x6c: {  	v8 =	vld [tilespmem:s28+$0x14070]  }
0x6d: {  	v9 =	vld [tilespmem:s28+$0x14080]  }
0x6e: {  	v10 =	vld [tilespmem:s28+$0x14090]  }
0x6f: {  	v11 =	vld [tilespmem:s28+$0x140A0]  }
0x70: {  	v12 =	vld [tilespmem:s28+$0x140B0]  }
0x71: {  	v13 =	vld [tilespmem:s28+$0x140C0]  }
0x72: {  	v14 =	vld [tilespmem:s28+$0x140D0]  }
0x73: {  	v15 =	vld [tilespmem:s28+$0x140E0]  }
0x74: {  	v16 =	vld [tilespmem:s28+$0x140F0]  }
0x75: {  	v17 =	vld [tilespmem:s28+$0x14100]  }
0x76: {  	v18 =	vld [tilespmem:s28+$0x14110]  }
0x77: {  	v19 =	vld [tilespmem:s28+$0x14120]  }
0x78: {  	v20 =	vld [tilespmem:s28+$0x14130]  }
0x79: {  	v21 =	vld [tilespmem:s28+$0x14140]  }
0x7a: {  	v22 =	vld [tilespmem:s28+$0x14150]  }
0x7b: {  	v23 =	vld [tilespmem:s28+$0x14160]  }
0x7c: {  	v24 =	vld [tilespmem:s28+$0x14170]  }
0x7d: {  	v25 =	vld [tilespmem:s28+$0x14180]  }
0x7e: {  	v26 =	vld [tilespmem:s28+$0x14190]  }
0x7f: {  	v27 =	vld [tilespmem:s28+$0x141A0]  }
0x80: {  	v28 =	vld [tilespmem:s28+$0x141B0]  }
0x81: {  	v29 =	vld [tilespmem:s28+$0x141C0]  }
0x82: {  	v30 =	vld [tilespmem:s28+$0x141D0]  }
0x83: {  	v0 =	vld [tilespmem:s28+$0x141E0]  }
0x84: {  	[tilespmem:s28+$0x4000] =	vst.add.f32.msk $0xffff, v1  }
0x85: {  	[tilespmem:s28+$0x4010] =	vst.add.f32.msk $0xffff, v2  }
0x86: {  	[tilespmem:s28+$0x4020] =	vst.add.f32.msk $0xffff, v3  }
0x87: {  	[tilespmem:s28+$0x4030] =	vst.add.f32.msk $0xffff, v4  }
0x88: {  	[tilespmem:s28+$0x4040] =	vst.add.f32.msk $0xffff, v5  }
0x89: {  	[tilespmem:s28+$0x4050] =	vst.add.f32.msk $0xffff, v6  }
0x8a: {  	[tilespmem:s28+$0x4060] =	vst.add.f32.msk $0xffff, v7  }
0x8b: {  	[tilespmem:s28+$0x4070] =	vst.add.f32.msk $0xffff, v8  }
0x8c: {  	[tilespmem:s28+$0x4080] =	vst.add.f32.msk $0xffff, v9  }
0x8d: {  	[tilespmem:s28+$0x4090] =	vst.add.f32.msk $0xffff, v10  }
0x8e: {  	[tilespmem:s28+$0x40A0] =	vst.add.f32.msk $0xffff, v11  }
0x8f: {  	[tilespmem:s28+$0x40B0] =	vst.add.f32.msk $0xffff, v12  }
0x90: {  	[tilespmem:s28+$0x40C0] =	vst.add.f32.msk $0xffff, v13  }
0x91: {  	[tilespmem:s28+$0x40D0] =	vst.add.f32.msk $0xffff, v14  }
0x92: {  	[tilespmem:s28+$0x40E0] =	vst.add.f32.msk $0xffff, v15  }
0x93: {  	[tilespmem:s28+$0x40F0] =	vst.add.f32.msk $0xffff, v16  }
0x94: {  	[tilespmem:s28+$0x4100] =	vst.add.f32.msk $0xffff, v17  }
0x95: {  	[tilespmem:s28+$0x4110] =	vst.add.f32.msk $0xffff, v18  }
0x96: {  	[tilespmem:s28+$0x4120] =	vst.add.f32.msk $0xffff, v19  }
0x97: {  	[tilespmem:s28+$0x4130] =	vst.add.f32.msk $0xffff, v20  }
0x98: {  	[tilespmem:s28+$0x4140] =	vst.add.f32.msk $0xffff, v21  }
0x99: {  	[tilespmem:s28+$0x4150] =	vst.add.f32.msk $0xffff, v22  }
0x9a: {  	[tilespmem:s28+$0x4160] =	vst.add.f32.msk $0xffff, v23  }
0x9b: {  	[tilespmem:s28+$0x4170] =	vst.add.f32.msk $0xffff, v24  }
0x9c: {  	[tilespmem:s28+$0x4180] =	vst.add.f32.msk $0xffff, v25  }
.Ltmp0:
0x9d: {  	[tilespmem:s28+$0x4190] =	vst.add.f32.msk $0xffff, v26;
	(pc) =	sbr.rel @p1 .LBB2_3-.Ltmp0, $4  }
0x9e: {  	[tilespmem:s28+$0x41A0] =	vst.add.f32.msk $0xffff, v27  }
0x9f: {  	[tilespmem:s28+$0x41B0] =	vst.add.f32.msk $0xffff, v28  }
0xa0: {  	[tilespmem:s28+$0x41C0] =	vst.add.f32.msk $0xffff, v29  }
0xa1: {  	s31 =	sadd.s32 $0x800, s31;
	[tilespmem:s28+$0x41D0] =	vst.add.f32.msk $0xffff, v30  }
0xa2: {  	s0 =	sadd.s32 s6, s29  }
0xa3: {  	s0 =	sshll.u32 s0, $0xB  }
0xa4: {  	[tilespmem:s28+$0x41E0] =	vst.add.f32.msk $0xffff, v0;
	s0 =	sadd.s32 s4, s0  }
0xa5: {  	[hbm4b:s0+s5] =	stream.linear.scatter [tilespmem:s12], [sflag:$0x5], $0x4000, $0x38;
	[tilespmem:$0x18000] =	vst v63  }
0xa6: {  	s0 =	simm.s32 @!p0 $0x8  }
0xa7: {  	s28 =	sor.u32 $0x3, s29;
	_ =	swait.ge @!p0 [sflag:s0], $0x4000  }
0xa8: {  	s30 =	sshll.u32 s28, $0x7;
	[sflag:s0] =	ssyncset.done @!p0 $0x0  }
0xa9: {  	[sflag:s0] =	ssyncadd.s32 @!p0 $0xFFFFC000;
	s0 =	sand.u32 $0x3FFFFF80, s30  }
0xaa: {  	[tilespmem:s16], [sflag:$0x4] =	stream.indirect.gather [hbm4b:s1+s11], $0x80, s0, s11, $0xb8;
	[tilespmem:$0x18000] =	vst v63  }
0xab: {  	_ =	swait.ge [sflag:s17], $0x4000  }
0xac: {  	[sflag:s17] =	ssyncset.done $0x0  }
0xad: {  	s30 =	simm.s32 $0x0;
	[sflag:s17] =	ssyncadd.s32 $0xFFFFC000  }
0xae: {  	v0 =	vld [tilespmem:s30+$0x141F0]  }
0xaf: {  	v1 =	vld [tilespmem:s30+$0x14000]  }
0xb0: {  	v2 =	vld [tilespmem:s30+$0x14010]  }
0xb1: {  	v3 =	vld [tilespmem:s30+$0x14020]  }
0xb2: {  	v4 =	vld [tilespmem:s30+$0x14030]  }
0xb3: {  	v5 =	vld [tilespmem:s30+$0x14040]  }
0xb4: {  	v6 =	vld [tilespmem:s30+$0x14050]  }
0xb5: {  	v7 =	vld [tilespmem:s30+$0x14060]  }
0xb6: {  	v8 =	vld [tilespmem:s30+$0x14070]  }
0xb7: {  	v9 =	vld [tilespmem:s30+$0x14080]  }
0xb8: {  	v10 =	vld [tilespmem:s30+$0x14090]  }
0xb9: {  	v11 =	vld [tilespmem:s30+$0x140A0]  }
0xba: {  	v12 =	vld [tilespmem:s30+$0x140B0]  }
0xbb: {  	v13 =	vld [tilespmem:s30+$0x140C0]  }
0xbc: {  	v14 =	vld [tilespmem:s30+$0x140D0]  }
0xbd: {  	v15 =	vld [tilespmem:s30+$0x140E0]  }
0xbe: {  	v16 =	vld [tilespmem:s30+$0x140F0]  }
0xbf: {  	v17 =	vld [tilespmem:s30+$0x14100]  }
0xc0: {  	v18 =	vld [tilespmem:s30+$0x14110]  }
0xc1: {  	v19 =	vld [tilespmem:s30+$0x14120]  }
0xc2: {  	v20 =	vld [tilespmem:s30+$0x14130]  }
0xc3: {  	v21 =	vld [tilespmem:s30+$0x14140]  }
0xc4: {  	v22 =	vld [tilespmem:s30+$0x14150]  }
0xc5: {  	v23 =	vld [tilespmem:s30+$0x14160]  }
0xc6: {  	v24 =	vld [tilespmem:s30+$0x14170]  }
0xc7: {  	v25 =	vld [tilespmem:s30+$0x14180]  }
0xc8: {  	v26 =	vld [tilespmem:s30+$0x14190]  }
0xc9: {  	v27 =	vld [tilespmem:s30+$0x141A0]  }
0xca: {  	v28 =	vld [tilespmem:s30+$0x141B0]  }
0xcb: {  	v29 =	vld [tilespmem:s30+$0x141C0]  }
0xcc: {  	v30 =	vld [tilespmem:s30+$0x141D0]  }
0xcd: {  	[tilespmem:s30+$0x81F0] =	vst.add.f32.msk $0xffff, v0  }
0xce: {  	v0 =	vld [tilespmem:s30+$0x141E0]  }
0xcf: {  	[tilespmem:s30+$0x8000] =	vst.add.f32.msk $0xffff, v1  }
0xd0: {  	[tilespmem:s30+$0x8010] =	vst.add.f32.msk $0xffff, v2  }
0xd1: {  	[tilespmem:s30+$0x8020] =	vst.add.f32.msk $0xffff, v3  }
0xd2: {  	[tilespmem:s30+$0x8030] =	vst.add.f32.msk $0xffff, v4  }
0xd3: {  	[tilespmem:s30+$0x8040] =	vst.add.f32.msk $0xffff, v5  }
0xd4: {  	[tilespmem:s30+$0x8050] =	vst.add.f32.msk $0xffff, v6  }
0xd5: {  	[tilespmem:s30+$0x8060] =	vst.add.f32.msk $0xffff, v7  }
0xd6: {  	[tilespmem:s30+$0x8070] =	vst.add.f32.msk $0xffff, v8  }
0xd7: {  	[tilespmem:s30+$0x8080] =	vst.add.f32.msk $0xffff, v9  }
0xd8: {  	[tilespmem:s30+$0x8090] =	vst.add.f32.msk $0xffff, v10  }
0xd9: {  	[tilespmem:s30+$0x80A0] =	vst.add.f32.msk $0xffff, v11  }
0xda: {  	[tilespmem:s30+$0x80B0] =	vst.add.f32.msk $0xffff, v12  }
0xdb: {  	[tilespmem:s30+$0x80C0] =	vst.add.f32.msk $0xffff, v13  }
0xdc: {  	[tilespmem:s30+$0x80D0] =	vst.add.f32.msk $0xffff, v14  }
0xdd: {  	[tilespmem:s30+$0x80E0] =	vst.add.f32.msk $0xffff, v15  }
0xde: {  	[tilespmem:s30+$0x80F0] =	vst.add.f32.msk $0xffff, v16  }
0xdf: {  	[tilespmem:s30+$0x8100] =	vst.add.f32.msk $0xffff, v17  }
0xe0: {  	[tilespmem:s30+$0x8110] =	vst.add.f32.msk $0xffff, v18  }
0xe1: {  	[tilespmem:s30+$0x8120] =	vst.add.f32.msk $0xffff, v19  }
0xe2: {  	[tilespmem:s30+$0x8130] =	vst.add.f32.msk $0xffff, v20  }
0xe3: {  	[tilespmem:s30+$0x8140] =	vst.add.f32.msk $0xffff, v21  }
0xe4: {  	[tilespmem:s30+$0x8150] =	vst.add.f32.msk $0xffff, v22  }
0xe5: {  	[tilespmem:s30+$0x8160] =	vst.add.f32.msk $0xffff, v23  }
0xe6: {  	[tilespmem:s30+$0x8170] =	vst.add.f32.msk $0xffff, v24  }
0xe7: {  	[tilespmem:s30+$0x8180] =	vst.add.f32.msk $0xffff, v25  }
0xe8: {  	[tilespmem:s30+$0x8190] =	vst.add.f32.msk $0xffff, v26  }
0xe9: {  	[tilespmem:s30+$0x81A0] =	vst.add.f32.msk $0xffff, v27  }
0xea: {  	[tilespmem:s30+$0x81B0] =	vst.add.f32.msk $0xffff, v28  }
0xeb: {  	[tilespmem:s30+$0x81C0] =	vst.add.f32.msk $0xffff, v29  }
0xec: {  	s29 =	sor.u32 $0x1, s29;
	s31 =	simm.s32 $0x0;
	s0 =	simm.s32 $0x800;
	[tilespmem:s30+$0x81D0] =	vst.add.f32.msk $0xffff, v30  }
.LBB2_5:
0xed: {  	s31 =	sadd.s32 $0x4, s31;
	[tilespmem:s30+$0x81E0] =	vst.add.f32.msk $0xffff, v0;
	s30 =	sshra.s32 s0, $0x2  }
0xee: {  	v0 =	vld [tilespmem:s30+$0x141F0];
	p0 =	slt.u32 s31, $0x7C  }
0xef: {  	v1 =	vld [tilespmem:s30+$0x14000]  }
0xf0: {  	v2 =	vld [tilespmem:s30+$0x14010]  }
0xf1: {  	v3 =	vld [tilespmem:s30+$0x14020]  }
0xf2: {  	v4 =	vld [tilespmem:s30+$0x14030]  }
0xf3: {  	[tilespmem:s30+$0x81F0] =	vst.add.f32.msk $0xffff, v0  }
0xf4: {  	v5 =	vld [tilespmem:s30+$0x14040]  }
0xf5: {  	v6 =	vld [tilespmem:s30+$0x14050]  }
0xf6: {  	v7 =	vld [tilespmem:s30+$0x14060]  }
0xf7: {  	v8 =	vld [tilespmem:s30+$0x14070]  }
0xf8: {  	v9 =	vld [tilespmem:s30+$0x14080]  }
0xf9: {  	v10 =	vld [tilespmem:s30+$0x14090]  }
0xfa: {  	v11 =	vld [tilespmem:s30+$0x140A0]  }
0xfb: {  	v12 =	vld [tilespmem:s30+$0x140B0]  }
0xfc: {  	v13 =	vld [tilespmem:s30+$0x140C0]  }
0xfd: {  	v14 =	vld [tilespmem:s30+$0x140D0]  }
0xfe: {  	v15 =	vld [tilespmem:s30+$0x140E0]  }
0xff: {  	v16 =	vld [tilespmem:s30+$0x140F0]  }
0x100: {  	v17 =	vld [tilespmem:s30+$0x14100]  }
0x101: {  	v18 =	vld [tilespmem:s30+$0x14110]  }
0x102: {  	v19 =	vld [tilespmem:s30+$0x14120]  }
0x103: {  	v20 =	vld [tilespmem:s30+$0x14130]  }
0x104: {  	v21 =	vld [tilespmem:s30+$0x14140]  }
0x105: {  	v22 =	vld [tilespmem:s30+$0x14150]  }
0x106: {  	v23 =	vld [tilespmem:s30+$0x14160]  }
0x107: {  	v24 =	vld [tilespmem:s30+$0x14170]  }
0x108: {  	v25 =	vld [tilespmem:s30+$0x14180]  }
0x109: {  	v26 =	vld [tilespmem:s30+$0x14190]  }
0x10a: {  	v27 =	vld [tilespmem:s30+$0x141A0]  }
0x10b: {  	v28 =	vld [tilespmem:s30+$0x141B0]  }
0x10c: {  	v29 =	vld [tilespmem:s30+$0x141C0]  }
0x10d: {  	v30 =	vld [tilespmem:s30+$0x141D0]  }
0x10e: {  	v0 =	vld [tilespmem:s30+$0x141E0]  }
0x10f: {  	[tilespmem:s30+$0x8000] =	vst.add.f32.msk $0xffff, v1  }
0x110: {  	[tilespmem:s30+$0x8010] =	vst.add.f32.msk $0xffff, v2  }
0x111: {  	[tilespmem:s30+$0x8020] =	vst.add.f32.msk $0xffff, v3  }
0x112: {  	[tilespmem:s30+$0x8030] =	vst.add.f32.msk $0xffff, v4  }
0x113: {  	[tilespmem:s30+$0x8040] =	vst.add.f32.msk $0xffff, v5  }
0x114: {  	[tilespmem:s30+$0x8050] =	vst.add.f32.msk $0xffff, v6  }
0x115: {  	[tilespmem:s30+$0x8060] =	vst.add.f32.msk $0xffff, v7  }
0x116: {  	[tilespmem:s30+$0x8070] =	vst.add.f32.msk $0xffff, v8  }
0x117: {  	[tilespmem:s30+$0x8080] =	vst.add.f32.msk $0xffff, v9  }
0x118: {  	[tilespmem:s30+$0x8090] =	vst.add.f32.msk $0xffff, v10  }
0x119: {  	[tilespmem:s30+$0x80A0] =	vst.add.f32.msk $0xffff, v11  }
0x11a: {  	[tilespmem:s30+$0x80B0] =	vst.add.f32.msk $0xffff, v12  }
0x11b: {  	[tilespmem:s30+$0x80C0] =	vst.add.f32.msk $0xffff, v13  }
0x11c: {  	[tilespmem:s30+$0x80D0] =	vst.add.f32.msk $0xffff, v14  }
0x11d: {  	[tilespmem:s30+$0x80E0] =	vst.add.f32.msk $0xffff, v15  }
0x11e: {  	[tilespmem:s30+$0x80F0] =	vst.add.f32.msk $0xffff, v16  }
0x11f: {  	[tilespmem:s30+$0x8100] =	vst.add.f32.msk $0xffff, v17  }
0x120: {  	[tilespmem:s30+$0x8110] =	vst.add.f32.msk $0xffff, v18  }
0x121: {  	[tilespmem:s30+$0x8120] =	vst.add.f32.msk $0xffff, v19  }
0x122: {  	[tilespmem:s30+$0x8130] =	vst.add.f32.msk $0xffff, v20  }
0x123: {  	[tilespmem:s30+$0x8140] =	vst.add.f32.msk $0xffff, v21  }
0x124: {  	[tilespmem:s30+$0x8150] =	vst.add.f32.msk $0xffff, v22  }
0x125: {  	[tilespmem:s30+$0x8160] =	vst.add.f32.msk $0xffff, v23  }
0x126: {  	[tilespmem:s30+$0x8170] =	vst.add.f32.msk $0xffff, v24  }
0x127: {  	[tilespmem:s30+$0x8180] =	vst.add.f32.msk $0xffff, v25  }
.Ltmp1:
0x128: {  	[tilespmem:s30+$0x8190] =	vst.add.f32.msk $0xffff, v26;
	(pc) =	sbr.rel @p0 .LBB2_5-.Ltmp1, $4  }
0x129: {  	[tilespmem:s30+$0x81A0] =	vst.add.f32.msk $0xffff, v27  }
0x12a: {  	[tilespmem:s30+$0x81B0] =	vst.add.f32.msk $0xffff, v28  }
0x12b: {  	[tilespmem:s30+$0x81C0] =	vst.add.f32.msk $0xffff, v29  }
0x12c: {  	s0 =	sadd.s32 $0x800, s0;
	[tilespmem:s30+$0x81D0] =	vst.add.f32.msk $0xffff, v30  }
0x12d: {  	s0 =	sadd.s32 s6, s29  }
0x12e: {  	s0 =	sshll.u32 s0, $0xB  }
0x12f: {  	[tilespmem:s30+$0x81E0] =	vst.add.f32.msk $0xffff, v0;
	p0 =	seq.s32 s25, $0x1F;
	s0 =	sadd.s32 s4, s0  }
0x130: {  	[hbm4b:s0+s5] =	stream.linear.scatter [tilespmem:s13], [sflag:$0x6], $0x4000, $0x38;
	[tilespmem:$0x18000] =	vst v63  }
0x131: {  	s0 =	simm.s32 @!p0 $0x5  }
0x132: {  	s29 =	sshll.u32 @!p0 s25, $0x9;
	_ =	swait.ge @!p0 [sflag:s0], $0x4000  }
0x133: {  	s30 =	simm.s32 @!p0 $0x80;
	s29 =	sand.u32 @!p0 $0x3FFFFE00, s29;
	[sflag:s0] =	ssyncset.done @!p0 $0x0  }
0x134: {  	s31 =	simm.s32 @!p0 $0x4000;
	[sflag:s0] =	ssyncadd.s32 @!p0 $0xFFFFC000;
	s0 =	sadd.s32 @!p0 $0x200, s29  }
0x135: {  	[tilespmem:s31], [sflag:$0x1] =	stream.indirect.gather @!p0 [hbm4b:s1+s30], $0x80, s0, s30, $0xb8;
	[tilespmem:$0x18000] =	vst v63  }
0x136: {  	_ =	swait.ge [sflag:s18], $0x4000  }
0x137: {  	[sflag:s18] =	ssyncset.done $0x0  }
0x138: {  	s30 =	simm.s32 $0x0;
	[sflag:s18] =	ssyncadd.s32 $0xFFFFC000  }
0x139: {  	v0 =	vld [tilespmem:s30+$0x141F0]  }
0x13a: {  	v1 =	vld [tilespmem:s30+$0x14000]  }
0x13b: {  	v2 =	vld [tilespmem:s30+$0x14010]  }
0x13c: {  	v3 =	vld [tilespmem:s30+$0x14020]  }
0x13d: {  	v4 =	vld [tilespmem:s30+$0x14030]  }
0x13e: {  	v5 =	vld [tilespmem:s30+$0x14040]  }
0x13f: {  	v6 =	vld [tilespmem:s30+$0x14050]  }
0x140: {  	v7 =	vld [tilespmem:s30+$0x14060]  }
0x141: {  	v8 =	vld [tilespmem:s30+$0x14070]  }
0x142: {  	v9 =	vld [tilespmem:s30+$0x14080]  }
0x143: {  	v10 =	vld [tilespmem:s30+$0x14090]  }
0x144: {  	v11 =	vld [tilespmem:s30+$0x140A0]  }
0x145: {  	v12 =	vld [tilespmem:s30+$0x140B0]  }
0x146: {  	v13 =	vld [tilespmem:s30+$0x140C0]  }
0x147: {  	v14 =	vld [tilespmem:s30+$0x140D0]  }
0x148: {  	v15 =	vld [tilespmem:s30+$0x140E0]  }
0x149: {  	v16 =	vld [tilespmem:s30+$0x140F0]  }
0x14a: {  	v17 =	vld [tilespmem:s30+$0x14100]  }
0x14b: {  	v18 =	vld [tilespmem:s30+$0x14110]  }
0x14c: {  	v19 =	vld [tilespmem:s30+$0x14120]  }
0x14d: {  	v20 =	vld [tilespmem:s30+$0x14130]  }
0x14e: {  	v21 =	vld [tilespmem:s30+$0x14140]  }
0x14f: {  	v22 =	vld [tilespmem:s30+$0x14150]  }
0x150: {  	v23 =	vld [tilespmem:s30+$0x14160]  }
0x151: {  	v24 =	vld [tilespmem:s30+$0x14170]  }
0x152: {  	v25 =	vld [tilespmem:s30+$0x14180]  }
0x153: {  	v26 =	vld [tilespmem:s30+$0x14190]  }
0x154: {  	v27 =	vld [tilespmem:s30+$0x141A0]  }
0x155: {  	v28 =	vld [tilespmem:s30+$0x141B0]  }
0x156: {  	v29 =	vld [tilespmem:s30+$0x141C0]  }
0x157: {  	v30 =	vld [tilespmem:s30+$0x141D0]  }
0x158: {  	[tilespmem:s30+$0xC1F0] =	vst.add.f32.msk $0xffff, v0  }
0x159: {  	v0 =	vld [tilespmem:s30+$0x141E0]  }
0x15a: {  	[tilespmem:s30+$0xC000] =	vst.add.f32.msk $0xffff, v1  }
0x15b: {  	[tilespmem:s30+$0xC010] =	vst.add.f32.msk $0xffff, v2  }
0x15c: {  	[tilespmem:s30+$0xC020] =	vst.add.f32.msk $0xffff, v3  }
0x15d: {  	[tilespmem:s30+$0xC030] =	vst.add.f32.msk $0xffff, v4  }
0x15e: {  	[tilespmem:s30+$0xC040] =	vst.add.f32.msk $0xffff, v5  }
0x15f: {  	[tilespmem:s30+$0xC050] =	vst.add.f32.msk $0xffff, v6  }
0x160: {  	[tilespmem:s30+$0xC060] =	vst.add.f32.msk $0xffff, v7  }
0x161: {  	[tilespmem:s30+$0xC070] =	vst.add.f32.msk $0xffff, v8  }
0x162: {  	[tilespmem:s30+$0xC080] =	vst.add.f32.msk $0xffff, v9  }
0x163: {  	[tilespmem:s30+$0xC090] =	vst.add.f32.msk $0xffff, v10  }
0x164: {  	[tilespmem:s30+$0xC0A0] =	vst.add.f32.msk $0xffff, v11  }
0x165: {  	[tilespmem:s30+$0xC0B0] =	vst.add.f32.msk $0xffff, v12  }
0x166: {  	[tilespmem:s30+$0xC0C0] =	vst.add.f32.msk $0xffff, v13  }
0x167: {  	[tilespmem:s30+$0xC0D0] =	vst.add.f32.msk $0xffff, v14  }
0x168: {  	[tilespmem:s30+$0xC0E0] =	vst.add.f32.msk $0xffff, v15  }
0x169: {  	[tilespmem:s30+$0xC0F0] =	vst.add.f32.msk $0xffff, v16  }
0x16a: {  	[tilespmem:s30+$0xC100] =	vst.add.f32.msk $0xffff, v17  }
0x16b: {  	[tilespmem:s30+$0xC110] =	vst.add.f32.msk $0xffff, v18  }
0x16c: {  	[tilespmem:s30+$0xC120] =	vst.add.f32.msk $0xffff, v19  }
0x16d: {  	[tilespmem:s30+$0xC130] =	vst.add.f32.msk $0xffff, v20  }
0x16e: {  	[tilespmem:s30+$0xC140] =	vst.add.f32.msk $0xffff, v21  }
0x16f: {  	[tilespmem:s30+$0xC150] =	vst.add.f32.msk $0xffff, v22  }
0x170: {  	[tilespmem:s30+$0xC160] =	vst.add.f32.msk $0xffff, v23  }
0x171: {  	[tilespmem:s30+$0xC170] =	vst.add.f32.msk $0xffff, v24  }
0x172: {  	[tilespmem:s30+$0xC180] =	vst.add.f32.msk $0xffff, v25  }
0x173: {  	[tilespmem:s30+$0xC190] =	vst.add.f32.msk $0xffff, v26  }
0x174: {  	[tilespmem:s30+$0xC1A0] =	vst.add.f32.msk $0xffff, v27  }
0x175: {  	[tilespmem:s30+$0xC1B0] =	vst.add.f32.msk $0xffff, v28  }
0x176: {  	[tilespmem:s30+$0xC1C0] =	vst.add.f32.msk $0xffff, v29  }
0x177: {  	s31 =	simm.s32 $0x0;
	s0 =	simm.s32 $0x800;
	[tilespmem:s30+$0xC1D0] =	vst.add.f32.msk $0xffff, v30  }
.LBB2_7:
0x178: {  	s31 =	sadd.s32 $0x4, s31;
	[tilespmem:s30+$0xC1E0] =	vst.add.f32.msk $0xffff, v0;
	s30 =	sshra.s32 s0, $0x2  }
0x179: {  	v0 =	vld [tilespmem:s30+$0x141F0];
	p1 =	slt.u32 s31, $0x7C  }
0x17a: {  	v1 =	vld [tilespmem:s30+$0x14000]  }
0x17b: {  	v2 =	vld [tilespmem:s30+$0x14010]  }
0x17c: {  	v3 =	vld [tilespmem:s30+$0x14020]  }
0x17d: {  	v4 =	vld [tilespmem:s30+$0x14030]  }
0x17e: {  	[tilespmem:s30+$0xC1F0] =	vst.add.f32.msk $0xffff, v0  }
0x17f: {  	v5 =	vld [tilespmem:s30+$0x14040]  }
0x180: {  	v6 =	vld [tilespmem:s30+$0x14050]  }
0x181: {  	v7 =	vld [tilespmem:s30+$0x14060]  }
0x182: {  	v8 =	vld [tilespmem:s30+$0x14070]  }
0x183: {  	v9 =	vld [tilespmem:s30+$0x14080]  }
0x184: {  	v10 =	vld [tilespmem:s30+$0x14090]  }
0x185: {  	v11 =	vld [tilespmem:s30+$0x140A0]  }
0x186: {  	v12 =	vld [tilespmem:s30+$0x140B0]  }
0x187: {  	v13 =	vld [tilespmem:s30+$0x140C0]  }
0x188: {  	v14 =	vld [tilespmem:s30+$0x140D0]  }
0x189: {  	v15 =	vld [tilespmem:s30+$0x140E0]  }
0x18a: {  	v16 =	vld [tilespmem:s30+$0x140F0]  }
0x18b: {  	v17 =	vld [tilespmem:s30+$0x14100]  }
0x18c: {  	v18 =	vld [tilespmem:s30+$0x14110]  }
0x18d: {  	v19 =	vld [tilespmem:s30+$0x14120]  }
0x18e: {  	v20 =	vld [tilespmem:s30+$0x14130]  }
0x18f: {  	v21 =	vld [tilespmem:s30+$0x14140]  }
0x190: {  	v22 =	vld [tilespmem:s30+$0x14150]  }
0x191: {  	v23 =	vld [tilespmem:s30+$0x14160]  }
0x192: {  	v24 =	vld [tilespmem:s30+$0x14170]  }
0x193: {  	v25 =	vld [tilespmem:s30+$0x14180]  }
0x194: {  	v26 =	vld [tilespmem:s30+$0x14190]  }
0x195: {  	v27 =	vld [tilespmem:s30+$0x141A0]  }
0x196: {  	v28 =	vld [tilespmem:s30+$0x141B0]  }
0x197: {  	v29 =	vld [tilespmem:s30+$0x141C0]  }
0x198: {  	v30 =	vld [tilespmem:s30+$0x141D0]  }
0x199: {  	v0 =	vld [tilespmem:s30+$0x141E0]  }
0x19a: {  	[tilespmem:s30+$0xC000] =	vst.add.f32.msk $0xffff, v1  }
0x19b: {  	[tilespmem:s30+$0xC010] =	vst.add.f32.msk $0xffff, v2  }
0x19c: {  	[tilespmem:s30+$0xC020] =	vst.add.f32.msk $0xffff, v3  }
0x19d: {  	[tilespmem:s30+$0xC030] =	vst.add.f32.msk $0xffff, v4  }
0x19e: {  	[tilespmem:s30+$0xC040] =	vst.add.f32.msk $0xffff, v5  }
0x19f: {  	[tilespmem:s30+$0xC050] =	vst.add.f32.msk $0xffff, v6  }
0x1a0: {  	[tilespmem:s30+$0xC060] =	vst.add.f32.msk $0xffff, v7  }
0x1a1: {  	[tilespmem:s30+$0xC070] =	vst.add.f32.msk $0xffff, v8  }
0x1a2: {  	[tilespmem:s30+$0xC080] =	vst.add.f32.msk $0xffff, v9  }
0x1a3: {  	[tilespmem:s30+$0xC090] =	vst.add.f32.msk $0xffff, v10  }
0x1a4: {  	[tilespmem:s30+$0xC0A0] =	vst.add.f32.msk $0xffff, v11  }
0x1a5: {  	[tilespmem:s30+$0xC0B0] =	vst.add.f32.msk $0xffff, v12  }
0x1a6: {  	[tilespmem:s30+$0xC0C0] =	vst.add.f32.msk $0xffff, v13  }
0x1a7: {  	[tilespmem:s30+$0xC0D0] =	vst.add.f32.msk $0xffff, v14  }
0x1a8: {  	[tilespmem:s30+$0xC0E0] =	vst.add.f32.msk $0xffff, v15  }
0x1a9: {  	[tilespmem:s30+$0xC0F0] =	vst.add.f32.msk $0xffff, v16  }
0x1aa: {  	[tilespmem:s30+$0xC100] =	vst.add.f32.msk $0xffff, v17  }
0x1ab: {  	[tilespmem:s30+$0xC110] =	vst.add.f32.msk $0xffff, v18  }
0x1ac: {  	[tilespmem:s30+$0xC120] =	vst.add.f32.msk $0xffff, v19  }
0x1ad: {  	[tilespmem:s30+$0xC130] =	vst.add.f32.msk $0xffff, v20  }
0x1ae: {  	[tilespmem:s30+$0xC140] =	vst.add.f32.msk $0xffff, v21  }
0x1af: {  	[tilespmem:s30+$0xC150] =	vst.add.f32.msk $0xffff, v22  }
0x1b0: {  	[tilespmem:s30+$0xC160] =	vst.add.f32.msk $0xffff, v23  }
0x1b1: {  	[tilespmem:s30+$0xC170] =	vst.add.f32.msk $0xffff, v24  }
0x1b2: {  	[tilespmem:s30+$0xC180] =	vst.add.f32.msk $0xffff, v25  }
.Ltmp2:
0x1b3: {  	[tilespmem:s30+$0xC190] =	vst.add.f32.msk $0xffff, v26;
	(pc) =	sbr.rel @p1 .LBB2_7-.Ltmp2, $4  }
0x1b4: {  	[tilespmem:s30+$0xC1A0] =	vst.add.f32.msk $0xffff, v27  }
0x1b5: {  	[tilespmem:s30+$0xC1B0] =	vst.add.f32.msk $0xffff, v28  }
0x1b6: {  	[tilespmem:s30+$0xC1C0] =	vst.add.f32.msk $0xffff, v29  }
0x1b7: {  	s0 =	sadd.s32 $0x800, s0;
	[tilespmem:s30+$0xC1D0] =	vst.add.f32.msk $0xffff, v30  }
0x1b8: {  	s0 =	sadd.s32 s6, s26  }
0x1b9: {  	s0 =	sshll.u32 s0, $0xB  }
0x1ba: {  	[tilespmem:s30+$0xC1E0] =	vst.add.f32.msk $0xffff, v0;
	s0 =	sadd.s32 s4, s0  }
0x1bb: {  	[hbm4b:s0+s5] =	stream.linear.scatter [tilespmem:s14], [sflag:$0x7], $0x4000, $0x38;
	[tilespmem:$0x18000] =	vst v63  }
0x1bc: {  	s0 =	simm.s32 @!p0 $0x6  }
0x1bd: {  	_ =	swait.ge @!p0 [sflag:s0], $0x4000  }
0x1be: {  	s26 =	simm.s32 @!p0 $0x80;
	[sflag:s0] =	ssyncset.done @!p0 $0x0  }
0x1bf: {  	[sflag:s0] =	ssyncadd.s32 @!p0 $0xFFFFC000;
	s0 =	sadd.s32 @!p0 $0x280, s29;
	s29 =	simm.s32 @!p0 $0x8000  }
0x1c0: {  	[tilespmem:s29], [sflag:$0x2] =	stream.indirect.gather @!p0 [hbm4b:s1+s26], $0x80, s0, s26, $0xb8;
	[tilespmem:$0x18000] =	vst v63  }
0x1c1: {  	_ =	swait.ge [sflag:s19], $0x4000  }
0x1c2: {  	[sflag:s19] =	ssyncset.done $0x0  }
0x1c3: {  	s26 =	simm.s32 $0x0;
	[sflag:s19] =	ssyncadd.s32 $0xFFFFC000  }
0x1c4: {  	v0 =	vld [tilespmem:s26+$0x141F0]  }
0x1c5: {  	v1 =	vld [tilespmem:s26+$0x14000]  }
0x1c6: {  	v2 =	vld [tilespmem:s26+$0x14010]  }
0x1c7: {  	v3 =	vld [tilespmem:s26+$0x14020]  }
0x1c8: {  	v4 =	vld [tilespmem:s26+$0x14030]  }
0x1c9: {  	v5 =	vld [tilespmem:s26+$0x14040]  }
0x1ca: {  	v6 =	vld [tilespmem:s26+$0x14050]  }
0x1cb: {  	v7 =	vld [tilespmem:s26+$0x14060]  }
0x1cc: {  	v8 =	vld [tilespmem:s26+$0x14070]  }
0x1cd: {  	v9 =	vld [tilespmem:s26+$0x14080]  }
0x1ce: {  	v10 =	vld [tilespmem:s26+$0x14090]  }
0x1cf: {  	v11 =	vld [tilespmem:s26+$0x140A0]  }
0x1d0: {  	v12 =	vld [tilespmem:s26+$0x140B0]  }
0x1d1: {  	v13 =	vld [tilespmem:s26+$0x140C0]  }
0x1d2: {  	v14 =	vld [tilespmem:s26+$0x140D0]  }
0x1d3: {  	v15 =	vld [tilespmem:s26+$0x140E0]  }
0x1d4: {  	v16 =	vld [tilespmem:s26+$0x140F0]  }
0x1d5: {  	v17 =	vld [tilespmem:s26+$0x14100]  }
0x1d6: {  	v18 =	vld [tilespmem:s26+$0x14110]  }
0x1d7: {  	v19 =	vld [tilespmem:s26+$0x14120]  }
0x1d8: {  	v20 =	vld [tilespmem:s26+$0x14130]  }
0x1d9: {  	v21 =	vld [tilespmem:s26+$0x14140]  }
0x1da: {  	v22 =	vld [tilespmem:s26+$0x14150]  }
0x1db: {  	v23 =	vld [tilespmem:s26+$0x14160]  }
0x1dc: {  	v24 =	vld [tilespmem:s26+$0x14170]  }
0x1dd: {  	v25 =	vld [tilespmem:s26+$0x14180]  }
0x1de: {  	v26 =	vld [tilespmem:s26+$0x14190]  }
0x1df: {  	v27 =	vld [tilespmem:s26+$0x141A0]  }
0x1e0: {  	v28 =	vld [tilespmem:s26+$0x141B0]  }
0x1e1: {  	v29 =	vld [tilespmem:s26+$0x141C0]  }
0x1e2: {  	v30 =	vld [tilespmem:s26+$0x141D0]  }
0x1e3: {  	[tilespmem:s26+$0x101F0] =	vst.add.f32.msk $0xffff, v0  }
0x1e4: {  	v0 =	vld [tilespmem:s26+$0x141E0]  }
0x1e5: {  	[tilespmem:s26+$0x10000] =	vst.add.f32.msk $0xffff, v1  }
0x1e6: {  	[tilespmem:s26+$0x10010] =	vst.add.f32.msk $0xffff, v2  }
0x1e7: {  	[tilespmem:s26+$0x10020] =	vst.add.f32.msk $0xffff, v3  }
0x1e8: {  	[tilespmem:s26+$0x10030] =	vst.add.f32.msk $0xffff, v4  }
0x1e9: {  	[tilespmem:s26+$0x10040] =	vst.add.f32.msk $0xffff, v5  }
0x1ea: {  	[tilespmem:s26+$0x10050] =	vst.add.f32.msk $0xffff, v6  }
0x1eb: {  	[tilespmem:s26+$0x10060] =	vst.add.f32.msk $0xffff, v7  }
0x1ec: {  	[tilespmem:s26+$0x10070] =	vst.add.f32.msk $0xffff, v8  }
0x1ed: {  	[tilespmem:s26+$0x10080] =	vst.add.f32.msk $0xffff, v9  }
0x1ee: {  	[tilespmem:s26+$0x10090] =	vst.add.f32.msk $0xffff, v10  }
0x1ef: {  	[tilespmem:s26+$0x100A0] =	vst.add.f32.msk $0xffff, v11  }
0x1f0: {  	[tilespmem:s26+$0x100B0] =	vst.add.f32.msk $0xffff, v12  }
0x1f1: {  	[tilespmem:s26+$0x100C0] =	vst.add.f32.msk $0xffff, v13  }
0x1f2: {  	[tilespmem:s26+$0x100D0] =	vst.add.f32.msk $0xffff, v14  }
0x1f3: {  	[tilespmem:s26+$0x100E0] =	vst.add.f32.msk $0xffff, v15  }
0x1f4: {  	[tilespmem:s26+$0x100F0] =	vst.add.f32.msk $0xffff, v16  }
0x1f5: {  	[tilespmem:s26+$0x10100] =	vst.add.f32.msk $0xffff, v17  }
0x1f6: {  	[tilespmem:s26+$0x10110] =	vst.add.f32.msk $0xffff, v18  }
0x1f7: {  	[tilespmem:s26+$0x10120] =	vst.add.f32.msk $0xffff, v19  }
0x1f8: {  	[tilespmem:s26+$0x10130] =	vst.add.f32.msk $0xffff, v20  }
0x1f9: {  	[tilespmem:s26+$0x10140] =	vst.add.f32.msk $0xffff, v21  }
0x1fa: {  	[tilespmem:s26+$0x10150] =	vst.add.f32.msk $0xffff, v22  }
0x1fb: {  	[tilespmem:s26+$0x10160] =	vst.add.f32.msk $0xffff, v23  }
0x1fc: {  	[tilespmem:s26+$0x10170] =	vst.add.f32.msk $0xffff, v24  }
0x1fd: {  	[tilespmem:s26+$0x10180] =	vst.add.f32.msk $0xffff, v25  }
0x1fe: {  	[tilespmem:s26+$0x10190] =	vst.add.f32.msk $0xffff, v26  }
0x1ff: {  	[tilespmem:s26+$0x101A0] =	vst.add.f32.msk $0xffff, v27  }
0x200: {  	[tilespmem:s26+$0x101B0] =	vst.add.f32.msk $0xffff, v28  }
0x201: {  	[tilespmem:s26+$0x101C0] =	vst.add.f32.msk $0xffff, v29  }
0x202: {  	s29 =	simm.s32 $0x0;
	s0 =	simm.s32 $0x800;
	[tilespmem:s26+$0x101D0] =	vst.add.f32.msk $0xffff, v30  }
.LBB2_9:
0x203: {  	s29 =	sadd.s32 $0x4, s29;
	[tilespmem:s26+$0x101E0] =	vst.add.f32.msk $0xffff, v0;
	s26 =	sshra.s32 s0, $0x2  }
0x204: {  	v0 =	vld [tilespmem:s26+$0x141F0];
	p0 =	slt.u32 s29, $0x7C  }
0x205: {  	v1 =	vld [tilespmem:s26+$0x14000]  }
0x206: {  	v2 =	vld [tilespmem:s26+$0x14010]  }
0x207: {  	v3 =	vld [tilespmem:s26+$0x14020]  }
0x208: {  	v4 =	vld [tilespmem:s26+$0x14030]  }
0x209: {  	[tilespmem:s26+$0x101F0] =	vst.add.f32.msk $0xffff, v0  }
0x20a: {  	v5 =	vld [tilespmem:s26+$0x14040]  }
0x20b: {  	v6 =	vld [tilespmem:s26+$0x14050]  }
0x20c: {  	v7 =	vld [tilespmem:s26+$0x14060]  }
0x20d: {  	v8 =	vld [tilespmem:s26+$0x14070]  }
0x20e: {  	v9 =	vld [tilespmem:s26+$0x14080]  }
0x20f: {  	v10 =	vld [tilespmem:s26+$0x14090]  }
0x210: {  	v11 =	vld [tilespmem:s26+$0x140A0]  }
0x211: {  	v12 =	vld [tilespmem:s26+$0x140B0]  }
0x212: {  	v13 =	vld [tilespmem:s26+$0x140C0]  }
0x213: {  	v14 =	vld [tilespmem:s26+$0x140D0]  }
0x214: {  	v15 =	vld [tilespmem:s26+$0x140E0]  }
0x215: {  	v16 =	vld [tilespmem:s26+$0x140F0]  }
0x216: {  	v17 =	vld [tilespmem:s26+$0x14100]  }
0x217: {  	v18 =	vld [tilespmem:s26+$0x14110]  }
0x218: {  	v19 =	vld [tilespmem:s26+$0x14120]  }
0x219: {  	v20 =	vld [tilespmem:s26+$0x14130]  }
0x21a: {  	v21 =	vld [tilespmem:s26+$0x14140]  }
0x21b: {  	v22 =	vld [tilespmem:s26+$0x14150]  }
0x21c: {  	v23 =	vld [tilespmem:s26+$0x14160]  }
0x21d: {  	v24 =	vld [tilespmem:s26+$0x14170]  }
0x21e: {  	v25 =	vld [tilespmem:s26+$0x14180]  }
0x21f: {  	v26 =	vld [tilespmem:s26+$0x14190]  }
0x220: {  	v27 =	vld [tilespmem:s26+$0x141A0]  }
0x221: {  	v28 =	vld [tilespmem:s26+$0x141B0]  }
0x222: {  	v29 =	vld [tilespmem:s26+$0x141C0]  }
0x223: {  	v30 =	vld [tilespmem:s26+$0x141D0]  }
0x224: {  	v0 =	vld [tilespmem:s26+$0x141E0]  }
0x225: {  	[tilespmem:s26+$0x10000] =	vst.add.f32.msk $0xffff, v1  }
0x226: {  	[tilespmem:s26+$0x10010] =	vst.add.f32.msk $0xffff, v2  }
0x227: {  	[tilespmem:s26+$0x10020] =	vst.add.f32.msk $0xffff, v3  }
0x228: {  	[tilespmem:s26+$0x10030] =	vst.add.f32.msk $0xffff, v4  }
0x229: {  	[tilespmem:s26+$0x10040] =	vst.add.f32.msk $0xffff, v5  }
0x22a: {  	[tilespmem:s26+$0x10050] =	vst.add.f32.msk $0xffff, v6  }
0x22b: {  	[tilespmem:s26+$0x10060] =	vst.add.f32.msk $0xffff, v7  }
0x22c: {  	[tilespmem:s26+$0x10070] =	vst.add.f32.msk $0xffff, v8  }
0x22d: {  	[tilespmem:s26+$0x10080] =	vst.add.f32.msk $0xffff, v9  }
0x22e: {  	[tilespmem:s26+$0x10090] =	vst.add.f32.msk $0xffff, v10  }
0x22f: {  	[tilespmem:s26+$0x100A0] =	vst.add.f32.msk $0xffff, v11  }
0x230: {  	[tilespmem:s26+$0x100B0] =	vst.add.f32.msk $0xffff, v12  }
0x231: {  	[tilespmem:s26+$0x100C0] =	vst.add.f32.msk $0xffff, v13  }
0x232: {  	[tilespmem:s26+$0x100D0] =	vst.add.f32.msk $0xffff, v14  }
0x233: {  	[tilespmem:s26+$0x100E0] =	vst.add.f32.msk $0xffff, v15  }
0x234: {  	[tilespmem:s26+$0x100F0] =	vst.add.f32.msk $0xffff, v16  }
0x235: {  	[tilespmem:s26+$0x10100] =	vst.add.f32.msk $0xffff, v17  }
0x236: {  	[tilespmem:s26+$0x10110] =	vst.add.f32.msk $0xffff, v18  }
0x237: {  	[tilespmem:s26+$0x10120] =	vst.add.f32.msk $0xffff, v19  }
0x238: {  	[tilespmem:s26+$0x10130] =	vst.add.f32.msk $0xffff, v20  }
0x239: {  	[tilespmem:s26+$0x10140] =	vst.add.f32.msk $0xffff, v21  }
0x23a: {  	[tilespmem:s26+$0x10150] =	vst.add.f32.msk $0xffff, v22  }
0x23b: {  	[tilespmem:s26+$0x10160] =	vst.add.f32.msk $0xffff, v23  }
0x23c: {  	[tilespmem:s26+$0x10170] =	vst.add.f32.msk $0xffff, v24  }
0x23d: {  	[tilespmem:s26+$0x10180] =	vst.add.f32.msk $0xffff, v25  }
.Ltmp3:
0x23e: {  	[tilespmem:s26+$0x10190] =	vst.add.f32.msk $0xffff, v26;
	(pc) =	sbr.rel @p0 .LBB2_9-.Ltmp3, $4  }
0x23f: {  	[tilespmem:s26+$0x101A0] =	vst.add.f32.msk $0xffff, v27  }
0x240: {  	[tilespmem:s26+$0x101B0] =	vst.add.f32.msk $0xffff, v28  }
0x241: {  	[tilespmem:s26+$0x101C0] =	vst.add.f32.msk $0xffff, v29  }
0x242: {  	s0 =	sadd.s32 $0x800, s0;
	[tilespmem:s26+$0x101D0] =	vst.add.f32.msk $0xffff, v30  }
0x243: {  	s25 =	sadd.s32 $0x1, s25  }
0x244: {  	p0 =	sne.s32 s25, $0x20  }
.Ltmp4:
0x245: {  	_ = 	snop;
	(pc) =	sbr.rel @p0 .LBB2_2-.Ltmp4, $4  }
0x246: {  	s0 =	sadd.s32 s6, s28  }
0x247: {  	s0 =	sshll.u32 s0, $0xB  }
0x248: {  	[tilespmem:s26+$0x101E0] =	vst.add.f32.msk $0xffff, v0;
	s0 =	sadd.s32 s4, s0  }
0x249: {  	[hbm4b:s0+s5] =	stream.linear.scatter [tilespmem:s16], [sflag:$0x8], $0x4000, $0x38;
	[tilespmem:$0x18000] =	vst v63  }
0x24a: {  	_ =	swait.ge [sflag:s20], $0x4000  }
0x24b: {  	[sflag:s20] =	ssyncset.done $0x0  }
0x24c: {  	[sflag:s20] =	ssyncadd.s32 $0xFFFFC000  }
0x24d: {  	_ =	swait.ge [sflag:s21], $0x4000  }
0x24e: {  	[sflag:s21] =	ssyncset.done $0x0  }
0x24f: {  	s24 =	sadd.s32 $0x1, s24;
	[sflag:s21] =	ssyncadd.s32 $0xFFFFC000  }
0x250: {  	p0 =	sne.s32 s24, s8;
	_ =	swait.ge [sflag:s22], $0x4000  }
.Ltmp5:
0x251: {  	[sflag:s22] =	ssyncset.done $0x0;
	(pc) =	sbr.rel @p0 .LBB2_1-.Ltmp5, $4  }
0x252: {  	[sflag:s22] =	ssyncadd.s32 $0xFFFFC000  }
0x253: {  	_ =	swait.ge [sflag:s23], $0x4000  }
0x254: {  	[sflag:s23] =	ssyncset.done $0x0  }
0x255: {  	[sflag:s23] =	ssyncadd.s32 $0xFFFFC000  }
0x256: {  	_ =	sfence.sel $0x180000  }
0x257: {  	[bflag:$0x0] =	sbarrier.arrive $0xFFFF  }
0x258: {  	_ =	strace $0x90000047  }
0x259: {  	[bflag:$0x2] =	sbarrier.arrive $0xFFFF  }
0x25a: {  	p0 =	sne.s32 s3, $0x0;
	s0 =	rddreg [dreg:$0x4]  }
0x25b: {  	s0 =	sadd.s32 @!p0 $0x100000, s0  }
0x25c: {  	[sflag:s0] =	ssyncadd.tile.s32 @!p0 $0x1;
	_ =	shalt  }
.Lfunc_end2:
_tile_overlayer_lowered:
.L_overlay_start_2:
0x25d: {  	(tag) =	ssettag $0x2  }
0x25e: {  	s0 =	rddreg [dreg:$0x0];
	s2 =	stileid.u32  }
0x25f: {  	s1 =	rddreg [dreg:$0x1];
	p0 =	sne.s32 s2, $0x0  }
0x260: {  	s3 =	rddreg [dreg:$0x2];
	[bflag:$0x3] =	sbarrier.arrive $0xFFFF;
	s2 =	simm.s32 @!p0 $0x1C09  }
0x261: {  	[timem:s3], [sflag:s2] =	dma.local @!p0 [hbm:s0], s1  }
0x262: {  	s0 =	simm.s32 @!p0 $0x9  }
0x263: {  	_ =	swait.ge @!p0 [sflag:s0], s1  }
0x264: {  	s1 =	ssub.s32 @!p0 $0x0, s1;
	[sflag:s0] =	ssyncset.done @!p0 $0x0  }
0x265: {  	[sflag:s0] =	ssyncadd.s32 @!p0 s1  }
0x266: {  	[bflag:$0x3] =	sbarrier.arrive $0xFFFF  }
0x267: {  	_ =	shalt  }

</sc_bundles>
